<compile_context>
chip_gen: v7x
topology: tpu7x:2x2x1
jax: 0.10.2.dev20260603
libtpu: 0.0.44.dev20260713+nightly
codegen_flags: <defaults>
</compile_context>

<pallas_src>
import functools

import jax
import jax.numpy as jnp
from jax import lax
from jax.experimental import pallas as pl
from jax.experimental.pallas import tpu as pltpu
from jax.experimental.pallas import tpu_sc as plsc

N = 8192
D = 1024
E = 8
LANES = 128
BN = 512
T = 256
NT = N // T + E
PADDED_N = NT * T

NW = 32
RPW = N // NW
C = 32
DP = D // 2

f32 = jnp.float32
i32 = jnp.int32


def _route_body(x_ref, wg_ref, bg_ref, slot_ref, te_ref, nxe_ref, par_ref,
                xp_ref, idx_s, rank_s, cnt_s):
    p = pl.program_id(0)
    i = pl.program_id(1)

    @pl.when(p == 0)
    def _phase0():
        logits = lax.dot_general(x_ref[...], wg_ref[...],
                                 (((1,), (1,)), ((), ())),
                                 preferred_element_type=f32) + bg_ref[...]
        m = jnp.max(logits, axis=1, keepdims=True)
        lane = lax.broadcasted_iota(i32, logits.shape, 1)
        idxv = jnp.min(jnp.where(logits == m, lane, E), axis=1, keepdims=True)
        oh = (lane == idxv).astype(f32)
        r = lax.broadcasted_iota(i32, (BN, BN), 0)
        c = lax.broadcasted_iota(i32, (BN, BN), 1)
        ltri = (r > c).astype(f32)
        csum = jnp.dot(ltri, oh, preferred_element_type=f32)
        carry = jnp.where(i == 0, jnp.zeros((1, E), f32), cnt_s[...])
        rank = jnp.sum(oh * (csum + carry), axis=1, keepdims=True)
        idx_s[pl.ds(i * BN, BN), :] = idxv
        rank_s[pl.ds(i * BN, BN), :] = rank.astype(i32)
        cnt_s[...] = carry + jnp.sum(oh, axis=0, keepdims=True)
        xb = x_ref[...]
        bl = lax.bitcast_convert_type(
            xb[:, :DP].astype(jnp.bfloat16), jnp.uint16).astype(i32)
        bh = lax.bitcast_convert_type(
            xb[:, DP:].astype(jnp.bfloat16), jnp.uint16).astype(i32)
        xp_ref[...] = bl | (bh << 16)

    @pl.when(p == 1)
    def _phase1():
        starts, ends, pcs = [], [], []
        cum = i32(0)
        for e in range(E):
            cnt = cnt_s[0, e].astype(i32)
            padded = ((cnt + (T - 1)) // T) * T
            starts.append(cum)
            pcs.append(padded)
            cum = cum + padded
            ends.append(cum)
        idxb = idx_s[pl.ds(i * BN, BN), :]
        slot = rank_s[pl.ds(i * BN, BN), :]
        for e in range(E):
            slot = slot + jnp.where(idxb == e, starts[e], 0)
        slot_ref[...] = slot.reshape(BN)

        @pl.when(i == 0)
        def _():
            t = lax.broadcasted_iota(i32, (1, LANES), 1) * T
            acc = jnp.zeros((1, LANES), i32)
            lp = i32(0)
            for e in range(E):
                acc = acc + (t >= ends[e]).astype(i32)
                lp = jnp.where(pcs[e] > 0, e, lp)
            te = jnp.minimum(acc, lp)
            te_ref[...] = te
            nxe = te
            for e in reversed(range(E)):
                nxe = jnp.where((pcs[e] > 0) & (e > te), e, nxe)
            nxe_ref[...] = nxe
            gidx = jnp.zeros((1, LANES), i32)
            for e in range(E):
                gidx = gidx + jnp.where((pcs[e] > 0) & (e <= te), 1, 0)
            par_ref[...] = (gidx - 1) % 2


def _route(x, wg_p, bg_p):
    return pl.pallas_call(
        _route_body,
        grid=(2, N // BN),
        in_specs=[
            pl.BlockSpec((BN, D), lambda p, i: ((1 - p) * i, 0)),
            pl.BlockSpec((E, D), lambda p, i: (0, 0)),
            pl.BlockSpec((1, E), lambda p, i: (0, 0)),
        ],
        out_specs=[
            pl.BlockSpec((BN,), lambda p, i: (i,)),
            pl.BlockSpec((1, LANES), lambda p, i: (0, 0)),
            pl.BlockSpec((1, LANES), lambda p, i: (0, 0)),
            pl.BlockSpec((1, LANES), lambda p, i: (0, 0)),
            pl.BlockSpec((BN, DP),
                         lambda p, i: ((1 - p) * i + p * (N // BN), 0)),
        ],
        out_shape=[
            jax.ShapeDtypeStruct((N,), i32),
            jax.ShapeDtypeStruct((1, LANES), i32),
            jax.ShapeDtypeStruct((1, LANES), i32),
            jax.ShapeDtypeStruct((1, LANES), i32),
            jax.ShapeDtypeStruct((N + BN, DP), i32),
        ],
        scratch_shapes=[
            pltpu.VMEM((N, 1), i32),
            pltpu.VMEM((N, 1), i32),
            pltpu.VMEM((1, E), f32),
        ],
    )(x, wg_p, bg_p)


def _sc_mesh():
    return plsc.VectorSubcoreMesh(core_axis_name="c", subcore_axis_name="s",
                                  num_cores=2, num_subcores=16)


NBUF = 3
NCHUNK = RPW // C


def _sc_scratch(width, dtype):
    st = []
    for _ in range(NBUF):
        st += [pltpu.VMEM((C,), i32), pltpu.VMEM((C, width), dtype),
               pltpu.SemaphoreType.DMA, pltpu.SemaphoreType.DMA]
    return st


def _permute(x, slot):
    @functools.partial(
        pl.kernel,
        out_type=jax.ShapeDtypeStruct((PADDED_N, DP), i32),
        mesh=_sc_mesh(),
        scratch_types=_sc_scratch(DP, i32),
    )
    def body(x_hbm, slot_hbm, xs_hbm, *bufs):
        wid = lax.axis_index("s") * 2 + lax.axis_index("c")
        base = wid * RPW
        grp = [bufs[4 * b:4 * b + 4] for b in range(NBUF)]
        loads = [None] * NBUF
        scats = [None] * NBUF

        def load(j):
            b = j % NBUF
            idx_v, rows_v, sem_in, _ = grp[b]
            off = base + j * C
            pltpu.sync_copy(slot_hbm.at[pl.ds(off, C)], idx_v)
            loads[b] = pltpu.async_copy(x_hbm.at[pl.ds(off, C)], rows_v, sem_in)

        load(0)
        if NCHUNK > 1:
            load(1)
        for j in range(NCHUNK):
            b = j % NBUF
            idx_v, rows_v, _, sem_out = grp[b]
            loads[b].wait()
            scats[b] = pltpu.async_copy(rows_v, xs_hbm.at[idx_v], sem_out)
            nj = j + 2
            if nj < NCHUNK:
                nb = nj % NBUF
                if scats[nb] is not None:
                    scats[nb].wait()
                    scats[nb] = None
                load(nj)
        for b in range(NBUF):
            if scats[b] is not None:
                scats[b].wait()

    return body(x, slot)


def _unpermute(ys, slot):
    @functools.partial(
        pl.kernel,
        out_type=jax.ShapeDtypeStruct((N, D), f32),
        mesh=_sc_mesh(),
        scratch_types=_sc_scratch(D, f32),
    )
    def body(ys_hbm, slot_hbm, out_hbm, *bufs):
        wid = lax.axis_index("s") * 2 + lax.axis_index("c")
        base = wid * RPW
        grp = [bufs[4 * b:4 * b + 4] for b in range(NBUF)]
        gaths = [None] * NBUF
        stores = [None] * NBUF

        def gather(j):
            b = j % NBUF
            idx_v, rows_v, sem_in, _ = grp[b]
            off = base + j * C
            pltpu.sync_copy(slot_hbm.at[pl.ds(off, C)], idx_v)
            gaths[b] = pltpu.async_copy(ys_hbm.at[idx_v], rows_v, sem_in)

        gather(0)
        if NCHUNK > 1:
            gather(1)
        for j in range(NCHUNK):
            b = j % NBUF
            _, rows_v, _, sem_out = grp[b]
            gaths[b].wait()
            stores[b] = pltpu.async_copy(rows_v, out_hbm.at[pl.ds(base + j * C, C)],
                                         sem_out)
            nj = j + 2
            if nj < NCHUNK:
                nb = nj % NBUF
                if stores[nb] is not None:
                    stores[nb].wait()
                    stores[nb] = None
                gather(nj)
        for b in range(NBUF):
            if stores[b] is not None:
                stores[b].wait()

    return body(ys, slot)


def _moe_body(te_ref, nxe_ref, par_ref, x_ref, b0_ref, b1_ref, b2_ref,
              w0_hbm, w1_hbm, w2_hbm, y_ref, w0b, w1b, w2b, sems):
    i = pl.program_id(0)
    cur = te_ref[i]
    par = par_ref[i]
    nxe = nxe_ref[i]
    changed = jnp.logical_or(i == 0, te_ref[i] != te_ref[jnp.maximum(i - 1, 0)])

    @pl.when(i == 0)
    def _():
        pltpu.make_async_copy(w0_hbm.at[cur], w0b.at[0], sems.at[0]).start()
        pltpu.make_async_copy(w1_hbm.at[cur], w1b.at[0], sems.at[0]).start()
        pltpu.make_async_copy(w2_hbm.at[cur], w2b.at[0], sems.at[0]).start()

    @pl.when(changed)
    def _():
        pltpu.make_async_copy(w0_hbm.at[cur], w0b.at[par], sems.at[par]).wait()
        pltpu.make_async_copy(w1_hbm.at[cur], w1b.at[par], sems.at[par]).wait()
        pltpu.make_async_copy(w2_hbm.at[cur], w2b.at[par], sems.at[par]).wait()

    @pl.when(jnp.logical_and(changed, nxe != cur))
    def _():
        nslot = 1 - par
        pltpu.make_async_copy(w0_hbm.at[nxe], w0b.at[nslot], sems.at[nslot]).start()
        pltpu.make_async_copy(w1_hbm.at[nxe], w1b.at[nslot], sems.at[nslot]).start()
        pltpu.make_async_copy(w2_hbm.at[nxe], w2b.at[nslot], sems.at[nslot]).start()

    v = x_ref[...]
    xl = lax.bitcast_convert_type((v & 0xFFFF).astype(jnp.uint16),
                                  jnp.bfloat16)
    xh = lax.bitcast_convert_type((v >> 16).astype(jnp.uint16), jnp.bfloat16)
    xb = jnp.concatenate([xl, xh], axis=1).astype(f32)

    h = jnp.dot(xb, w0b[par], preferred_element_type=f32)
    h = jnp.maximum(h + b0_ref[0], 0.0)
    h = jnp.dot(h, w1b[par], preferred_element_type=f32)
    h = jnp.maximum(h + b1_ref[0], 0.0)
    y_ref[...] = jnp.dot(h, w2b[par], preferred_element_type=f32) + b2_ref[0]


def _moe(te, nxe, par, xs, W0, b0, W1, b1, W2, b2):
    grid_spec = pltpu.PrefetchScalarGridSpec(
        num_scalar_prefetch=3,
        grid=(NT,),
        in_specs=[
            pl.BlockSpec((T, DP), lambda i, te, nxe, par: (i, 0)),
            pl.BlockSpec((1, 1, D), lambda i, te, nxe, par: (te[i], 0, 0)),
            pl.BlockSpec((1, 1, D), lambda i, te, nxe, par: (te[i], 0, 0)),
            pl.BlockSpec((1, 1, D), lambda i, te, nxe, par: (te[i], 0, 0)),
            pl.BlockSpec(memory_space=pltpu.MemorySpace.HBM),
            pl.BlockSpec(memory_space=pltpu.MemorySpace.HBM),
            pl.BlockSpec(memory_space=pltpu.MemorySpace.HBM),
        ],
        out_specs=pl.BlockSpec((T, D), lambda i, te, nxe, par: (i, 0)),
        scratch_shapes=[
            pltpu.VMEM((2, D, D), f32),
            pltpu.VMEM((2, D, D), f32),
            pltpu.VMEM((2, D, D), f32),
            pltpu.SemaphoreType.DMA((2,)),
        ],
    )
    return pl.pallas_call(
        _moe_body,
        grid_spec=grid_spec,
        out_shape=jax.ShapeDtypeStruct((PADDED_N, D), f32),
    )(te, nxe, par, xs, b0, b1, b2, W0, W1, W2)


def kernel(x, Wg, bg, W0, b0, W1, b1, W2, b2):
    slot, te2, nxe2, par2, xp = _route(x, jnp.swapaxes(Wg, 0, 1),
                                       bg.reshape(1, E))
    xs = _permute(xp, slot)
    ys = _moe(te2.reshape(LANES), nxe2.reshape(LANES), par2.reshape(LANES),
              xs, W0, b0.reshape(E, 1, D), W1, b1.reshape(E, 1, D),
              W2, b2.reshape(E, 1, D))
    return _unpermute(ys, slot)

# --- scband reference (transcript-rebuilt; emitter-appended) ---
"""Pipeline reference for scband-sparse-mo-e-69793218560576 (READ-ONLY COPY).

The authoritative reference and input builder live on the scoring server;
editing this copy changes nothing except your own understanding.
"""

import jax, jax.numpy as jnp
import numpy as np

N = 8192      # tokens (batch=4 * seq_len=2048)
D_IN = 1024   # d_in / d_model
D_BLK = 1024  # d_block_per_expert
D_OUT = 1024  # d_out
E = 8         # num_experts
N_BLOCKS = 2  # n_blocks -> 3 linear layers per expert


def setup_inputs(seed: int = 0) -> dict:
    key = jax.random.key(seed)
    ks = jax.random.split(key, 10)
    s = 0.02
    x = jax.random.normal(ks[0], (N, D_IN), dtype=jnp.float32)
    # gate: Linear(d_in -> num_experts)
    Wg = jax.random.normal(ks[1], (D_IN, E), dtype=jnp.float32) * s
    bg = jnp.zeros((E,), dtype=jnp.float32)
    # per-expert MLP: Linear(d_in->d_blk) ReLU Linear(d_blk->d_blk) ReLU Linear(d_blk->d_out)
    W0 = jax.random.normal(ks[2], (E, D_IN, D_BLK), dtype=jnp.float32) * s
    b0 = jnp.zeros((E, D_BLK), dtype=jnp.float32)
    W1 = jax.random.normal(ks[3], (E, D_BLK, D_BLK), dtype=jnp.float32) * s
    b1 = jnp.zeros((E, D_BLK), dtype=jnp.float32)
    W2 = jax.random.normal(ks[4], (E, D_BLK, D_OUT), dtype=jnp.float32) * s
    b2 = jnp.zeros((E, D_OUT), dtype=jnp.float32)
    return {"x": x, "Wg": Wg, "bg": bg, "W0": W0, "b0": b0,
            "W1": W1, "b1": b1, "W2": W2, "b2": b2}


def reference(x, Wg, bg, W0, b0, W1, b1, W2, b2):
    # Gating (eval mode of GumbelArgmaxGatingNetwork): hard argmax one-hot
    logits = x @ Wg + bg                          # [N, E]
    idx = jnp.argmax(logits, axis=-1)             # [N]
    sel = jax.nn.one_hot(idx, E, dtype=x.dtype)   # [N, E], 0/1 gating weights
    # Expert MLPs (n_blocks=2 => 3 linears with ReLU between)
    h = jax.nn.relu(jnp.einsum('nd,edh->enh', x, W0) + b0[:, None, :])   # [E, N, D_BLK]
    h = jax.nn.relu(jnp.einsum('enh,ehk->enk', h, W1) + b1[:, None, :])  # [E, N, D_BLK]
    out_e = jnp.einsum('enk,eko->eno', h, W2) + b2[:, None, :]           # [E, N, D_OUT]
    # output[mask] = expert(x[mask]) * sel[mask, e]; masks disjoint (hard one-hot)
    gate_w = jnp.transpose(sel)[:, :, None]       # [E, N, 1]
    output = jnp.sum(out_e * gate_w, axis=0)      # [N, D_OUT]
    return output

if __name__ == "__main__":
    import jax
    _d = setup_inputs()
    print(jax.jit(kernel)(*tuple(_d.values())))

</pallas_src>

<mosaic_0001>
#map = affine_map<(d0, d1) -> (0, 0)>
#map1 = affine_map<(d0, d1) -> (0)>
module attributes {stable_mosaic.version = 14 : i64} {
  func.func @body(%arg0: i32, %arg1: i32, %arg2: memref<8704x512xi32, #tpu.memory_space<hbm>>, %arg3: memref<8192xi32, #tpu.memory_space<hbm>>, %arg4: memref<10240x512xi32, #tpu.memory_space<hbm>>, %arg5: memref<32xi32, #tpu.memory_space<vmem>>, %arg6: memref<32x512xi32, #tpu.memory_space<vmem>>, %arg7: memref<!tpu.dma_semaphore, #tpu.memory_space<semaphore_mem>>, %arg8: memref<!tpu.dma_semaphore, #tpu.memory_space<semaphore_mem>>, %arg9: memref<32xi32, #tpu.memory_space<vmem>>, %arg10: memref<32x512xi32, #tpu.memory_space<vmem>>, %arg11: memref<!tpu.dma_semaphore, #tpu.memory_space<semaphore_mem>>, %arg12: memref<!tpu.dma_semaphore, #tpu.memory_space<semaphore_mem>>, %arg13: memref<32xi32, #tpu.memory_space<vmem>>, %arg14: memref<32x512xi32, #tpu.memory_space<vmem>>, %arg15: memref<!tpu.dma_semaphore, #tpu.memory_space<semaphore_mem>>, %arg16: memref<!tpu.dma_semaphore, #tpu.memory_space<semaphore_mem>>) attributes {dimension_semantics = [#tpu.dimension_semantics<core_parallel>, #tpu.dimension_semantics<subcore_parallel>], iteration_bounds = array<i64: 2, 16>, scalar_prefetch = 0 : i64, scratch_operands = 12 : i64, tpu.core_type = #tpu.core_type<sc_vector_subcore>, window_params = [{transform_indices = #map}, {transform_indices = #map1}, {transform_indices = #map}]} {
    %mul3A = arith.constant 2 : i32
    %mul3A_0 = arith.muli %arg1, %mul3A : i32
    %add3A = arith.addi %mul3A_0, %arg0 : i32
    %mul3A_1 = arith.constant 256 : i32
    %mul3A_2 = arith.muli %add3A, %mul3A_1 : i32
    %add3A_3 = arith.constant 0 : i32
    %add3A_4 = arith.addi %mul3A_2, %add3A_3 : i32
    "tpu.region"() ({
      %run_scoped3A = tpu.sem_alloc : memref<!tpu.dma_semaphore, #tpu.memory_space<semaphore_mem>>
      %dma_start3A_129 = tpu.memref_slice %arg3[%add3A_4] : memref<8192xi32, #tpu.memory_space<hbm>> -> memref<32xi32, #tpu.memory_space<hbm>>
      %dma_start3A_130 = tpu.memref_slice %arg3[%add3A_4] : memref<8192xi32, #tpu.memory_space<hbm>> -> memref<32xi32, #tpu.memory_space<hbm>>
      tpu.enqueue_dma source(%dma_start3A_130 : memref<32xi32, #tpu.memory_space<hbm>>) target(%arg5 : memref<32xi32, #tpu.memory_space<vmem>>) target_semaphore(%run_scoped3A : memref<!tpu.dma_semaphore, #tpu.memory_space<semaphore_mem>>)
      %dma_wait3A_131 = tpu.memref_slice %arg3[%add3A_4] : memref<8192xi32, #tpu.memory_space<hbm>> -> memref<32xi32, #tpu.memory_space<hbm>>
      %dma_wait3A_132 = tpu.memref_slice %arg3[%add3A_4] : memref<8192xi32, #tpu.memory_space<hbm>> -> memref<32xi32, #tpu.memory_space<hbm>>
      tpu.wait_dma2 semaphore(%run_scoped3A : memref<!tpu.dma_semaphore, #tpu.memory_space<semaphore_mem>>) src(%dma_wait3A_132 : memref<32xi32, #tpu.memory_space<hbm>>) dst(%arg5 : memref<32xi32, #tpu.memory_space<vmem>>)
      tpu.yield
    }) : () -> ()
    %dma_start3A = arith.constant 0 : i32
    %dma_start3A_5 = tpu.memref_slice %arg2[%add3A_4, %dma_start3A] : memref<8704x512xi32, #tpu.memory_space<hbm>> -> memref<32x512xi32, #tpu.memory_space<hbm>>
    %dma_start3A_6 = arith.constant 0 : i32
    %dma_start3A_7 = tpu.memref_slice %arg2[%add3A_4, %dma_start3A_6] : memref<8704x512xi32, #tpu.memory_space<hbm>> -> memref<32x512xi32, #tpu.memory_space<hbm>>
    tpu.enqueue_dma source(%dma_start3A_7 : memref<32x512xi32, #tpu.memory_space<hbm>>) target(%arg6 : memref<32x512xi32, #tpu.memory_space<vmem>>) target_semaphore(%arg7 : memref<!tpu.dma_semaphore, #tpu.memory_space<semaphore_mem>>)
    %add3A_8 = arith.constant 32 : i32
    %add3A_9 = arith.addi %mul3A_2, %add3A_8 : i32
    "tpu.region"() ({
      %run_scoped3A = tpu.sem_alloc : memref<!tpu.dma_semaphore, #tpu.memory_space<semaphore_mem>>
      %dma_start3A_129 = tpu.memref_slice %arg3[%add3A_9] : memref<8192xi32, #tpu.memory_space<hbm>> -> memref<32xi32, #tpu.memory_space<hbm>>
      %dma_start3A_130 = tpu.memref_slice %arg3[%add3A_9] : memref<8192xi32, #tpu.memory_space<hbm>> -> memref<32xi32, #tpu.memory_space<hbm>>
      tpu.enqueue_dma source(%dma_start3A_130 : memref<32xi32, #tpu.memory_space<hbm>>) target(%arg9 : memref<32xi32, #tpu.memory_space<vmem>>) target_semaphore(%run_scoped3A : memref<!tpu.dma_semaphore, #tpu.memory_space<semaphore_mem>>)
      %dma_wait3A_131 = tpu.memref_slice %arg3[%add3A_9] : memref<8192xi32, #tpu.memory_space<hbm>> -> memref<32xi32, #tpu.memory_space<hbm>>
      %dma_wait3A_132 = tpu.memref_slice %arg3[%add3A_9] : memref<8192xi32, #tpu.memory_space<hbm>> -> memref<32xi32, #tpu.memory_space<hbm>>
      tpu.wait_dma2 semaphore(%run_scoped3A : memref<!tpu.dma_semaphore, #tpu.memory_space<semaphore_mem>>) src(%dma_wait3A_132 : memref<32xi32, #tpu.memory_space<hbm>>) dst(%arg9 : memref<32xi32, #tpu.memory_space<vmem>>)
      tpu.yield
    }) : () -> ()
    %dma_start3A_10 = arith.constant 0 : i32
    %dma_start3A_11 = tpu.memref_slice %arg2[%add3A_9, %dma_start3A_10] : memref<8704x512xi32, #tpu.memory_space<hbm>> -> memref<32x512xi32, #tpu.memory_space<hbm>>
    %dma_start3A_12 = arith.constant 0 : i32
    %dma_start3A_13 = tpu.memref_slice %arg2[%add3A_9, %dma_start3A_12] : memref<8704x512xi32, #tpu.memory_space<hbm>> -> memref<32x512xi32, #tpu.memory_space<hbm>>
    tpu.enqueue_dma source(%dma_start3A_13 : memref<32x512xi32, #tpu.memory_space<hbm>>) target(%arg10 : memref<32x512xi32, #tpu.memory_space<vmem>>) target_semaphore(%arg11 : memref<!tpu.dma_semaphore, #tpu.memory_space<semaphore_mem>>)
    %dma_wait3A = arith.constant 0 : i32
    %dma_wait3A_14 = tpu.memref_slice %arg2[%add3A_4, %dma_wait3A] : memref<8704x512xi32, #tpu.memory_space<hbm>> -> memref<32x512xi32, #tpu.memory_space<hbm>>
    %dma_wait3A_15 = arith.constant 0 : i32
    %dma_wait3A_16 = tpu.memref_slice %arg2[%add3A_4, %dma_wait3A_15] : memref<8704x512xi32, #tpu.memory_space<hbm>> -> memref<32x512xi32, #tpu.memory_space<hbm>>
    tpu.wait_dma2 semaphore(%arg7 : memref<!tpu.dma_semaphore, #tpu.memory_space<semaphore_mem>>) src(%dma_wait3A_16 : memref<32x512xi32, #tpu.memory_space<hbm>>) dst(%arg6 : memref<32x512xi32, #tpu.memory_space<vmem>>)
    %dma_start3A_17 = arith.constant 0 : i32
    %dma_start3A_18 = arith.constant 0 : i32
    %dma_start3A_19 = tpu.memref_slice %arg4[%dma_start3A_17, %dma_start3A_18] : memref<10240x512xi32, #tpu.memory_space<hbm>> -> memref<10240x512xi32, #tpu.memory_space<hbm>>
    tpu.enqueue_indirect_dma source(%arg6 : memref<32x512xi32, #tpu.memory_space<vmem>>) target(%dma_start3A_19 : memref<10240x512xi32, #tpu.memory_space<hbm>>) offsets(%arg5 : memref<32xi32, #tpu.memory_space<vmem>>) semaphore(%arg8 : memref<!tpu.dma_semaphore, #tpu.memory_space<semaphore_mem>>)
    %add3A_20 = arith.constant 64 : i32
    %add3A_21 = arith.addi %mul3A_2, %add3A_20 : i32
    "tpu.region"() ({
      %run_scoped3A = tpu.sem_alloc : memref<!tpu.dma_semaphore, #tpu.memory_space<semaphore_mem>>
      %dma_start3A_129 = tpu.memref_slice %arg3[%add3A_21] : memref<8192xi32, #tpu.memory_space<hbm>> -> memref<32xi32, #tpu.memory_space<hbm>>
      %dma_start3A_130 = tpu.memref_slice %arg3[%add3A_21] : memref<8192xi32, #tpu.memory_space<hbm>> -> memref<32xi32, #tpu.memory_space<hbm>>
      tpu.enqueue_dma source(%dma_start3A_130 : memref<32xi32, #tpu.memory_space<hbm>>) target(%arg13 : memref<32xi32, #tpu.memory_space<vmem>>) target_semaphore(%run_scoped3A : memref<!tpu.dma_semaphore, #tpu.memory_space<semaphore_mem>>)
      %dma_wait3A_131 = tpu.memref_slice %arg3[%add3A_21] : memref<8192xi32, #tpu.memory_space<hbm>> -> memref<32xi32, #tpu.memory_space<hbm>>
      %dma_wait3A_132 = tpu.memref_slice %arg3[%add3A_21] : memref<8192xi32, #tpu.memory_space<hbm>> -> memref<32xi32, #tpu.memory_space<hbm>>
      tpu.wait_dma2 semaphore(%run_scoped3A : memref<!tpu.dma_semaphore, #tpu.memory_space<semaphore_mem>>) src(%dma_wait3A_132 : memref<32xi32, #tpu.memory_space<hbm>>) dst(%arg13 : memref<32xi32, #tpu.memory_space<vmem>>)
      tpu.yield
    }) : () -> ()
    %dma_start3A_22 = arith.constant 0 : i32
    %dma_start3A_23 = tpu.memref_slice %arg2[%add3A_21, %dma_start3A_22] : memref<8704x512xi32, #tpu.memory_space<hbm>> -> memref<32x512xi32, #tpu.memory_space<hbm>>
    %dma_start3A_24 = arith.constant 0 : i32
    %dma_start3A_25 = tpu.memref_slice %arg2[%add3A_21, %dma_start3A_24] : memref<8704x512xi32, #tpu.memory_space<hbm>> -> memref<32x512xi32, #tpu.memory_space<hbm>>
    tpu.enqueue_dma source(%dma_start3A_25 : memref<32x512xi32, #tpu.memory_space<hbm>>) target(%arg14 : memref<32x512xi32, #tpu.memory_space<vmem>>) target_semaphore(%arg15 : memref<!tpu.dma_semaphore, #tpu.memory_space<semaphore_mem>>)
    %dma_wait3A_26 = arith.constant 0 : i32
    %dma_wait3A_27 = tpu.memref_slice %arg2[%add3A_9, %dma_wait3A_26] : memref<8704x512xi32, #tpu.memory_space<hbm>> -> memref<32x512xi32, #tpu.memory_space<hbm>>
    %dma_wait3A_28 = arith.constant 0 : i32
    %dma_wait3A_29 = tpu.memref_slice %arg2[%add3A_9, %dma_wait3A_28] : memref<8704x512xi32, #tpu.memory_space<hbm>> -> memref<32x512xi32, #tpu.memory_space<hbm>>
    tpu.wait_dma2 semaphore(%arg11 : memref<!tpu.dma_semaphore, #tpu.memory_space<semaphore_mem>>) src(%dma_wait3A_29 : memref<32x512xi32, #tpu.memory_space<hbm>>) dst(%arg10 : memref<32x512xi32, #tpu.memory_space<vmem>>)
    %dma_start3A_30 = arith.constant 0 : i32
    %dma_start3A_31 = arith.constant 0 : i32
    %dma_start3A_32 = tpu.memref_slice %arg4[%dma_start3A_30, %dma_start3A_31] : memref<10240x512xi32, #tpu.memory_space<hbm>> -> memref<10240x512xi32, #tpu.memory_space<hbm>>
    tpu.enqueue_indirect_dma source(%arg10 : memref<32x512xi32, #tpu.memory_space<vmem>>) target(%dma_start3A_32 : memref<10240x512xi32, #tpu.memory_space<hbm>>) offsets(%arg9 : memref<32xi32, #tpu.memory_space<vmem>>) semaphore(%arg12 : memref<!tpu.dma_semaphore, #tpu.memory_space<semaphore_mem>>)
    %dma_wait3A_33 = arith.constant 0 : i32
    %dma_wait3A_34 = arith.constant 0 : i32
    %dma_wait3A_35 = tpu.memref_slice %arg4[%dma_wait3A_33, %dma_wait3A_34] : memref<10240x512xi32, #tpu.memory_space<hbm>> -> memref<10240x512xi32, #tpu.memory_space<hbm>>
    tpu.wait_indirect_dma semaphore(%arg8 : memref<!tpu.dma_semaphore, #tpu.memory_space<semaphore_mem>>) src(%arg6 : memref<32x512xi32, #tpu.memory_space<vmem>>) dst(%dma_wait3A_35 : memref<10240x512xi32, #tpu.memory_space<hbm>>)
    %add3A_36 = arith.constant 96 : i32
    %add3A_37 = arith.addi %mul3A_2, %add3A_36 : i32
    "tpu.region"() ({
      %run_scoped3A = tpu.sem_alloc : memref<!tpu.dma_semaphore, #tpu.memory_space<semaphore_mem>>
      %dma_start3A_129 = tpu.memref_slice %arg3[%add3A_37] : memref<8192xi32, #tpu.memory_space<hbm>> -> memref<32xi32, #tpu.memory_space<hbm>>
      %dma_start3A_130 = tpu.memref_slice %arg3[%add3A_37] : memref<8192xi32, #tpu.memory_space<hbm>> -> memref<32xi32, #tpu.memory_space<hbm>>
      tpu.enqueue_dma source(%dma_start3A_130 : memref<32xi32, #tpu.memory_space<hbm>>) target(%arg5 : memref<32xi32, #tpu.memory_space<vmem>>) target_semaphore(%run_scoped3A : memref<!tpu.dma_semaphore, #tpu.memory_space<semaphore_mem>>)
      %dma_wait3A_131 = tpu.memref_slice %arg3[%add3A_37] : memref<8192xi32, #tpu.memory_space<hbm>> -> memref<32xi32, #tpu.memory_space<hbm>>
      %dma_wait3A_132 = tpu.memref_slice %arg3[%add3A_37] : memref<8192xi32, #tpu.memory_space<hbm>> -> memref<32xi32, #tpu.memory_space<hbm>>
      tpu.wait_dma2 semaphore(%run_scoped3A : memref<!tpu.dma_semaphore, #tpu.memory_space<semaphore_mem>>) src(%dma_wait3A_132 : memref<32xi32, #tpu.memory_space<hbm>>) dst(%arg5 : memref<32xi32, #tpu.memory_space<vmem>>)
      tpu.yield
    }) : () -> ()
    %dma_start3A_38 = arith.constant 0 : i32
    %dma_start3A_39 = tpu.memref_slice %arg2[%add3A_37, %dma_start3A_38] : memref<8704x512xi32, #tpu.memory_space<hbm>> -> memref<32x512xi32, #tpu.memory_space<hbm>>
    %dma_start3A_40 = arith.constant 0 : i32
    %dma_start3A_41 = tpu.memref_slice %arg2[%add3A_37, %dma_start3A_40] : memref<8704x512xi32, #tpu.memory_space<hbm>> -> memref<32x512xi32, #tpu.memory_space<hbm>>
    tpu.enqueue_dma source(%dma_start3A_41 : memref<32x512xi32, #tpu.memory_space<hbm>>) target(%arg6 : memref<32x512xi32, #tpu.memory_space<vmem>>) target_semaphore(%arg7 : memref<!tpu.dma_semaphore, #tpu.memory_space<semaphore_mem>>)
    %dma_wait3A_42 = arith.constant 0 : i32
    %dma_wait3A_43 = tpu.memref_slice %arg2[%add3A_21, %dma_wait3A_42] : memref<8704x512xi32, #tpu.memory_space<hbm>> -> memref<32x512xi32, #tpu.memory_space<hbm>>
    %dma_wait3A_44 = arith.constant 0 : i32
    %dma_wait3A_45 = tpu.memref_slice %arg2[%add3A_21, %dma_wait3A_44] : memref<8704x512xi32, #tpu.memory_space<hbm>> -> memref<32x512xi32, #tpu.memory_space<hbm>>
    tpu.wait_dma2 semaphore(%arg15 : memref<!tpu.dma_semaphore, #tpu.memory_space<semaphore_mem>>) src(%dma_wait3A_45 : memref<32x512xi32, #tpu.memory_space<hbm>>) dst(%arg14 : memref<32x512xi32, #tpu.memory_space<vmem>>)
    %dma_start3A_46 = arith.constant 0 : i32
    %dma_start3A_47 = arith.constant 0 : i32
    %dma_start3A_48 = tpu.memref_slice %arg4[%dma_start3A_46, %dma_start3A_47] : memref<10240x512xi32, #tpu.memory_space<hbm>> -> memref<10240x512xi32, #tpu.memory_space<hbm>>
    tpu.enqueue_indirect_dma source(%arg14 : memref<32x512xi32, #tpu.memory_space<vmem>>) target(%dma_start3A_48 : memref<10240x512xi32, #tpu.memory_space<hbm>>) offsets(%arg13 : memref<32xi32, #tpu.memory_space<vmem>>) semaphore(%arg16 : memref<!tpu.dma_semaphore, #tpu.memory_space<semaphore_mem>>)
    %dma_wait3A_49 = arith.constant 0 : i32
    %dma_wait3A_50 = arith.constant 0 : i32
    %dma_wait3A_51 = tpu.memref_slice %arg4[%dma_wait3A_49, %dma_wait3A_50] : memref<10240x512xi32, #tpu.memory_space<hbm>> -> memref<10240x512xi32, #tpu.memory_space<hbm>>
    tpu.wait_indirect_dma semaphore(%arg12 : memref<!tpu.dma_semaphore, #tpu.memory_space<semaphore_mem>>) src(%arg10 : memref<32x512xi32, #tpu.memory_space<vmem>>) dst(%dma_wait3A_51 : memref<10240x512xi32, #tpu.memory_space<hbm>>)
    %add3A_52 = arith.constant 128 : i32
    %add3A_53 = arith.addi %mul3A_2, %add3A_52 : i32
    "tpu.region"() ({
      %run_scoped3A = tpu.sem_alloc : memref<!tpu.dma_semaphore, #tpu.memory_space<semaphore_mem>>
      %dma_start3A_129 = tpu.memref_slice %arg3[%add3A_53] : memref<8192xi32, #tpu.memory_space<hbm>> -> memref<32xi32, #tpu.memory_space<hbm>>
      %dma_start3A_130 = tpu.memref_slice %arg3[%add3A_53] : memref<8192xi32, #tpu.memory_space<hbm>> -> memref<32xi32, #tpu.memory_space<hbm>>
      tpu.enqueue_dma source(%dma_start3A_130 : memref<32xi32, #tpu.memory_space<hbm>>) target(%arg9 : memref<32xi32, #tpu.memory_space<vmem>>) target_semaphore(%run_scoped3A : memref<!tpu.dma_semaphore, #tpu.memory_space<semaphore_mem>>)
      %dma_wait3A_131 = tpu.memref_slice %arg3[%add3A_53] : memref<8192xi32, #tpu.memory_space<hbm>> -> memref<32xi32, #tpu.memory_space<hbm>>
      %dma_wait3A_132 = tpu.memref_slice %arg3[%add3A_53] : memref<8192xi32, #tpu.memory_space<hbm>> -> memref<32xi32, #tpu.memory_space<hbm>>
      tpu.wait_dma2 semaphore(%run_scoped3A : memref<!tpu.dma_semaphore, #tpu.memory_space<semaphore_mem>>) src(%dma_wait3A_132 : memref<32xi32, #tpu.memory_space<hbm>>) dst(%arg9 : memref<32xi32, #tpu.memory_space<vmem>>)
      tpu.yield
    }) : () -> ()
    %dma_start3A_54 = arith.constant 0 : i32
    %dma_start3A_55 = tpu.memref_slice %arg2[%add3A_53, %dma_start3A_54] : memref<8704x512xi32, #tpu.memory_space<hbm>> -> memref<32x512xi32, #tpu.memory_space<hbm>>
    %dma_start3A_56 = arith.constant 0 : i32
    %dma_start3A_57 = tpu.memref_slice %arg2[%add3A_53, %dma_start3A_56] : memref<8704x512xi32, #tpu.memory_space<hbm>> -> memref<32x512xi32, #tpu.memory_space<hbm>>
    tpu.enqueue_dma source(%dma_start3A_57 : memref<32x512xi32, #tpu.memory_space<hbm>>) target(%arg10 : memref<32x512xi32, #tpu.memory_space<vmem>>) target_semaphore(%arg11 : memref<!tpu.dma_semaphore, #tpu.memory_space<semaphore_mem>>)
    %dma_wait3A_58 = arith.constant 0 : i32
    %dma_wait3A_59 = tpu.memref_slice %arg2[%add3A_37, %dma_wait3A_58] : memref<8704x512xi32, #tpu.memory_space<hbm>> -> memref<32x512xi32, #tpu.memory_space<hbm>>
    %dma_wait3A_60 = arith.constant 0 : i32
    %dma_wait3A_61 = tpu.memref_slice %arg2[%add3A_37, %dma_wait3A_60] : memref<8704x512xi32, #tpu.memory_space<hbm>> -> memref<32x512xi32, #tpu.memory_space<hbm>>
    tpu.wait_dma2 semaphore(%arg7 : memref<!tpu.dma_semaphore, #tpu.memory_space<semaphore_mem>>) src(%dma_wait3A_61 : memref<32x512xi32, #tpu.memory_space<hbm>>) dst(%arg6 : memref<32x512xi32, #tpu.memory_space<vmem>>)
    %dma_start3A_62 = arith.constant 0 : i32
    %dma_start3A_63 = arith.constant 0 : i32
    %dma_start3A_64 = tpu.memref_slice %arg4[%dma_start3A_62, %dma_start3A_63] : memref<10240x512xi32, #tpu.memory_space<hbm>> -> memref<10240x512xi32, #tpu.memory_space<hbm>>
    tpu.enqueue_indirect_dma source(%arg6 : memref<32x512xi32, #tpu.memory_space<vmem>>) target(%dma_start3A_64 : memref<10240x512xi32, #tpu.memory_space<hbm>>) offsets(%arg5 : memref<32xi32, #tpu.memory_space<vmem>>) semaphore(%arg8 : memref<!tpu.dma_semaphore, #tpu.memory_space<semaphore_mem>>)
    %dma_wait3A_65 = arith.constant 0 : i32
    %dma_wait3A_66 = arith.constant 0 : i32
    %dma_wait3A_67 = tpu.memref_slice %arg4[%dma_wait3A_65, %dma_wait3A_66] : memref<10240x512xi32, #tpu.memory_space<hbm>> -> memref<10240x512xi32, #tpu.memory_space<hbm>>
    tpu.wait_indirect_dma semaphore(%arg16 : memref<!tpu.dma_semaphore, #tpu.memory_space<semaphore_mem>>) src(%arg14 : memref<32x512xi32, #tpu.memory_space<vmem>>) dst(%dma_wait3A_67 : memref<10240x512xi32, #tpu.memory_space<hbm>>)
    %add3A_68 = arith.constant 160 : i32
    %add3A_69 = arith.addi %mul3A_2, %add3A_68 : i32
    "tpu.region"() ({
      %run_scoped3A = tpu.sem_alloc : memref<!tpu.dma_semaphore, #tpu.memory_space<semaphore_mem>>
      %dma_start3A_129 = tpu.memref_slice %arg3[%add3A_69] : memref<8192xi32, #tpu.memory_space<hbm>> -> memref<32xi32, #tpu.memory_space<hbm>>
      %dma_start3A_130 = tpu.memref_slice %arg3[%add3A_69] : memref<8192xi32, #tpu.memory_space<hbm>> -> memref<32xi32, #tpu.memory_space<hbm>>
      tpu.enqueue_dma source(%dma_start3A_130 : memref<32xi32, #tpu.memory_space<hbm>>) target(%arg13 : memref<32xi32, #tpu.memory_space<vmem>>) target_semaphore(%run_scoped3A : memref<!tpu.dma_semaphore, #tpu.memory_space<semaphore_mem>>)
      %dma_wait3A_131 = tpu.memref_slice %arg3[%add3A_69] : memref<8192xi32, #tpu.memory_space<hbm>> -> memref<32xi32, #tpu.memory_space<hbm>>
      %dma_wait3A_132 = tpu.memref_slice %arg3[%add3A_69] : memref<8192xi32, #tpu.memory_space<hbm>> -> memref<32xi32, #tpu.memory_space<hbm>>
      tpu.wait_dma2 semaphore(%run_scoped3A : memref<!tpu.dma_semaphore, #tpu.memory_space<semaphore_mem>>) src(%dma_wait3A_132 : memref<32xi32, #tpu.memory_space<hbm>>) dst(%arg13 : memref<32xi32, #tpu.memory_space<vmem>>)
      tpu.yield
    }) : () -> ()
    %dma_start3A_70 = arith.constant 0 : i32
    %dma_start3A_71 = tpu.memref_slice %arg2[%add3A_69, %dma_start3A_70] : memref<8704x512xi32, #tpu.memory_space<hbm>> -> memref<32x512xi32, #tpu.memory_space<hbm>>
    %dma_start3A_72 = arith.constant 0 : i32
    %dma_start3A_73 = tpu.memref_slice %arg2[%add3A_69, %dma_start3A_72] : memref<8704x512xi32, #tpu.memory_space<hbm>> -> memref<32x512xi32, #tpu.memory_space<hbm>>
    tpu.enqueue_dma source(%dma_start3A_73 : memref<32x512xi32, #tpu.memory_space<hbm>>) target(%arg14 : memref<32x512xi32, #tpu.memory_space<vmem>>) target_semaphore(%arg15 : memref<!tpu.dma_semaphore, #tpu.memory_space<semaphore_mem>>)
    %dma_wait3A_74 = arith.constant 0 : i32
    %dma_wait3A_75 = tpu.memref_slice %arg2[%add3A_53, %dma_wait3A_74] : memref<8704x512xi32, #tpu.memory_space<hbm>> -> memref<32x512xi32, #tpu.memory_space<hbm>>
    %dma_wait3A_76 = arith.constant 0 : i32
    %dma_wait3A_77 = tpu.memref_slice %arg2[%add3A_53, %dma_wait3A_76] : memref<8704x512xi32, #tpu.memory_space<hbm>> -> memref<32x512xi32, #tpu.memory_space<hbm>>
    tpu.wait_dma2 semaphore(%arg11 : memref<!tpu.dma_semaphore, #tpu.memory_space<semaphore_mem>>) src(%dma_wait3A_77 : memref<32x512xi32, #tpu.memory_space<hbm>>) dst(%arg10 : memref<32x512xi32, #tpu.memory_space<vmem>>)
    %dma_start3A_78 = arith.constant 0 : i32
    %dma_start3A_79 = arith.constant 0 : i32
    %dma_start3A_80 = tpu.memref_slice %arg4[%dma_start3A_78, %dma_start3A_79] : memref<10240x512xi32, #tpu.memory_space<hbm>> -> memref<10240x512xi32, #tpu.memory_space<hbm>>
    tpu.enqueue_indirect_dma source(%arg10 : memref<32x512xi32, #tpu.memory_space<vmem>>) target(%dma_start3A_80 : memref<10240x512xi32, #tpu.memory_space<hbm>>) offsets(%arg9 : memref<32xi32, #tpu.memory_space<vmem>>) semaphore(%arg12 : memref<!tpu.dma_semaphore, #tpu.memory_space<semaphore_mem>>)
    %dma_wait3A_81 = arith.constant 0 : i32
    %dma_wait3A_82 = arith.constant 0 : i32
    %dma_wait3A_83 = tpu.memref_slice %arg4[%dma_wait3A_81, %dma_wait3A_82] : memref<10240x512xi32, #tpu.memory_space<hbm>> -> memref<10240x512xi32, #tpu.memory_space<hbm>>
    tpu.wait_indirect_dma semaphore(%arg8 : memref<!tpu.dma_semaphore, #tpu.memory_space<semaphore_mem>>) src(%arg6 : memref<32x512xi32, #tpu.memory_space<vmem>>) dst(%dma_wait3A_83 : memref<10240x512xi32, #tpu.memory_space<hbm>>)
    %add3A_84 = arith.constant 192 : i32
    %add3A_85 = arith.addi %mul3A_2, %add3A_84 : i32
    "tpu.region"() ({
      %run_scoped3A = tpu.sem_alloc : memref<!tpu.dma_semaphore, #tpu.memory_space<semaphore_mem>>
      %dma_start3A_129 = tpu.memref_slice %arg3[%add3A_85] : memref<8192xi32, #tpu.memory_space<hbm>> -> memref<32xi32, #tpu.memory_space<hbm>>
      %dma_start3A_130 = tpu.memref_slice %arg3[%add3A_85] : memref<8192xi32, #tpu.memory_space<hbm>> -> memref<32xi32, #tpu.memory_space<hbm>>
      tpu.enqueue_dma source(%dma_start3A_130 : memref<32xi32, #tpu.memory_space<hbm>>) target(%arg5 : memref<32xi32, #tpu.memory_space<vmem>>) target_semaphore(%run_scoped3A : memref<!tpu.dma_semaphore, #tpu.memory_space<semaphore_mem>>)
      %dma_wait3A_131 = tpu.memref_slice %arg3[%add3A_85] : memref<8192xi32, #tpu.memory_space<hbm>> -> memref<32xi32, #tpu.memory_space<hbm>>
      %dma_wait3A_132 = tpu.memref_slice %arg3[%add3A_85] : memref<8192xi32, #tpu.memory_space<hbm>> -> memref<32xi32, #tpu.memory_space<hbm>>
      tpu.wait_dma2 semaphore(%run_scoped3A : memref<!tpu.dma_semaphore, #tpu.memory_space<semaphore_mem>>) src(%dma_wait3A_132 : memref<32xi32, #tpu.memory_space<hbm>>) dst(%arg5 : memref<32xi32, #tpu.memory_space<vmem>>)
      tpu.yield
    }) : () -> ()
    %dma_start3A_86 = arith.constant 0 : i32
    %dma_start3A_87 = tpu.memref_slice %arg2[%add3A_85, %dma_start3A_86] : memref<8704x512xi32, #tpu.memory_space<hbm>> -> memref<32x512xi32, #tpu.memory_space<hbm>>
    %dma_start3A_88 = arith.constant 0 : i32
    %dma_start3A_89 = tpu.memref_slice %arg2[%add3A_85, %dma_start3A_88] : memref<8704x512xi32, #tpu.memory_space<hbm>> -> memref<32x512xi32, #tpu.memory_space<hbm>>
    tpu.enqueue_dma source(%dma_start3A_89 : memref<32x512xi32, #tpu.memory_space<hbm>>) target(%arg6 : memref<32x512xi32, #tpu.memory_space<vmem>>) target_semaphore(%arg7 : memref<!tpu.dma_semaphore, #tpu.memory_space<semaphore_mem>>)
    %dma_wait3A_90 = arith.constant 0 : i32
    %dma_wait3A_91 = tpu.memref_slice %arg2[%add3A_69, %dma_wait3A_90] : memref<8704x512xi32, #tpu.memory_space<hbm>> -> memref<32x512xi32, #tpu.memory_space<hbm>>
    %dma_wait3A_92 = arith.constant 0 : i32
    %dma_wait3A_93 = tpu.memref_slice %arg2[%add3A_69, %dma_wait3A_92] : memref<8704x512xi32, #tpu.memory_space<hbm>> -> memref<32x512xi32, #tpu.memory_space<hbm>>
    tpu.wait_dma2 semaphore(%arg15 : memref<!tpu.dma_semaphore, #tpu.memory_space<semaphore_mem>>) src(%dma_wait3A_93 : memref<32x512xi32, #tpu.memory_space<hbm>>) dst(%arg14 : memref<32x512xi32, #tpu.memory_space<vmem>>)
    %dma_start3A_94 = arith.constant 0 : i32
    %dma_start3A_95 = arith.constant 0 : i32
    %dma_start3A_96 = tpu.memref_slice %arg4[%dma_start3A_94, %dma_start3A_95] : memref<10240x512xi32, #tpu.memory_space<hbm>> -> memref<10240x512xi32, #tpu.memory_space<hbm>>
    tpu.enqueue_indirect_dma source(%arg14 : memref<32x512xi32, #tpu.memory_space<vmem>>) target(%dma_start3A_96 : memref<10240x512xi32, #tpu.memory_space<hbm>>) offsets(%arg13 : memref<32xi32, #tpu.memory_space<vmem>>) semaphore(%arg16 : memref<!tpu.dma_semaphore, #tpu.memory_space<semaphore_mem>>)
    %dma_wait3A_97 = arith.constant 0 : i32
    %dma_wait3A_98 = arith.constant 0 : i32
    %dma_wait3A_99 = tpu.memref_slice %arg4[%dma_wait3A_97, %dma_wait3A_98] : memref<10240x512xi32, #tpu.memory_space<hbm>> -> memref<10240x512xi32, #tpu.memory_space<hbm>>
    tpu.wait_indirect_dma semaphore(%arg12 : memref<!tpu.dma_semaphore, #tpu.memory_space<semaphore_mem>>) src(%arg10 : memref<32x512xi32, #tpu.memory_space<vmem>>) dst(%dma_wait3A_99 : memref<10240x512xi32, #tpu.memory_space<hbm>>)
    %add3A_100 = arith.constant 224 : i32
    %add3A_101 = arith.addi %mul3A_2, %add3A_100 : i32
    "tpu.region"() ({
      %run_scoped3A = tpu.sem_alloc : memref<!tpu.dma_semaphore, #tpu.memory_space<semaphore_mem>>
      %dma_start3A_129 = tpu.memref_slice %arg3[%add3A_101] : memref<8192xi32, #tpu.memory_space<hbm>> -> memref<32xi32, #tpu.memory_space<hbm>>
      %dma_start3A_130 = tpu.memref_slice %arg3[%add3A_101] : memref<8192xi32, #tpu.memory_space<hbm>> -> memref<32xi32, #tpu.memory_space<hbm>>
      tpu.enqueue_dma source(%dma_start3A_130 : memref<32xi32, #tpu.memory_space<hbm>>) target(%arg9 : memref<32xi32, #tpu.memory_space<vmem>>) target_semaphore(%run_scoped3A : memref<!tpu.dma_semaphore, #tpu.memory_space<semaphore_mem>>)
      %dma_wait3A_131 = tpu.memref_slice %arg3[%add3A_101] : memref<8192xi32, #tpu.memory_space<hbm>> -> memref<32xi32, #tpu.memory_space<hbm>>
      %dma_wait3A_132 = tpu.memref_slice %arg3[%add3A_101] : memref<8192xi32, #tpu.memory_space<hbm>> -> memref<32xi32, #tpu.memory_space<hbm>>
      tpu.wait_dma2 semaphore(%run_scoped3A : memref<!tpu.dma_semaphore, #tpu.memory_space<semaphore_mem>>) src(%dma_wait3A_132 : memref<32xi32, #tpu.memory_space<hbm>>) dst(%arg9 : memref<32xi32, #tpu.memory_space<vmem>>)
      tpu.yield
    }) : () -> ()
    %dma_start3A_102 = arith.constant 0 : i32
    %dma_start3A_103 = tpu.memref_slice %arg2[%add3A_101, %dma_start3A_102] : memref<8704x512xi32, #tpu.memory_space<hbm>> -> memref<32x512xi32, #tpu.memory_space<hbm>>
    %dma_start3A_104 = arith.constant 0 : i32
    %dma_start3A_105 = tpu.memref_slice %arg2[%add3A_101, %dma_start3A_104] : memref<8704x512xi32, #tpu.memory_space<hbm>> -> memref<32x512xi32, #tpu.memory_space<hbm>>
    tpu.enqueue_dma source(%dma_start3A_105 : memref<32x512xi32, #tpu.memory_space<hbm>>) target(%arg10 : memref<32x512xi32, #tpu.memory_space<vmem>>) target_semaphore(%arg11 : memref<!tpu.dma_semaphore, #tpu.memory_space<semaphore_mem>>)
    %dma_wait3A_106 = arith.constant 0 : i32
    %dma_wait3A_107 = tpu.memref_slice %arg2[%add3A_85, %dma_wait3A_106] : memref<8704x512xi32, #tpu.memory_space<hbm>> -> memref<32x512xi32, #tpu.memory_space<hbm>>
    %dma_wait3A_108 = arith.constant 0 : i32
    %dma_wait3A_109 = tpu.memref_slice %arg2[%add3A_85, %dma_wait3A_108] : memref<8704x512xi32, #tpu.memory_space<hbm>> -> memref<32x512xi32, #tpu.memory_space<hbm>>
    tpu.wait_dma2 semaphore(%arg7 : memref<!tpu.dma_semaphore, #tpu.memory_space<semaphore_mem>>) src(%dma_wait3A_109 : memref<32x512xi32, #tpu.memory_space<hbm>>) dst(%arg6 : memref<32x512xi32, #tpu.memory_space<vmem>>)
    %dma_start3A_110 = arith.constant 0 : i32
    %dma_start3A_111 = arith.constant 0 : i32
    %dma_start3A_112 = tpu.memref_slice %arg4[%dma_start3A_110, %dma_start3A_111] : memref<10240x512xi32, #tpu.memory_space<hbm>> -> memref<10240x512xi32, #tpu.memory_space<hbm>>
    tpu.enqueue_indirect_dma source(%arg6 : memref<32x512xi32, #tpu.memory_space<vmem>>) target(%dma_start3A_112 : memref<10240x512xi32, #tpu.memory_space<hbm>>) offsets(%arg5 : memref<32xi32, #tpu.memory_space<vmem>>) semaphore(%arg8 : memref<!tpu.dma_semaphore, #tpu.memory_space<semaphore_mem>>)
    %dma_wait3A_113 = arith.constant 0 : i32
    %dma_wait3A_114 = tpu.memref_slice %arg2[%add3A_101, %dma_wait3A_113] : memref<8704x512xi32, #tpu.memory_space<hbm>> -> memref<32x512xi32, #tpu.memory_space<hbm>>
    %dma_wait3A_115 = arith.constant 0 : i32
    %dma_wait3A_116 = tpu.memref_slice %arg2[%add3A_101, %dma_wait3A_115] : memref<8704x512xi32, #tpu.memory_space<hbm>> -> memref<32x512xi32, #tpu.memory_space<hbm>>
    tpu.wait_dma2 semaphore(%arg11 : memref<!tpu.dma_semaphore, #tpu.memory_space<semaphore_mem>>) src(%dma_wait3A_116 : memref<32x512xi32, #tpu.memory_space<hbm>>) dst(%arg10 : memref<32x512xi32, #tpu.memory_space<vmem>>)
    %dma_start3A_117 = arith.constant 0 : i32
    %dma_start3A_118 = arith.constant 0 : i32
    %dma_start3A_119 = tpu.memref_slice %arg4[%dma_start3A_117, %dma_start3A_118] : memref<10240x512xi32, #tpu.memory_space<hbm>> -> memref<10240x512xi32, #tpu.memory_space<hbm>>
    tpu.enqueue_indirect_dma source(%arg10 : memref<32x512xi32, #tpu.memory_space<vmem>>) target(%dma_start3A_119 : memref<10240x512xi32, #tpu.memory_space<hbm>>) offsets(%arg9 : memref<32xi32, #tpu.memory_space<vmem>>) semaphore(%arg12 : memref<!tpu.dma_semaphore, #tpu.memory_space<semaphore_mem>>)
    %dma_wait3A_120 = arith.constant 0 : i32
    %dma_wait3A_121 = arith.constant 0 : i32
    %dma_wait3A_122 = tpu.memref_slice %arg4[%dma_wait3A_120, %dma_wait3A_121] : memref<10240x512xi32, #tpu.memory_space<hbm>> -> memref<10240x512xi32, #tpu.memory_space<hbm>>
    tpu.wait_indirect_dma semaphore(%arg8 : memref<!tpu.dma_semaphore, #tpu.memory_space<semaphore_mem>>) src(%arg6 : memref<32x512xi32, #tpu.memory_space<vmem>>) dst(%dma_wait3A_122 : memref<10240x512xi32, #tpu.memory_space<hbm>>)
    %dma_wait3A_123 = arith.constant 0 : i32
    %dma_wait3A_124 = arith.constant 0 : i32
    %dma_wait3A_125 = tpu.memref_slice %arg4[%dma_wait3A_123, %dma_wait3A_124] : memref<10240x512xi32, #tpu.memory_space<hbm>> -> memref<10240x512xi32, #tpu.memory_space<hbm>>
    tpu.wait_indirect_dma semaphore(%arg12 : memref<!tpu.dma_semaphore, #tpu.memory_space<semaphore_mem>>) src(%arg10 : memref<32x512xi32, #tpu.memory_space<vmem>>) dst(%dma_wait3A_125 : memref<10240x512xi32, #tpu.memory_space<hbm>>)
    %dma_wait3A_126 = arith.constant 0 : i32
    %dma_wait3A_127 = arith.constant 0 : i32
    %dma_wait3A_128 = tpu.memref_slice %arg4[%dma_wait3A_126, %dma_wait3A_127] : memref<10240x512xi32, #tpu.memory_space<hbm>> -> memref<10240x512xi32, #tpu.memory_space<hbm>>
    tpu.wait_indirect_dma semaphore(%arg16 : memref<!tpu.dma_semaphore, #tpu.memory_space<semaphore_mem>>) src(%arg14 : memref<32x512xi32, #tpu.memory_space<vmem>>) dst(%dma_wait3A_128 : memref<10240x512xi32, #tpu.memory_space<hbm>>)
    return
  }
}

#map = affine_map<(d0, d1) -> (0, 0)>
#map1 = affine_map<(d0, d1) -> (0)>
module attributes {stable_mosaic.version = 14 : i64} {
  func.func @body(%arg0: i32, %arg1: i32, %arg2: memref<10240x1024xf32, #tpu.memory_space<hbm>>, %arg3: memref<8192xi32, #tpu.memory_space<hbm>>, %arg4: memref<8192x1024xf32, #tpu.memory_space<hbm>>, %arg5: memref<32xi32, #tpu.memory_space<vmem>>, %arg6: memref<32x1024xf32, #tpu.memory_space<vmem>>, %arg7: memref<!tpu.dma_semaphore, #tpu.memory_space<semaphore_mem>>, %arg8: memref<!tpu.dma_semaphore, #tpu.memory_space<semaphore_mem>>, %arg9: memref<32xi32, #tpu.memory_space<vmem>>, %arg10: memref<32x1024xf32, #tpu.memory_space<vmem>>, %arg11: memref<!tpu.dma_semaphore, #tpu.memory_space<semaphore_mem>>, %arg12: memref<!tpu.dma_semaphore, #tpu.memory_space<semaphore_mem>>, %arg13: memref<32xi32, #tpu.memory_space<vmem>>, %arg14: memref<32x1024xf32, #tpu.memory_space<vmem>>, %arg15: memref<!tpu.dma_semaphore, #tpu.memory_space<semaphore_mem>>, %arg16: memref<!tpu.dma_semaphore, #tpu.memory_space<semaphore_mem>>) attributes {dimension_semantics = [#tpu.dimension_semantics<core_parallel>, #tpu.dimension_semantics<subcore_parallel>], iteration_bounds = array<i64: 2, 16>, scalar_prefetch = 0 : i64, scratch_operands = 12 : i64, tpu.core_type = #tpu.core_type<sc_vector_subcore>, window_params = [{transform_indices = #map}, {transform_indices = #map1}, {transform_indices = #map}]} {
    %mul3A = arith.constant 2 : i32
    %mul3A_0 = arith.muli %arg1, %mul3A : i32
    %add3A = arith.addi %mul3A_0, %arg0 : i32
    %mul3A_1 = arith.constant 256 : i32
    %mul3A_2 = arith.muli %add3A, %mul3A_1 : i32
    %add3A_3 = arith.constant 0 : i32
    %add3A_4 = arith.addi %mul3A_2, %add3A_3 : i32
    "tpu.region"() ({
      %run_scoped3A = tpu.sem_alloc : memref<!tpu.dma_semaphore, #tpu.memory_space<semaphore_mem>>
      %dma_start3A_145 = tpu.memref_slice %arg3[%add3A_4] : memref<8192xi32, #tpu.memory_space<hbm>> -> memref<32xi32, #tpu.memory_space<hbm>>
      %dma_start3A_146 = tpu.memref_slice %arg3[%add3A_4] : memref<8192xi32, #tpu.memory_space<hbm>> -> memref<32xi32, #tpu.memory_space<hbm>>
      tpu.enqueue_dma source(%dma_start3A_146 : memref<32xi32, #tpu.memory_space<hbm>>) target(%arg5 : memref<32xi32, #tpu.memory_space<vmem>>) target_semaphore(%run_scoped3A : memref<!tpu.dma_semaphore, #tpu.memory_space<semaphore_mem>>)
      %dma_wait3A_147 = tpu.memref_slice %arg3[%add3A_4] : memref<8192xi32, #tpu.memory_space<hbm>> -> memref<32xi32, #tpu.memory_space<hbm>>
      %dma_wait3A_148 = tpu.memref_slice %arg3[%add3A_4] : memref<8192xi32, #tpu.memory_space<hbm>> -> memref<32xi32, #tpu.memory_space<hbm>>
      tpu.wait_dma2 semaphore(%run_scoped3A : memref<!tpu.dma_semaphore, #tpu.memory_space<semaphore_mem>>) src(%dma_wait3A_148 : memref<32xi32, #tpu.memory_space<hbm>>) dst(%arg5 : memref<32xi32, #tpu.memory_space<vmem>>)
      tpu.yield
    }) : () -> ()
    %dma_start3A = arith.constant 0 : i32
    %dma_start3A_5 = arith.constant 0 : i32
    %dma_start3A_6 = tpu.memref_slice %arg2[%dma_start3A, %dma_start3A_5] : memref<10240x1024xf32, #tpu.memory_space<hbm>> -> memref<10240x1024xf32, #tpu.memory_space<hbm>>
    tpu.enqueue_indirect_dma source(%dma_start3A_6 : memref<10240x1024xf32, #tpu.memory_space<hbm>>) target(%arg6 : memref<32x1024xf32, #tpu.memory_space<vmem>>) offsets(%arg5 : memref<32xi32, #tpu.memory_space<vmem>>) semaphore(%arg7 : memref<!tpu.dma_semaphore, #tpu.memory_space<semaphore_mem>>)
    %add3A_7 = arith.constant 32 : i32
    %add3A_8 = arith.addi %mul3A_2, %add3A_7 : i32
    "tpu.region"() ({
      %run_scoped3A = tpu.sem_alloc : memref<!tpu.dma_semaphore, #tpu.memory_space<semaphore_mem>>
      %dma_start3A_145 = tpu.memref_slice %arg3[%add3A_8] : memref<8192xi32, #tpu.memory_space<hbm>> -> memref<32xi32, #tpu.memory_space<hbm>>
      %dma_start3A_146 = tpu.memref_slice %arg3[%add3A_8] : memref<8192xi32, #tpu.memory_space<hbm>> -> memref<32xi32, #tpu.memory_space<hbm>>
      tpu.enqueue_dma source(%dma_start3A_146 : memref<32xi32, #tpu.memory_space<hbm>>) target(%arg9 : memref<32xi32, #tpu.memory_space<vmem>>) target_semaphore(%run_scoped3A : memref<!tpu.dma_semaphore, #tpu.memory_space<semaphore_mem>>)
      %dma_wait3A_147 = tpu.memref_slice %arg3[%add3A_8] : memref<8192xi32, #tpu.memory_space<hbm>> -> memref<32xi32, #tpu.memory_space<hbm>>
      %dma_wait3A_148 = tpu.memref_slice %arg3[%add3A_8] : memref<8192xi32, #tpu.memory_space<hbm>> -> memref<32xi32, #tpu.memory_space<hbm>>
      tpu.wait_dma2 semaphore(%run_scoped3A : memref<!tpu.dma_semaphore, #tpu.memory_space<semaphore_mem>>) src(%dma_wait3A_148 : memref<32xi32, #tpu.memory_space<hbm>>) dst(%arg9 : memref<32xi32, #tpu.memory_space<vmem>>)
      tpu.yield
    }) : () -> ()
    %dma_start3A_9 = arith.constant 0 : i32
    %dma_start3A_10 = arith.constant 0 : i32
    %dma_start3A_11 = tpu.memref_slice %arg2[%dma_start3A_9, %dma_start3A_10] : memref<10240x1024xf32, #tpu.memory_space<hbm>> -> memref<10240x1024xf32, #tpu.memory_space<hbm>>
    tpu.enqueue_indirect_dma source(%dma_start3A_11 : memref<10240x1024xf32, #tpu.memory_space<hbm>>) target(%arg10 : memref<32x1024xf32, #tpu.memory_space<vmem>>) offsets(%arg9 : memref<32xi32, #tpu.memory_space<vmem>>) semaphore(%arg11 : memref<!tpu.dma_semaphore, #tpu.memory_space<semaphore_mem>>)
    %dma_wait3A = arith.constant 0 : i32
    %dma_wait3A_12 = arith.constant 0 : i32
    %dma_wait3A_13 = tpu.memref_slice %arg2[%dma_wait3A, %dma_wait3A_12] : memref<10240x1024xf32, #tpu.memory_space<hbm>> -> memref<10240x1024xf32, #tpu.memory_space<hbm>>
    tpu.wait_indirect_dma semaphore(%arg7 : memref<!tpu.dma_semaphore, #tpu.memory_space<semaphore_mem>>) src(%dma_wait3A_13 : memref<10240x1024xf32, #tpu.memory_space<hbm>>) dst(%arg6 : memref<32x1024xf32, #tpu.memory_space<vmem>>)
    %add3A_14 = arith.constant 0 : i32
    %add3A_15 = arith.addi %mul3A_2, %add3A_14 : i32
    %dma_start3A_16 = arith.constant 0 : i32
    %dma_start3A_17 = tpu.memref_slice %arg4[%add3A_15, %dma_start3A_16] : memref<8192x1024xf32, #tpu.memory_space<hbm>> -> memref<32x1024xf32, #tpu.memory_space<hbm>>
    %dma_start3A_18 = arith.constant 0 : i32
    %dma_start3A_19 = tpu.memref_slice %arg4[%add3A_15, %dma_start3A_18] : memref<8192x1024xf32, #tpu.memory_space<hbm>> -> memref<32x1024xf32, #tpu.memory_space<hbm>>
    tpu.enqueue_dma source(%arg6 : memref<32x1024xf32, #tpu.memory_space<vmem>>) target(%dma_start3A_19 : memref<32x1024xf32, #tpu.memory_space<hbm>>) target_semaphore(%arg8 : memref<!tpu.dma_semaphore, #tpu.memory_space<semaphore_mem>>)
    %add3A_20 = arith.constant 64 : i32
    %add3A_21 = arith.addi %mul3A_2, %add3A_20 : i32
    "tpu.region"() ({
      %run_scoped3A = tpu.sem_alloc : memref<!tpu.dma_semaphore, #tpu.memory_space<semaphore_mem>>
      %dma_start3A_145 = tpu.memref_slice %arg3[%add3A_21] : memref<8192xi32, #tpu.memory_space<hbm>> -> memref<32xi32, #tpu.memory_space<hbm>>
      %dma_start3A_146 = tpu.memref_slice %arg3[%add3A_21] : memref<8192xi32, #tpu.memory_space<hbm>> -> memref<32xi32, #tpu.memory_space<hbm>>
      tpu.enqueue_dma source(%dma_start3A_146 : memref<32xi32, #tpu.memory_space<hbm>>) target(%arg13 : memref<32xi32, #tpu.memory_space<vmem>>) target_semaphore(%run_scoped3A : memref<!tpu.dma_semaphore, #tpu.memory_space<semaphore_mem>>)
      %dma_wait3A_147 = tpu.memref_slice %arg3[%add3A_21] : memref<8192xi32, #tpu.memory_space<hbm>> -> memref<32xi32, #tpu.memory_space<hbm>>
      %dma_wait3A_148 = tpu.memref_slice %arg3[%add3A_21] : memref<8192xi32, #tpu.memory_space<hbm>> -> memref<32xi32, #tpu.memory_space<hbm>>
      tpu.wait_dma2 semaphore(%run_scoped3A : memref<!tpu.dma_semaphore, #tpu.memory_space<semaphore_mem>>) src(%dma_wait3A_148 : memref<32xi32, #tpu.memory_space<hbm>>) dst(%arg13 : memref<32xi32, #tpu.memory_space<vmem>>)
      tpu.yield
    }) : () -> ()
    %dma_start3A_22 = arith.constant 0 : i32
    %dma_start3A_23 = arith.constant 0 : i32
    %dma_start3A_24 = tpu.memref_slice %arg2[%dma_start3A_22, %dma_start3A_23] : memref<10240x1024xf32, #tpu.memory_space<hbm>> -> memref<10240x1024xf32, #tpu.memory_space<hbm>>
    tpu.enqueue_indirect_dma source(%dma_start3A_24 : memref<10240x1024xf32, #tpu.memory_space<hbm>>) target(%arg14 : memref<32x1024xf32, #tpu.memory_space<vmem>>) offsets(%arg13 : memref<32xi32, #tpu.memory_space<vmem>>) semaphore(%arg15 : memref<!tpu.dma_semaphore, #tpu.memory_space<semaphore_mem>>)
    %dma_wait3A_25 = arith.constant 0 : i32
    %dma_wait3A_26 = arith.constant 0 : i32
    %dma_wait3A_27 = tpu.memref_slice %arg2[%dma_wait3A_25, %dma_wait3A_26] : memref<10240x1024xf32, #tpu.memory_space<hbm>> -> memref<10240x1024xf32, #tpu.memory_space<hbm>>
    tpu.wait_indirect_dma semaphore(%arg11 : memref<!tpu.dma_semaphore, #tpu.memory_space<semaphore_mem>>) src(%dma_wait3A_27 : memref<10240x1024xf32, #tpu.memory_space<hbm>>) dst(%arg10 : memref<32x1024xf32, #tpu.memory_space<vmem>>)
    %add3A_28 = arith.constant 32 : i32
    %add3A_29 = arith.addi %mul3A_2, %add3A_28 : i32
    %dma_start3A_30 = arith.constant 0 : i32
    %dma_start3A_31 = tpu.memref_slice %arg4[%add3A_29, %dma_start3A_30] : memref<8192x1024xf32, #tpu.memory_space<hbm>> -> memref<32x1024xf32, #tpu.memory_space<hbm>>
    %dma_start3A_32 = arith.constant 0 : i32
    %dma_start3A_33 = tpu.memref_slice %arg4[%add3A_29, %dma_start3A_32] : memref<8192x1024xf32, #tpu.memory_space<hbm>> -> memref<32x1024xf32, #tpu.memory_space<hbm>>
    tpu.enqueue_dma source(%arg10 : memref<32x1024xf32, #tpu.memory_space<vmem>>) target(%dma_start3A_33 : memref<32x1024xf32, #tpu.memory_space<hbm>>) target_semaphore(%arg12 : memref<!tpu.dma_semaphore, #tpu.memory_space<semaphore_mem>>)
    %dma_wait3A_34 = arith.constant 0 : i32
    %dma_wait3A_35 = tpu.memref_slice %arg4[%add3A_15, %dma_wait3A_34] : memref<8192x1024xf32, #tpu.memory_space<hbm>> -> memref<32x1024xf32, #tpu.memory_space<hbm>>
    %dma_wait3A_36 = arith.constant 0 : i32
    %dma_wait3A_37 = tpu.memref_slice %arg4[%add3A_15, %dma_wait3A_36] : memref<8192x1024xf32, #tpu.memory_space<hbm>> -> memref<32x1024xf32, #tpu.memory_space<hbm>>
    tpu.wait_dma2 semaphore(%arg8 : memref<!tpu.dma_semaphore, #tpu.memory_space<semaphore_mem>>) src(%arg6 : memref<32x1024xf32, #tpu.memory_space<vmem>>) dst(%dma_wait3A_37 : memref<32x1024xf32, #tpu.memory_space<hbm>>)
    %add3A_38 = arith.constant 96 : i32
    %add3A_39 = arith.addi %mul3A_2, %add3A_38 : i32
    "tpu.region"() ({
      %run_scoped3A = tpu.sem_alloc : memref<!tpu.dma_semaphore, #tpu.memory_space<semaphore_mem>>
      %dma_start3A_145 = tpu.memref_slice %arg3[%add3A_39] : memref<8192xi32, #tpu.memory_space<hbm>> -> memref<32xi32, #tpu.memory_space<hbm>>
      %dma_start3A_146 = tpu.memref_slice %arg3[%add3A_39] : memref<8192xi32, #tpu.memory_space<hbm>> -> memref<32xi32, #tpu.memory_space<hbm>>
      tpu.enqueue_dma source(%dma_start3A_146 : memref<32xi32, #tpu.memory_space<hbm>>) target(%arg5 : memref<32xi32, #tpu.memory_space<vmem>>) target_semaphore(%run_scoped3A : memref<!tpu.dma_semaphore, #tpu.memory_space<semaphore_mem>>)
      %dma_wait3A_147 = tpu.memref_slice %arg3[%add3A_39] : memref<8192xi32, #tpu.memory_space<hbm>> -> memref<32xi32, #tpu.memory_space<hbm>>
      %dma_wait3A_148 = tpu.memref_slice %arg3[%add3A_39] : memref<8192xi32, #tpu.memory_space<hbm>> -> memref<32xi32, #tpu.memory_space<hbm>>
      tpu.wait_dma2 semaphore(%run_scoped3A : memref<!tpu.dma_semaphore, #tpu.memory_space<semaphore_mem>>) src(%dma_wait3A_148 : memref<32xi32, #tpu.memory_space<hbm>>) dst(%arg5 : memref<32xi32, #tpu.memory_space<vmem>>)
      tpu.yield
    }) : () -> ()
    %dma_start3A_40 = arith.constant 0 : i32
    %dma_start3A_41 = arith.constant 0 : i32
    %dma_start3A_42 = tpu.memref_slice %arg2[%dma_start3A_40, %dma_start3A_41] : memref<10240x1024xf32, #tpu.memory_space<hbm>> -> memref<10240x1024xf32, #tpu.memory_space<hbm>>
    tpu.enqueue_indirect_dma source(%dma_start3A_42 : memref<10240x1024xf32, #tpu.memory_space<hbm>>) target(%arg6 : memref<32x1024xf32, #tpu.memory_space<vmem>>) offsets(%arg5 : memref<32xi32, #tpu.memory_space<vmem>>) semaphore(%arg7 : memref<!tpu.dma_semaphore, #tpu.memory_space<semaphore_mem>>)
    %dma_wait3A_43 = arith.constant 0 : i32
    %dma_wait3A_44 = arith.constant 0 : i32
    %dma_wait3A_45 = tpu.memref_slice %arg2[%dma_wait3A_43, %dma_wait3A_44] : memref<10240x1024xf32, #tpu.memory_space<hbm>> -> memref<10240x1024xf32, #tpu.memory_space<hbm>>
    tpu.wait_indirect_dma semaphore(%arg15 : memref<!tpu.dma_semaphore, #tpu.memory_space<semaphore_mem>>) src(%dma_wait3A_45 : memref<10240x1024xf32, #tpu.memory_space<hbm>>) dst(%arg14 : memref<32x1024xf32, #tpu.memory_space<vmem>>)
    %add3A_46 = arith.constant 64 : i32
    %add3A_47 = arith.addi %mul3A_2, %add3A_46 : i32
    %dma_start3A_48 = arith.constant 0 : i32
    %dma_start3A_49 = tpu.memref_slice %arg4[%add3A_47, %dma_start3A_48] : memref<8192x1024xf32, #tpu.memory_space<hbm>> -> memref<32x1024xf32, #tpu.memory_space<hbm>>
    %dma_start3A_50 = arith.constant 0 : i32
    %dma_start3A_51 = tpu.memref_slice %arg4[%add3A_47, %dma_start3A_50] : memref<8192x1024xf32, #tpu.memory_space<hbm>> -> memref<32x1024xf32, #tpu.memory_space<hbm>>
    tpu.enqueue_dma source(%arg14 : memref<32x1024xf32, #tpu.memory_space<vmem>>) target(%dma_start3A_51 : memref<32x1024xf32, #tpu.memory_space<hbm>>) target_semaphore(%arg16 : memref<!tpu.dma_semaphore, #tpu.memory_space<semaphore_mem>>)
    %dma_wait3A_52 = arith.constant 0 : i32
    %dma_wait3A_53 = tpu.memref_slice %arg4[%add3A_29, %dma_wait3A_52] : memref<8192x1024xf32, #tpu.memory_space<hbm>> -> memref<32x1024xf32, #tpu.memory_space<hbm>>
    %dma_wait3A_54 = arith.constant 0 : i32
    %dma_wait3A_55 = tpu.memref_slice %arg4[%add3A_29, %dma_wait3A_54] : memref<8192x1024xf32, #tpu.memory_space<hbm>> -> memref<32x1024xf32, #tpu.memory_space<hbm>>
    tpu.wait_dma2 semaphore(%arg12 : memref<!tpu.dma_semaphore, #tpu.memory_space<semaphore_mem>>) src(%arg10 : memref<32x1024xf32, #tpu.memory_space<vmem>>) dst(%dma_wait3A_55 : memref<32x1024xf32, #tpu.memory_space<hbm>>)
    %add3A_56 = arith.constant 128 : i32
    %add3A_57 = arith.addi %mul3A_2, %add3A_56 : i32
    "tpu.region"() ({
      %run_scoped3A = tpu.sem_alloc : memref<!tpu.dma_semaphore, #tpu.memory_space<semaphore_mem>>
      %dma_start3A_145 = tpu.memref_slice %arg3[%add3A_57] : memref<8192xi32, #tpu.memory_space<hbm>> -> memref<32xi32, #tpu.memory_space<hbm>>
      %dma_start3A_146 = tpu.memref_slice %arg3[%add3A_57] : memref<8192xi32, #tpu.memory_space<hbm>> -> memref<32xi32, #tpu.memory_space<hbm>>
      tpu.enqueue_dma source(%dma_start3A_146 : memref<32xi32, #tpu.memory_space<hbm>>) target(%arg9 : memref<32xi32, #tpu.memory_space<vmem>>) target_semaphore(%run_scoped3A : memref<!tpu.dma_semaphore, #tpu.memory_space<semaphore_mem>>)
      %dma_wait3A_147 = tpu.memref_slice %arg3[%add3A_57] : memref<8192xi32, #tpu.memory_space<hbm>> -> memref<32xi32, #tpu.memory_space<hbm>>
      %dma_wait3A_148 = tpu.memref_slice %arg3[%add3A_57] : memref<8192xi32, #tpu.memory_space<hbm>> -> memref<32xi32, #tpu.memory_space<hbm>>
      tpu.wait_dma2 semaphore(%run_scoped3A : memref<!tpu.dma_semaphore, #tpu.memory_space<semaphore_mem>>) src(%dma_wait3A_148 : memref<32xi32, #tpu.memory_space<hbm>>) dst(%arg9 : memref<32xi32, #tpu.memory_space<vmem>>)
      tpu.yield
    }) : () -> ()
    %dma_start3A_58 = arith.constant 0 : i32
    %dma_start3A_59 = arith.constant 0 : i32
    %dma_start3A_60 = tpu.memref_slice %arg2[%dma_start3A_58, %dma_start3A_59] : memref<10240x1024xf32, #tpu.memory_space<hbm>> -> memref<10240x1024xf32, #tpu.memory_space<hbm>>
    tpu.enqueue_indirect_dma source(%dma_start3A_60 : memref<10240x1024xf32, #tpu.memory_space<hbm>>) target(%arg10 : memref<32x1024xf32, #tpu.memory_space<vmem>>) offsets(%arg9 : memref<32xi32, #tpu.memory_space<vmem>>) semaphore(%arg11 : memref<!tpu.dma_semaphore, #tpu.memory_space<semaphore_mem>>)
    %dma_wait3A_61 = arith.constant 0 : i32
    %dma_wait3A_62 = arith.constant 0 : i32
    %dma_wait3A_63 = tpu.memref_slice %arg2[%dma_wait3A_61, %dma_wait3A_62] : memref<10240x1024xf32, #tpu.memory_space<hbm>> -> memref<10240x1024xf32, #tpu.memory_space<hbm>>
    tpu.wait_indirect_dma semaphore(%arg7 : memref<!tpu.dma_semaphore, #tpu.memory_space<semaphore_mem>>) src(%dma_wait3A_63 : memref<10240x1024xf32, #tpu.memory_space<hbm>>) dst(%arg6 : memref<32x1024xf32, #tpu.memory_space<vmem>>)
    %add3A_64 = arith.constant 96 : i32
    %add3A_65 = arith.addi %mul3A_2, %add3A_64 : i32
    %dma_start3A_66 = arith.constant 0 : i32
    %dma_start3A_67 = tpu.memref_slice %arg4[%add3A_65, %dma_start3A_66] : memref<8192x1024xf32, #tpu.memory_space<hbm>> -> memref<32x1024xf32, #tpu.memory_space<hbm>>
    %dma_start3A_68 = arith.constant 0 : i32
    %dma_start3A_69 = tpu.memref_slice %arg4[%add3A_65, %dma_start3A_68] : memref<8192x1024xf32, #tpu.memory_space<hbm>> -> memref<32x1024xf32, #tpu.memory_space<hbm>>
    tpu.enqueue_dma source(%arg6 : memref<32x1024xf32, #tpu.memory_space<vmem>>) target(%dma_start3A_69 : memref<32x1024xf32, #tpu.memory_space<hbm>>) target_semaphore(%arg8 : memref<!tpu.dma_semaphore, #tpu.memory_space<semaphore_mem>>)
    %dma_wait3A_70 = arith.constant 0 : i32
    %dma_wait3A_71 = tpu.memref_slice %arg4[%add3A_47, %dma_wait3A_70] : memref<8192x1024xf32, #tpu.memory_space<hbm>> -> memref<32x1024xf32, #tpu.memory_space<hbm>>
    %dma_wait3A_72 = arith.constant 0 : i32
    %dma_wait3A_73 = tpu.memref_slice %arg4[%add3A_47, %dma_wait3A_72] : memref<8192x1024xf32, #tpu.memory_space<hbm>> -> memref<32x1024xf32, #tpu.memory_space<hbm>>
    tpu.wait_dma2 semaphore(%arg16 : memref<!tpu.dma_semaphore, #tpu.memory_space<semaphore_mem>>) src(%arg14 : memref<32x1024xf32, #tpu.memory_space<vmem>>) dst(%dma_wait3A_73 : memref<32x1024xf32, #tpu.memory_space<hbm>>)
    %add3A_74 = arith.constant 160 : i32
    %add3A_75 = arith.addi %mul3A_2, %add3A_74 : i32
    "tpu.region"() ({
      %run_scoped3A = tpu.sem_alloc : memref<!tpu.dma_semaphore, #tpu.memory_space<semaphore_mem>>
      %dma_start3A_145 = tpu.memref_slice %arg3[%add3A_75] : memref<8192xi32, #tpu.memory_space<hbm>> -> memref<32xi32, #tpu.memory_space<hbm>>
      %dma_start3A_146 = tpu.memref_slice %arg3[%add3A_75] : memref<8192xi32, #tpu.memory_space<hbm>> -> memref<32xi32, #tpu.memory_space<hbm>>
      tpu.enqueue_dma source(%dma_start3A_146 : memref<32xi32, #tpu.memory_space<hbm>>) target(%arg13 : memref<32xi32, #tpu.memory_space<vmem>>) target_semaphore(%run_scoped3A : memref<!tpu.dma_semaphore, #tpu.memory_space<semaphore_mem>>)
      %dma_wait3A_147 = tpu.memref_slice %arg3[%add3A_75] : memref<8192xi32, #tpu.memory_space<hbm>> -> memref<32xi32, #tpu.memory_space<hbm>>
      %dma_wait3A_148 = tpu.memref_slice %arg3[%add3A_75] : memref<8192xi32, #tpu.memory_space<hbm>> -> memref<32xi32, #tpu.memory_space<hbm>>
      tpu.wait_dma2 semaphore(%run_scoped3A : memref<!tpu.dma_semaphore, #tpu.memory_space<semaphore_mem>>) src(%dma_wait3A_148 : memref<32xi32, #tpu.memory_space<hbm>>) dst(%arg13 : memref<32xi32, #tpu.memory_space<vmem>>)
      tpu.yield
    }) : () -> ()
    %dma_start3A_76 = arith.constant 0 : i32
    %dma_start3A_77 = arith.constant 0 : i32
    %dma_start3A_78 = tpu.memref_slice %arg2[%dma_start3A_76, %dma_start3A_77] : memref<10240x1024xf32, #tpu.memory_space<hbm>> -> memref<10240x1024xf32, #tpu.memory_space<hbm>>
    tpu.enqueue_indirect_dma source(%dma_start3A_78 : memref<10240x1024xf32, #tpu.memory_space<hbm>>) target(%arg14 : memref<32x1024xf32, #tpu.memory_space<vmem>>) offsets(%arg13 : memref<32xi32, #tpu.memory_space<vmem>>) semaphore(%arg15 : memref<!tpu.dma_semaphore, #tpu.memory_space<semaphore_mem>>)
    %dma_wait3A_79 = arith.constant 0 : i32
    %dma_wait3A_80 = arith.constant 0 : i32
    %dma_wait3A_81 = tpu.memref_slice %arg2[%dma_wait3A_79, %dma_wait3A_80] : memref<10240x1024xf32, #tpu.memory_space<hbm>> -> memref<10240x1024xf32, #tpu.memory_space<hbm>>
    tpu.wait_indirect_dma semaphore(%arg11 : memref<!tpu.dma_semaphore, #tpu.memory_space<semaphore_mem>>) src(%dma_wait3A_81 : memref<10240x1024xf32, #tpu.memory_space<hbm>>) dst(%arg10 : memref<32x1024xf32, #tpu.memory_space<vmem>>)
    %add3A_82 = arith.constant 128 : i32
    %add3A_83 = arith.addi %mul3A_2, %add3A_82 : i32
    %dma_start3A_84 = arith.constant 0 : i32
    %dma_start3A_85 = tpu.memref_slice %arg4[%add3A_83, %dma_start3A_84] : memref<8192x1024xf32, #tpu.memory_space<hbm>> -> memref<32x1024xf32, #tpu.memory_space<hbm>>
    %dma_start3A_86 = arith.constant 0 : i32
    %dma_start3A_87 = tpu.memref_slice %arg4[%add3A_83, %dma_start3A_86] : memref<8192x1024xf32, #tpu.memory_space<hbm>> -> memref<32x1024xf32, #tpu.memory_space<hbm>>
    tpu.enqueue_dma source(%arg10 : memref<32x1024xf32, #tpu.memory_space<vmem>>) target(%dma_start3A_87 : memref<32x1024xf32, #tpu.memory_space<hbm>>) target_semaphore(%arg12 : memref<!tpu.dma_semaphore, #tpu.memory_space<semaphore_mem>>)
    %dma_wait3A_88 = arith.constant 0 : i32
    %dma_wait3A_89 = tpu.memref_slice %arg4[%add3A_65, %dma_wait3A_88] : memref<8192x1024xf32, #tpu.memory_space<hbm>> -> memref<32x1024xf32, #tpu.memory_space<hbm>>
    %dma_wait3A_90 = arith.constant 0 : i32
    %dma_wait3A_91 = tpu.memref_slice %arg4[%add3A_65, %dma_wait3A_90] : memref<8192x1024xf32, #tpu.memory_space<hbm>> -> memref<32x1024xf32, #tpu.memory_space<hbm>>
    tpu.wait_dma2 semaphore(%arg8 : memref<!tpu.dma_semaphore, #tpu.memory_space<semaphore_mem>>) src(%arg6 : memref<32x1024xf32, #tpu.memory_space<vmem>>) dst(%dma_wait3A_91 : memref<32x1024xf32, #tpu.memory_space<hbm>>)
    %add3A_92 = arith.constant 192 : i32
    %add3A_93 = arith.addi %mul3A_2, %add3A_92 : i32
    "tpu.region"() ({
      %run_scoped3A = tpu.sem_alloc : memref<!tpu.dma_semaphore, #tpu.memory_space<semaphore_mem>>
      %dma_start3A_145 = tpu.memref_slice %arg3[%add3A_93] : memref<8192xi32, #tpu.memory_space<hbm>> -> memref<32xi32, #tpu.memory_space<hbm>>
      %dma_start3A_146 = tpu.memref_slice %arg3[%add3A_93] : memref<8192xi32, #tpu.memory_space<hbm>> -> memref<32xi32, #tpu.memory_space<hbm>>
      tpu.enqueue_dma source(%dma_start3A_146 : memref<32xi32, #tpu.memory_space<hbm>>) target(%arg5 : memref<32xi32, #tpu.memory_space<vmem>>) target_semaphore(%run_scoped3A : memref<!tpu.dma_semaphore, #tpu.memory_space<semaphore_mem>>)
      %dma_wait3A_147 = tpu.memref_slice %arg3[%add3A_93] : memref<8192xi32, #tpu.memory_space<hbm>> -> memref<32xi32, #tpu.memory_space<hbm>>
      %dma_wait3A_148 = tpu.memref_slice %arg3[%add3A_93] : memref<8192xi32, #tpu.memory_space<hbm>> -> memref<32xi32, #tpu.memory_space<hbm>>
      tpu.wait_dma2 semaphore(%run_scoped3A : memref<!tpu.dma_semaphore, #tpu.memory_space<semaphore_mem>>) src(%dma_wait3A_148 : memref<32xi32, #tpu.memory_space<hbm>>) dst(%arg5 : memref<32xi32, #tpu.memory_space<vmem>>)
      tpu.yield
    }) : () -> ()
    %dma_start3A_94 = arith.constant 0 : i32
    %dma_start3A_95 = arith.constant 0 : i32
    %dma_start3A_96 = tpu.memref_slice %arg2[%dma_start3A_94, %dma_start3A_95] : memref<10240x1024xf32, #tpu.memory_space<hbm>> -> memref<10240x1024xf32, #tpu.memory_space<hbm>>
    tpu.enqueue_indirect_dma source(%dma_start3A_96 : memref<10240x1024xf32, #tpu.memory_space<hbm>>) target(%arg6 : memref<32x1024xf32, #tpu.memory_space<vmem>>) offsets(%arg5 : memref<32xi32, #tpu.memory_space<vmem>>) semaphore(%arg7 : memref<!tpu.dma_semaphore, #tpu.memory_space<semaphore_mem>>)
    %dma_wait3A_97 = arith.constant 0 : i32
    %dma_wait3A_98 = arith.constant 0 : i32
    %dma_wait3A_99 = tpu.memref_slice %arg2[%dma_wait3A_97, %dma_wait3A_98] : memref<10240x1024xf32, #tpu.memory_space<hbm>> -> memref<10240x1024xf32, #tpu.memory_space<hbm>>
    tpu.wait_indirect_dma semaphore(%arg15 : memref<!tpu.dma_semaphore, #tpu.memory_space<semaphore_mem>>) src(%dma_wait3A_99 : memref<10240x1024xf32, #tpu.memory_space<hbm>>) dst(%arg14 : memref<32x1024xf32, #tpu.memory_space<vmem>>)
    %add3A_100 = arith.constant 160 : i32
    %add3A_101 = arith.addi %mul3A_2, %add3A_100 : i32
    %dma_start3A_102 = arith.constant 0 : i32
    %dma_start3A_103 = tpu.memref_slice %arg4[%add3A_101, %dma_start3A_102] : memref<8192x1024xf32, #tpu.memory_space<hbm>> -> memref<32x1024xf32, #tpu.memory_space<hbm>>
    %dma_start3A_104 = arith.constant 0 : i32
    %dma_start3A_105 = tpu.memref_slice %arg4[%add3A_101, %dma_start3A_104] : memref<8192x1024xf32, #tpu.memory_space<hbm>> -> memref<32x1024xf32, #tpu.memory_space<hbm>>
    tpu.enqueue_dma source(%arg14 : memref<32x1024xf32, #tpu.memory_space<vmem>>) target(%dma_start3A_105 : memref<32x1024xf32, #tpu.memory_space<hbm>>) target_semaphore(%arg16 : memref<!tpu.dma_semaphore, #tpu.memory_space<semaphore_mem>>)
    %dma_wait3A_106 = arith.constant 0 : i32
    %dma_wait3A_107 = tpu.memref_slice %arg4[%add3A_83, %dma_wait3A_106] : memref<8192x1024xf32, #tpu.memory_space<hbm>> -> memref<32x1024xf32, #tpu.memory_space<hbm>>
    %dma_wait3A_108 = arith.constant 0 : i32
    %dma_wait3A_109 = tpu.memref_slice %arg4[%add3A_83, %dma_wait3A_108] : memref<8192x1024xf32, #tpu.memory_space<hbm>> -> memref<32x1024xf32, #tpu.memory_space<hbm>>
    tpu.wait_dma2 semaphore(%arg12 : memref<!tpu.dma_semaphore, #tpu.memory_space<semaphore_mem>>) src(%arg10 : memref<32x1024xf32, #tpu.memory_space<vmem>>) dst(%dma_wait3A_109 : memref<32x1024xf32, #tpu.memory_space<hbm>>)
    %add3A_110 = arith.constant 224 : i32
    %add3A_111 = arith.addi %mul3A_2, %add3A_110 : i32
    "tpu.region"() ({
      %run_scoped3A = tpu.sem_alloc : memref<!tpu.dma_semaphore, #tpu.memory_space<semaphore_mem>>
      %dma_start3A_145 = tpu.memref_slice %arg3[%add3A_111] : memref<8192xi32, #tpu.memory_space<hbm>> -> memref<32xi32, #tpu.memory_space<hbm>>
      %dma_start3A_146 = tpu.memref_slice %arg3[%add3A_111] : memref<8192xi32, #tpu.memory_space<hbm>> -> memref<32xi32, #tpu.memory_space<hbm>>
      tpu.enqueue_dma source(%dma_start3A_146 : memref<32xi32, #tpu.memory_space<hbm>>) target(%arg9 : memref<32xi32, #tpu.memory_space<vmem>>) target_semaphore(%run_scoped3A : memref<!tpu.dma_semaphore, #tpu.memory_space<semaphore_mem>>)
      %dma_wait3A_147 = tpu.memref_slice %arg3[%add3A_111] : memref<8192xi32, #tpu.memory_space<hbm>> -> memref<32xi32, #tpu.memory_space<hbm>>
      %dma_wait3A_148 = tpu.memref_slice %arg3[%add3A_111] : memref<8192xi32, #tpu.memory_space<hbm>> -> memref<32xi32, #tpu.memory_space<hbm>>
      tpu.wait_dma2 semaphore(%run_scoped3A : memref<!tpu.dma_semaphore, #tpu.memory_space<semaphore_mem>>) src(%dma_wait3A_148 : memref<32xi32, #tpu.memory_space<hbm>>) dst(%arg9 : memref<32xi32, #tpu.memory_space<vmem>>)
      tpu.yield
    }) : () -> ()
    %dma_start3A_112 = arith.constant 0 : i32
    %dma_start3A_113 = arith.constant 0 : i32
    %dma_start3A_114 = tpu.memref_slice %arg2[%dma_start3A_112, %dma_start3A_113] : memref<10240x1024xf32, #tpu.memory_space<hbm>> -> memref<10240x1024xf32, #tpu.memory_space<hbm>>
    tpu.enqueue_indirect_dma source(%dma_start3A_114 : memref<10240x1024xf32, #tpu.memory_space<hbm>>) target(%arg10 : memref<32x1024xf32, #tpu.memory_space<vmem>>) offsets(%arg9 : memref<32xi32, #tpu.memory_space<vmem>>) semaphore(%arg11 : memref<!tpu.dma_semaphore, #tpu.memory_space<semaphore_mem>>)
    %dma_wait3A_115 = arith.constant 0 : i32
    %dma_wait3A_116 = arith.constant 0 : i32
    %dma_wait3A_117 = tpu.memref_slice %arg2[%dma_wait3A_115, %dma_wait3A_116] : memref<10240x1024xf32, #tpu.memory_space<hbm>> -> memref<10240x1024xf32, #tpu.memory_space<hbm>>
    tpu.wait_indirect_dma semaphore(%arg7 : memref<!tpu.dma_semaphore, #tpu.memory_space<semaphore_mem>>) src(%dma_wait3A_117 : memref<10240x1024xf32, #tpu.memory_space<hbm>>) dst(%arg6 : memref<32x1024xf32, #tpu.memory_space<vmem>>)
    %add3A_118 = arith.constant 192 : i32
    %add3A_119 = arith.addi %mul3A_2, %add3A_118 : i32
    %dma_start3A_120 = arith.constant 0 : i32
    %dma_start3A_121 = tpu.memref_slice %arg4[%add3A_119, %dma_start3A_120] : memref<8192x1024xf32, #tpu.memory_space<hbm>> -> memref<32x1024xf32, #tpu.memory_space<hbm>>
    %dma_start3A_122 = arith.constant 0 : i32
    %dma_start3A_123 = tpu.memref_slice %arg4[%add3A_119, %dma_start3A_122] : memref<8192x1024xf32, #tpu.memory_space<hbm>> -> memref<32x1024xf32, #tpu.memory_space<hbm>>
    tpu.enqueue_dma source(%arg6 : memref<32x1024xf32, #tpu.memory_space<vmem>>) target(%dma_start3A_123 : memref<32x1024xf32, #tpu.memory_space<hbm>>) target_semaphore(%arg8 : memref<!tpu.dma_semaphore, #tpu.memory_space<semaphore_mem>>)
    %dma_wait3A_124 = arith.constant 0 : i32
    %dma_wait3A_125 = arith.constant 0 : i32
    %dma_wait3A_126 = tpu.memref_slice %arg2[%dma_wait3A_124, %dma_wait3A_125] : memref<10240x1024xf32, #tpu.memory_space<hbm>> -> memref<10240x1024xf32, #tpu.memory_space<hbm>>
    tpu.wait_indirect_dma semaphore(%arg11 : memref<!tpu.dma_semaphore, #tpu.memory_space<semaphore_mem>>) src(%dma_wait3A_126 : memref<10240x1024xf32, #tpu.memory_space<hbm>>) dst(%arg10 : memref<32x1024xf32, #tpu.memory_space<vmem>>)
    %add3A_127 = arith.constant 224 : i32
    %add3A_128 = arith.addi %mul3A_2, %add3A_127 : i32
    %dma_start3A_129 = arith.constant 0 : i32
    %dma_start3A_130 = tpu.memref_slice %arg4[%add3A_128, %dma_start3A_129] : memref<8192x1024xf32, #tpu.memory_space<hbm>> -> memref<32x1024xf32, #tpu.memory_space<hbm>>
    %dma_start3A_131 = arith.constant 0 : i32
    %dma_start3A_132 = tpu.memref_slice %arg4[%add3A_128, %dma_start3A_131] : memref<8192x1024xf32, #tpu.memory_space<hbm>> -> memref<32x1024xf32, #tpu.memory_space<hbm>>
    tpu.enqueue_dma source(%arg10 : memref<32x1024xf32, #tpu.memory_space<vmem>>) target(%dma_start3A_132 : memref<32x1024xf32, #tpu.memory_space<hbm>>) target_semaphore(%arg12 : memref<!tpu.dma_semaphore, #tpu.memory_space<semaphore_mem>>)
    %dma_wait3A_133 = arith.constant 0 : i32
    %dma_wait3A_134 = tpu.memref_slice %arg4[%add3A_119, %dma_wait3A_133] : memref<8192x1024xf32, #tpu.memory_space<hbm>> -> memref<32x1024xf32, #tpu.memory_space<hbm>>
    %dma_wait3A_135 = arith.constant 0 : i32
    %dma_wait3A_136 = tpu.memref_slice %arg4[%add3A_119, %dma_wait3A_135] : memref<8192x1024xf32, #tpu.memory_space<hbm>> -> memref<32x1024xf32, #tpu.memory_space<hbm>>
    tpu.wait_dma2 semaphore(%arg8 : memref<!tpu.dma_semaphore, #tpu.memory_space<semaphore_mem>>) src(%arg6 : memref<32x1024xf32, #tpu.memory_space<vmem>>) dst(%dma_wait3A_136 : memref<32x1024xf32, #tpu.memory_space<hbm>>)
    %dma_wait3A_137 = arith.constant 0 : i32
    %dma_wait3A_138 = tpu.memref_slice %arg4[%add3A_128, %dma_wait3A_137] : memref<8192x1024xf32, #tpu.memory_space<hbm>> -> memref<32x1024xf32, #tpu.memory_space<hbm>>
    %dma_wait3A_139 = arith.constant 0 : i32
    %dma_wait3A_140 = tpu.memref_slice %arg4[%add3A_128, %dma_wait3A_139] : memref<8192x1024xf32, #tpu.memory_space<hbm>> -> memref<32x1024xf32, #tpu.memory_space<hbm>>
    tpu.wait_dma2 semaphore(%arg12 : memref<!tpu.dma_semaphore, #tpu.memory_space<semaphore_mem>>) src(%arg10 : memref<32x1024xf32, #tpu.memory_space<vmem>>) dst(%dma_wait3A_140 : memref<32x1024xf32, #tpu.memory_space<hbm>>)
    %dma_wait3A_141 = arith.constant 0 : i32
    %dma_wait3A_142 = tpu.memref_slice %arg4[%add3A_101, %dma_wait3A_141] : memref<8192x1024xf32, #tpu.memory_space<hbm>> -> memref<32x1024xf32, #tpu.memory_space<hbm>>
    %dma_wait3A_143 = arith.constant 0 : i32
    %dma_wait3A_144 = tpu.memref_slice %arg4[%add3A_101, %dma_wait3A_143] : memref<8192x1024xf32, #tpu.memory_space<hbm>> -> memref<32x1024xf32, #tpu.memory_space<hbm>>
    tpu.wait_dma2 semaphore(%arg16 : memref<!tpu.dma_semaphore, #tpu.memory_space<semaphore_mem>>) src(%arg14 : memref<32x1024xf32, #tpu.memory_space<vmem>>) dst(%dma_wait3A_144 : memref<32x1024xf32, #tpu.memory_space<hbm>>)
    return
  }
}

module attributes {stable_mosaic.version = 14 : i64} {
  func.func @_moe_body(%arg0: i32, %arg1: memref<128xi32, #tpu.memory_space<smem>>, %arg2: memref<128xi32, #tpu.memory_space<smem>>, %arg3: memref<128xi32, #tpu.memory_space<smem>>, %arg4: memref<256x512xi32, #tpu.memory_space<vmem>>, %arg5: memref<1x1x1024xf32, #tpu.memory_space<vmem>>, %arg6: memref<1x1x1024xf32, #tpu.memory_space<vmem>>, %arg7: memref<1x1x1024xf32, #tpu.memory_space<vmem>>, %arg8: memref<8x1024x1024xf32, #tpu.memory_space<hbm>>, %arg9: memref<8x1024x1024xf32, #tpu.memory_space<hbm>>, %arg10: memref<8x1024x1024xf32, #tpu.memory_space<hbm>>, %arg11: memref<256x1024xf32, #tpu.memory_space<vmem>>, %arg12: memref<2x1024x1024xf32, #tpu.memory_space<vmem>>, %arg13: memref<2x1024x1024xf32, #tpu.memory_space<vmem>>, %arg14: memref<2x1024x1024xf32, #tpu.memory_space<vmem>>, %arg15: memref<2x!tpu.dma_semaphore, #tpu.memory_space<semaphore_mem>>) attributes {dimension_semantics = [#tpu.dimension_semantics<arbitrary>], iteration_bounds = array<i64: 40>, scalar_prefetch = 3 : i64, scratch_operands = 4 : i64, tpu.core_type = #tpu.core_type<tc>, window_params = [{transform_indices = @transform_0, window_bounds = array<i64: 256, 512>}, {transform_indices = @transform_1, window_bounds = array<i64: 1, 1, 1024>}, {transform_indices = @transform_2, window_bounds = array<i64: 1, 1, 1024>}, {transform_indices = @transform_3, window_bounds = array<i64: 1, 1, 1024>}, {}, {}, {}, {transform_indices = @transform_7, window_bounds = array<i64: 256, 1024>}]} {
    %get3A = arith.index_cast %arg0 : i32 to index
    %get3A_0 = memref.load %arg1[%get3A] : memref<128xi32, #tpu.memory_space<smem>>
    %get3A_1 = arith.index_cast %arg0 : i32 to index
    %get3A_2 = memref.load %arg3[%get3A_1] : memref<128xi32, #tpu.memory_space<smem>>
    %get3A_3 = arith.index_cast %arg0 : i32 to index
    %get3A_4 = memref.load %arg2[%get3A_3] : memref<128xi32, #tpu.memory_space<smem>>
    %eq3A = arith.constant 0 : i32
    %eq3A_5 = arith.cmpi eq, %arg0, %eq3A : i32
    %get3A_6 = arith.index_cast %arg0 : i32 to index
    %get3A_7 = memref.load %arg1[%get3A_6] : memref<128xi32, #tpu.memory_space<smem>>
    %sub3A = arith.constant 1 : i32
    %sub3A_8 = arith.subi %arg0, %sub3A : i32
    %max3A = arith.constant 0 : i32
    %max3A_9 = arith.maxsi %sub3A_8, %max3A : i32
    %get3A_10 = arith.index_cast %max3A_9 : i32 to index
    %get3A_11 = memref.load %arg1[%get3A_10] : memref<128xi32, #tpu.memory_space<smem>>
    %ne3A = arith.cmpi ne, %get3A_7, %get3A_11 : i32
    %or3A = arith.ori %eq3A_5, %ne3A : i1
    %eq3A_12 = arith.constant 0 : i32
    %eq3A_13 = arith.cmpi eq, %arg0, %eq3A_12 : i32
    %convert_element_type3A = arith.extui %eq3A_13 : i1 to i32
    %cond3A = arith.constant 0 : i32
    %cond3A_14 = arith.cmpi ne, %convert_element_type3A, %cond3A : i32
    scf.if %cond3A_14 {
      %dma_start3A = arith.constant 0 : i32
      %dma_start3A_82 = arith.constant 0 : i32
      %dma_start3A_83 = tpu.memref_slice %arg15[%dma_start3A_82] : memref<2x!tpu.dma_semaphore, #tpu.memory_space<semaphore_mem>> -> memref<1x!tpu.dma_semaphore, #tpu.memory_space<semaphore_mem>>
      %dma_start3A_84 = tpu.memref_squeeze %dma_start3A_83 : memref<1x!tpu.dma_semaphore, #tpu.memory_space<semaphore_mem>> -> memref<!tpu.dma_semaphore, #tpu.memory_space<semaphore_mem>>
      %dma_start3A_85 = arith.constant 0 : i32
      %dma_start3A_86 = arith.constant 0 : i32
      %dma_start3A_87 = tpu.memref_slice %arg12[%dma_start3A, %dma_start3A_85, %dma_start3A_86] : memref<2x1024x1024xf32, #tpu.memory_space<vmem>> -> memref<1x1024x1024xf32, #tpu.memory_space<vmem>>
      %dma_start3A_88 = tpu.memref_squeeze %dma_start3A_87 : memref<1x1024x1024xf32, #tpu.memory_space<vmem>> -> memref<1024x1024xf32, #tpu.memory_space<vmem>>
      %dma_start3A_89 = arith.constant 0 : i32
      %dma_start3A_90 = arith.constant 0 : i32
      %dma_start3A_91 = tpu.memref_slice %arg8[%get3A_0, %dma_start3A_89, %dma_start3A_90] : memref<8x1024x1024xf32, #tpu.memory_space<hbm>> -> memref<1x1024x1024xf32, #tpu.memory_space<hbm>>
      %dma_start3A_92 = tpu.memref_squeeze %dma_start3A_91 : memref<1x1024x1024xf32, #tpu.memory_space<hbm>> -> memref<1024x1024xf32, #tpu.memory_space<hbm>>
      tpu.enqueue_dma source(%dma_start3A_92 : memref<1024x1024xf32, #tpu.memory_space<hbm>>) target(%dma_start3A_88 : memref<1024x1024xf32, #tpu.memory_space<vmem>>) target_semaphore(%dma_start3A_84 : memref<!tpu.dma_semaphore, #tpu.memory_space<semaphore_mem>>)
      %dma_start3A_93 = arith.constant 0 : i32
      %dma_start3A_94 = arith.constant 0 : i32
      %dma_start3A_95 = tpu.memref_slice %arg15[%dma_start3A_94] : memref<2x!tpu.dma_semaphore, #tpu.memory_space<semaphore_mem>> -> memref<1x!tpu.dma_semaphore, #tpu.memory_space<semaphore_mem>>
      %dma_start3A_96 = tpu.memref_squeeze %dma_start3A_95 : memref<1x!tpu.dma_semaphore, #tpu.memory_space<semaphore_mem>> -> memref<!tpu.dma_semaphore, #tpu.memory_space<semaphore_mem>>
      %dma_start3A_97 = arith.constant 0 : i32
      %dma_start3A_98 = arith.constant 0 : i32
      %dma_start3A_99 = tpu.memref_slice %arg13[%dma_start3A_93, %dma_start3A_97, %dma_start3A_98] : memref<2x1024x1024xf32, #tpu.memory_space<vmem>> -> memref<1x1024x1024xf32, #tpu.memory_space<vmem>>
      %dma_start3A_100 = tpu.memref_squeeze %dma_start3A_99 : memref<1x1024x1024xf32, #tpu.memory_space<vmem>> -> memref<1024x1024xf32, #tpu.memory_space<vmem>>
      %dma_start3A_101 = arith.constant 0 : i32
      %dma_start3A_102 = arith.constant 0 : i32
      %dma_start3A_103 = tpu.memref_slice %arg9[%get3A_0, %dma_start3A_101, %dma_start3A_102] : memref<8x1024x1024xf32, #tpu.memory_space<hbm>> -> memref<1x1024x1024xf32, #tpu.memory_space<hbm>>
      %dma_start3A_104 = tpu.memref_squeeze %dma_start3A_103 : memref<1x1024x1024xf32, #tpu.memory_space<hbm>> -> memref<1024x1024xf32, #tpu.memory_space<hbm>>
      tpu.enqueue_dma source(%dma_start3A_104 : memref<1024x1024xf32, #tpu.memory_space<hbm>>) target(%dma_start3A_100 : memref<1024x1024xf32, #tpu.memory_space<vmem>>) target_semaphore(%dma_start3A_96 : memref<!tpu.dma_semaphore, #tpu.memory_space<semaphore_mem>>)
      %dma_start3A_105 = arith.constant 0 : i32
      %dma_start3A_106 = arith.constant 0 : i32
      %dma_start3A_107 = tpu.memref_slice %arg15[%dma_start3A_106] : memref<2x!tpu.dma_semaphore, #tpu.memory_space<semaphore_mem>> -> memref<1x!tpu.dma_semaphore, #tpu.memory_space<semaphore_mem>>
      %dma_start3A_108 = tpu.memref_squeeze %dma_start3A_107 : memref<1x!tpu.dma_semaphore, #tpu.memory_space<semaphore_mem>> -> memref<!tpu.dma_semaphore, #tpu.memory_space<semaphore_mem>>
      %dma_start3A_109 = arith.constant 0 : i32
      %dma_start3A_110 = arith.constant 0 : i32
      %dma_start3A_111 = tpu.memref_slice %arg14[%dma_start3A_105, %dma_start3A_109, %dma_start3A_110] : memref<2x1024x1024xf32, #tpu.memory_space<vmem>> -> memref<1x1024x1024xf32, #tpu.memory_space<vmem>>
      %dma_start3A_112 = tpu.memref_squeeze %dma_start3A_111 : memref<1x1024x1024xf32, #tpu.memory_space<vmem>> -> memref<1024x1024xf32, #tpu.memory_space<vmem>>
      %dma_start3A_113 = arith.constant 0 : i32
      %dma_start3A_114 = arith.constant 0 : i32
      %dma_start3A_115 = tpu.memref_slice %arg10[%get3A_0, %dma_start3A_113, %dma_start3A_114] : memref<8x1024x1024xf32, #tpu.memory_space<hbm>> -> memref<1x1024x1024xf32, #tpu.memory_space<hbm>>
      %dma_start3A_116 = tpu.memref_squeeze %dma_start3A_115 : memref<1x1024x1024xf32, #tpu.memory_space<hbm>> -> memref<1024x1024xf32, #tpu.memory_space<hbm>>
      tpu.enqueue_dma source(%dma_start3A_116 : memref<1024x1024xf32, #tpu.memory_space<hbm>>) target(%dma_start3A_112 : memref<1024x1024xf32, #tpu.memory_space<vmem>>) target_semaphore(%dma_start3A_108 : memref<!tpu.dma_semaphore, #tpu.memory_space<semaphore_mem>>)
    } else {
    }
    %convert_element_type3A_15 = arith.extui %or3A : i1 to i32
    %cond3A_16 = arith.constant 0 : i32
    %cond3A_17 = arith.cmpi ne, %convert_element_type3A_15, %cond3A_16 : i32
    scf.if %cond3A_17 {
      %dma_wait3A = tpu.memref_slice %arg15[%get3A_2] : memref<2x!tpu.dma_semaphore, #tpu.memory_space<semaphore_mem>> -> memref<1x!tpu.dma_semaphore, #tpu.memory_space<semaphore_mem>>
      %dma_wait3A_82 = tpu.memref_squeeze %dma_wait3A : memref<1x!tpu.dma_semaphore, #tpu.memory_space<semaphore_mem>> -> memref<!tpu.dma_semaphore, #tpu.memory_space<semaphore_mem>>
      %dma_wait3A_83 = arith.constant 0 : i32
      %dma_wait3A_84 = arith.constant 0 : i32
      %dma_wait3A_85 = tpu.memref_slice %arg12[%get3A_2, %dma_wait3A_83, %dma_wait3A_84] : memref<2x1024x1024xf32, #tpu.memory_space<vmem>> -> memref<1x1024x1024xf32, #tpu.memory_space<vmem>>
      %dma_wait3A_86 = tpu.memref_squeeze %dma_wait3A_85 : memref<1x1024x1024xf32, #tpu.memory_space<vmem>> -> memref<1024x1024xf32, #tpu.memory_space<vmem>>
      %dma_wait3A_87 = arith.constant 0 : i32
      %dma_wait3A_88 = arith.constant 0 : i32
      %dma_wait3A_89 = tpu.memref_slice %arg8[%get3A_0, %dma_wait3A_87, %dma_wait3A_88] : memref<8x1024x1024xf32, #tpu.memory_space<hbm>> -> memref<1x1024x1024xf32, #tpu.memory_space<hbm>>
      %dma_wait3A_90 = tpu.memref_squeeze %dma_wait3A_89 : memref<1x1024x1024xf32, #tpu.memory_space<hbm>> -> memref<1024x1024xf32, #tpu.memory_space<hbm>>
      tpu.wait_dma2 semaphore(%dma_wait3A_82 : memref<!tpu.dma_semaphore, #tpu.memory_space<semaphore_mem>>) src(%dma_wait3A_90 : memref<1024x1024xf32, #tpu.memory_space<hbm>>) dst(%dma_wait3A_86 : memref<1024x1024xf32, #tpu.memory_space<vmem>>)
      %dma_wait3A_91 = tpu.memref_slice %arg15[%get3A_2] : memref<2x!tpu.dma_semaphore, #tpu.memory_space<semaphore_mem>> -> memref<1x!tpu.dma_semaphore, #tpu.memory_space<semaphore_mem>>
      %dma_wait3A_92 = tpu.memref_squeeze %dma_wait3A_91 : memref<1x!tpu.dma_semaphore, #tpu.memory_space<semaphore_mem>> -> memref<!tpu.dma_semaphore, #tpu.memory_space<semaphore_mem>>
      %dma_wait3A_93 = arith.constant 0 : i32
      %dma_wait3A_94 = arith.constant 0 : i32
      %dma_wait3A_95 = tpu.memref_slice %arg13[%get3A_2, %dma_wait3A_93, %dma_wait3A_94] : memref<2x1024x1024xf32, #tpu.memory_space<vmem>> -> memref<1x1024x1024xf32, #tpu.memory_space<vmem>>
      %dma_wait3A_96 = tpu.memref_squeeze %dma_wait3A_95 : memref<1x1024x1024xf32, #tpu.memory_space<vmem>> -> memref<1024x1024xf32, #tpu.memory_space<vmem>>
      %dma_wait3A_97 = arith.constant 0 : i32
      %dma_wait3A_98 = arith.constant 0 : i32
      %dma_wait3A_99 = tpu.memref_slice %arg9[%get3A_0, %dma_wait3A_97, %dma_wait3A_98] : memref<8x1024x1024xf32, #tpu.memory_space<hbm>> -> memref<1x1024x1024xf32, #tpu.memory_space<hbm>>
      %dma_wait3A_100 = tpu.memref_squeeze %dma_wait3A_99 : memref<1x1024x1024xf32, #tpu.memory_space<hbm>> -> memref<1024x1024xf32, #tpu.memory_space<hbm>>
      tpu.wait_dma2 semaphore(%dma_wait3A_92 : memref<!tpu.dma_semaphore, #tpu.memory_space<semaphore_mem>>) src(%dma_wait3A_100 : memref<1024x1024xf32, #tpu.memory_space<hbm>>) dst(%dma_wait3A_96 : memref<1024x1024xf32, #tpu.memory_space<vmem>>)
      %dma_wait3A_101 = tpu.memref_slice %arg15[%get3A_2] : memref<2x!tpu.dma_semaphore, #tpu.memory_space<semaphore_mem>> -> memref<1x!tpu.dma_semaphore, #tpu.memory_space<semaphore_mem>>
      %dma_wait3A_102 = tpu.memref_squeeze %dma_wait3A_101 : memref<1x!tpu.dma_semaphore, #tpu.memory_space<semaphore_mem>> -> memref<!tpu.dma_semaphore, #tpu.memory_space<semaphore_mem>>
      %dma_wait3A_103 = arith.constant 0 : i32
      %dma_wait3A_104 = arith.constant 0 : i32
      %dma_wait3A_105 = tpu.memref_slice %arg14[%get3A_2, %dma_wait3A_103, %dma_wait3A_104] : memref<2x1024x1024xf32, #tpu.memory_space<vmem>> -> memref<1x1024x1024xf32, #tpu.memory_space<vmem>>
      %dma_wait3A_106 = tpu.memref_squeeze %dma_wait3A_105 : memref<1x1024x1024xf32, #tpu.memory_space<vmem>> -> memref<1024x1024xf32, #tpu.memory_space<vmem>>
      %dma_wait3A_107 = arith.constant 0 : i32
      %dma_wait3A_108 = arith.constant 0 : i32
      %dma_wait3A_109 = tpu.memref_slice %arg10[%get3A_0, %dma_wait3A_107, %dma_wait3A_108] : memref<8x1024x1024xf32, #tpu.memory_space<hbm>> -> memref<1x1024x1024xf32, #tpu.memory_space<hbm>>
      %dma_wait3A_110 = tpu.memref_squeeze %dma_wait3A_109 : memref<1x1024x1024xf32, #tpu.memory_space<hbm>> -> memref<1024x1024xf32, #tpu.memory_space<hbm>>
      tpu.wait_dma2 semaphore(%dma_wait3A_102 : memref<!tpu.dma_semaphore, #tpu.memory_space<semaphore_mem>>) src(%dma_wait3A_110 : memref<1024x1024xf32, #tpu.memory_space<hbm>>) dst(%dma_wait3A_106 : memref<1024x1024xf32, #tpu.memory_space<vmem>>)
    } else {
    }
    %ne3A_18 = arith.cmpi ne, %get3A_4, %get3A_0 : i32
    %and3A = arith.andi %or3A, %ne3A_18 : i1
    %convert_element_type3A_19 = arith.extui %and3A : i1 to i32
    %cond3A_20 = arith.constant 0 : i32
    %cond3A_21 = arith.cmpi ne, %convert_element_type3A_19, %cond3A_20 : i32
    scf.if %cond3A_21 {
      %sub3A_82 = arith.constant 1 : i32
      %sub3A_83 = arith.subi %sub3A_82, %get3A_2 : i32
      %dma_start3A = tpu.memref_slice %arg15[%sub3A_83] : memref<2x!tpu.dma_semaphore, #tpu.memory_space<semaphore_mem>> -> memref<1x!tpu.dma_semaphore, #tpu.memory_space<semaphore_mem>>
      %dma_start3A_84 = tpu.memref_squeeze %dma_start3A : memref<1x!tpu.dma_semaphore, #tpu.memory_space<semaphore_mem>> -> memref<!tpu.dma_semaphore, #tpu.memory_space<semaphore_mem>>
      %dma_start3A_85 = arith.constant 0 : i32
      %dma_start3A_86 = arith.constant 0 : i32
      %dma_start3A_87 = tpu.memref_slice %arg12[%sub3A_83, %dma_start3A_85, %dma_start3A_86] : memref<2x1024x1024xf32, #tpu.memory_space<vmem>> -> memref<1x1024x1024xf32, #tpu.memory_space<vmem>>
      %dma_start3A_88 = tpu.memref_squeeze %dma_start3A_87 : memref<1x1024x1024xf32, #tpu.memory_space<vmem>> -> memref<1024x1024xf32, #tpu.memory_space<vmem>>
      %dma_start3A_89 = arith.constant 0 : i32
      %dma_start3A_90 = arith.constant 0 : i32
      %dma_start3A_91 = tpu.memref_slice %arg8[%get3A_4, %dma_start3A_89, %dma_start3A_90] : memref<8x1024x1024xf32, #tpu.memory_space<hbm>> -> memref<1x1024x1024xf32, #tpu.memory_space<hbm>>
      %dma_start3A_92 = tpu.memref_squeeze %dma_start3A_91 : memref<1x1024x1024xf32, #tpu.memory_space<hbm>> -> memref<1024x1024xf32, #tpu.memory_space<hbm>>
      tpu.enqueue_dma source(%dma_start3A_92 : memref<1024x1024xf32, #tpu.memory_space<hbm>>) target(%dma_start3A_88 : memref<1024x1024xf32, #tpu.memory_space<vmem>>) target_semaphore(%dma_start3A_84 : memref<!tpu.dma_semaphore, #tpu.memory_space<semaphore_mem>>)
      %dma_start3A_93 = tpu.memref_slice %arg15[%sub3A_83] : memref<2x!tpu.dma_semaphore, #tpu.memory_space<semaphore_mem>> -> memref<1x!tpu.dma_semaphore, #tpu.memory_space<semaphore_mem>>
      %dma_start3A_94 = tpu.memref_squeeze %dma_start3A_93 : memref<1x!tpu.dma_semaphore, #tpu.memory_space<semaphore_mem>> -> memref<!tpu.dma_semaphore, #tpu.memory_space<semaphore_mem>>
      %dma_start3A_95 = arith.constant 0 : i32
      %dma_start3A_96 = arith.constant 0 : i32
      %dma_start3A_97 = tpu.memref_slice %arg13[%sub3A_83, %dma_start3A_95, %dma_start3A_96] : memref<2x1024x1024xf32, #tpu.memory_space<vmem>> -> memref<1x1024x1024xf32, #tpu.memory_space<vmem>>
      %dma_start3A_98 = tpu.memref_squeeze %dma_start3A_97 : memref<1x1024x1024xf32, #tpu.memory_space<vmem>> -> memref<1024x1024xf32, #tpu.memory_space<vmem>>
      %dma_start3A_99 = arith.constant 0 : i32
      %dma_start3A_100 = arith.constant 0 : i32
      %dma_start3A_101 = tpu.memref_slice %arg9[%get3A_4, %dma_start3A_99, %dma_start3A_100] : memref<8x1024x1024xf32, #tpu.memory_space<hbm>> -> memref<1x1024x1024xf32, #tpu.memory_space<hbm>>
      %dma_start3A_102 = tpu.memref_squeeze %dma_start3A_101 : memref<1x1024x1024xf32, #tpu.memory_space<hbm>> -> memref<1024x1024xf32, #tpu.memory_space<hbm>>
      tpu.enqueue_dma source(%dma_start3A_102 : memref<1024x1024xf32, #tpu.memory_space<hbm>>) target(%dma_start3A_98 : memref<1024x1024xf32, #tpu.memory_space<vmem>>) target_semaphore(%dma_start3A_94 : memref<!tpu.dma_semaphore, #tpu.memory_space<semaphore_mem>>)
      %dma_start3A_103 = tpu.memref_slice %arg15[%sub3A_83] : memref<2x!tpu.dma_semaphore, #tpu.memory_space<semaphore_mem>> -> memref<1x!tpu.dma_semaphore, #tpu.memory_space<semaphore_mem>>
      %dma_start3A_104 = tpu.memref_squeeze %dma_start3A_103 : memref<1x!tpu.dma_semaphore, #tpu.memory_space<semaphore_mem>> -> memref<!tpu.dma_semaphore, #tpu.memory_space<semaphore_mem>>
      %dma_start3A_105 = arith.constant 0 : i32
      %dma_start3A_106 = arith.constant 0 : i32
      %dma_start3A_107 = tpu.memref_slice %arg14[%sub3A_83, %dma_start3A_105, %dma_start3A_106] : memref<2x1024x1024xf32, #tpu.memory_space<vmem>> -> memref<1x1024x1024xf32, #tpu.memory_space<vmem>>
      %dma_start3A_108 = tpu.memref_squeeze %dma_start3A_107 : memref<1x1024x1024xf32, #tpu.memory_space<vmem>> -> memref<1024x1024xf32, #tpu.memory_space<vmem>>
      %dma_start3A_109 = arith.constant 0 : i32
      %dma_start3A_110 = arith.constant 0 : i32
      %dma_start3A_111 = tpu.memref_slice %arg10[%get3A_4, %dma_start3A_109, %dma_start3A_110] : memref<8x1024x1024xf32, #tpu.memory_space<hbm>> -> memref<1x1024x1024xf32, #tpu.memory_space<hbm>>
      %dma_start3A_112 = tpu.memref_squeeze %dma_start3A_111 : memref<1x1024x1024xf32, #tpu.memory_space<hbm>> -> memref<1024x1024xf32, #tpu.memory_space<hbm>>
      tpu.enqueue_dma source(%dma_start3A_112 : memref<1024x1024xf32, #tpu.memory_space<hbm>>) target(%dma_start3A_108 : memref<1024x1024xf32, #tpu.memory_space<vmem>>) target_semaphore(%dma_start3A_104 : memref<!tpu.dma_semaphore, #tpu.memory_space<semaphore_mem>>)
    } else {
    }
    %get3A_22 = arith.constant 0 : index
    %get3A_23 = arith.constant 0 : index
    %get3A_24 = vector.load %arg4[%get3A_22, %get3A_23] : memref<256x512xi32, #tpu.memory_space<vmem>>, vector<256x512xi32>
    %and3A_25 = arith.constant 65535 : i32
    %and3A_26 = vector.broadcast %and3A_25 : i32 to vector<256x512xi32>
    %and3A_27 = arith.andi %get3A_24, %and3A_26 : vector<256x512xi32>
    %convert_element_type3A_28 = arith.trunci %and3A_27 : vector<256x512xi32> to vector<256x512xi16>
    %bitcast_convert_type3A = tpu.bitcast %convert_element_type3A_28 : vector<256x512xi16> -> vector<256x512xbf16>
    %shift_right_arithmetic3A = arith.constant 16 : i32
    %shift_right_arithmetic3A_29 = vector.broadcast %shift_right_arithmetic3A : i32 to vector<256x512xi32>
    %shift_right_arithmetic3A_30 = arith.shrsi %get3A_24, %shift_right_arithmetic3A_29 : vector<256x512xi32>
    %convert_element_type3A_31 = arith.trunci %shift_right_arithmetic3A_30 : vector<256x512xi32> to vector<256x512xi16>
    %bitcast_convert_type3A_32 = tpu.bitcast %convert_element_type3A_31 : vector<256x512xi16> -> vector<256x512xbf16>
    %concatenate3A = tpu.concatenate %bitcast_convert_type3A, %bitcast_convert_type3A_32 in 1 : vector<256x512xbf16>, vector<256x512xbf16> -> vector<256x1024xbf16>
    %convert_element_type3A_33 = arith.extf %concatenate3A : vector<256x1024xbf16> to vector<256x1024xf32>
    %get3A_34 = arith.index_cast %get3A_2 : i32 to index
    %get3A_35 = arith.constant 0 : index
    %get3A_36 = arith.constant 0 : index
    %get3A_37 = vector.load %arg12[%get3A_34, %get3A_35, %get3A_36] : memref<2x1024x1024xf32, #tpu.memory_space<vmem>>, vector<1x1024x1024xf32>
    %get3A_38 = vector.shape_cast %get3A_37 : vector<1x1024x1024xf32> to vector<1024x1024xf32>
    %dot_general3A = arith.constant dense<0.000000e+00> : vector<256x1024xf32>
    %dot_general3A_39 = tpu.matmul %convert_element_type3A_33, %get3A_38, %dot_general3A {dimension_numbers = #tpu.dot_dimension_numbers<[1], [0], [0], [1], [0, 0, 1, 1], [], []>, transpose_lhs_hint = false} : vector<256x1024xf32>, vector<1024x1024xf32>, vector<256x1024xf32> -> vector<256x1024xf32>
    %get3A_40 = arith.constant 0 : index
    %get3A_41 = arith.constant 0 : index
    %get3A_42 = arith.constant 0 : index
    %get3A_43 = vector.load %arg5[%get3A_40, %get3A_41, %get3A_42] : memref<1x1x1024xf32, #tpu.memory_space<vmem>>, vector<1x1x1024xf32>
    %get3A_44 = vector.shape_cast %get3A_43 : vector<1x1x1024xf32> to vector<1x1024xf32>
    %add3A = vector.broadcast %get3A_44 : vector<1x1024xf32> to vector<256x1024xf32>
    %add3A_45 = arith.addf %dot_general3A_39, %add3A : vector<256x1024xf32>
    %max3A_46 = arith.constant 0.000000e+00 : f32
    %max3A_47 = vector.broadcast %max3A_46 : f32 to vector<256x1024xf32>
    %max3A_48 = arith.maximumf %add3A_45, %max3A_47 : vector<256x1024xf32>
    %get3A_49 = arith.index_cast %get3A_2 : i32 to index
    %get3A_50 = arith.constant 0 : index
    %get3A_51 = arith.constant 0 : index
    %get3A_52 = vector.load %arg13[%get3A_49, %get3A_50, %get3A_51] : memref<2x1024x1024xf32, #tpu.memory_space<vmem>>, vector<1x1024x1024xf32>
    %get3A_53 = vector.shape_cast %get3A_52 : vector<1x1024x1024xf32> to vector<1024x1024xf32>
    %dot_general3A_54 = arith.constant dense<0.000000e+00> : vector<256x1024xf32>
    %dot_general3A_55 = tpu.matmul %max3A_48, %get3A_53, %dot_general3A_54 {dimension_numbers = #tpu.dot_dimension_numbers<[1], [0], [0], [1], [0, 0, 1, 1], [], []>, transpose_lhs_hint = false} : vector<256x1024xf32>, vector<1024x1024xf32>, vector<256x1024xf32> -> vector<256x1024xf32>
    %get3A_56 = arith.constant 0 : index
    %get3A_57 = arith.constant 0 : index
    %get3A_58 = arith.constant 0 : index
    %get3A_59 = vector.load %arg6[%get3A_56, %get3A_57, %get3A_58] : memref<1x1x1024xf32, #tpu.memory_space<vmem>>, vector<1x1x1024xf32>
    %get3A_60 = vector.shape_cast %get3A_59 : vector<1x1x1024xf32> to vector<1x1024xf32>
    %add3A_61 = vector.broadcast %get3A_60 : vector<1x1024xf32> to vector<256x1024xf32>
    %add3A_62 = arith.addf %dot_general3A_55, %add3A_61 : vector<256x1024xf32>
    %max3A_63 = arith.constant 0.000000e+00 : f32
    %max3A_64 = vector.broadcast %max3A_63 : f32 to vector<256x1024xf32>
    %max3A_65 = arith.maximumf %add3A_62, %max3A_64 : vector<256x1024xf32>
    %get3A_66 = arith.index_cast %get3A_2 : i32 to index
    %get3A_67 = arith.constant 0 : index
    %get3A_68 = arith.constant 0 : index
    %get3A_69 = vector.load %arg14[%get3A_66, %get3A_67, %get3A_68] : memref<2x1024x1024xf32, #tpu.memory_space<vmem>>, vector<1x1024x1024xf32>
    %get3A_70 = vector.shape_cast %get3A_69 : vector<1x1024x1024xf32> to vector<1024x1024xf32>
    %dot_general3A_71 = arith.constant dense<0.000000e+00> : vector<256x1024xf32>
    %dot_general3A_72 = tpu.matmul %max3A_65, %get3A_70, %dot_general3A_71 {dimension_numbers = #tpu.dot_dimension_numbers<[1], [0], [0], [1], [0, 0, 1, 1], [], []>, transpose_lhs_hint = false} : vector<256x1024xf32>, vector<1024x1024xf32>, vector<256x1024xf32> -> vector<256x1024xf32>
    %get3A_73 = arith.constant 0 : index
    %get3A_74 = arith.constant 0 : index
    %get3A_75 = arith.constant 0 : index
    %get3A_76 = vector.load %arg7[%get3A_73, %get3A_74, %get3A_75] : memref<1x1x1024xf32, #tpu.memory_space<vmem>>, vector<1x1x1024xf32>
    %get3A_77 = vector.shape_cast %get3A_76 : vector<1x1x1024xf32> to vector<1x1024xf32>
    %add3A_78 = vector.broadcast %get3A_77 : vector<1x1024xf32> to vector<256x1024xf32>
    %add3A_79 = arith.addf %dot_general3A_72, %add3A_78 : vector<256x1024xf32>
    %swap3A = arith.constant 0 : index
    %swap3A_80 = arith.constant 0 : index
    %swap3A_81 = vector.load %arg11[%swap3A, %swap3A_80] : memref<256x1024xf32, #tpu.memory_space<vmem>>, vector<256x1024xf32>
    tpu.vector_store %arg11[%swap3A, %swap3A_80], %add3A_79 {strides = array<i32>} : memref<256x1024xf32, #tpu.memory_space<vmem>>, vector<256x1024xf32>,
    return
  }
  func.func @transform_0(%arg0: i32, %arg1: memref<128xi32, #tpu.memory_space<smem>>, %arg2: memref<128xi32, #tpu.memory_space<smem>>, %arg3: memref<128xi32, #tpu.memory_space<smem>>) -> (i32, i32) {
    %c0_i32 = arith.constant 0 : i32
    %c0_i32_0 = arith.constant 0 : i32
    return %arg0, %c0_i32 : i32, i32
  }
  func.func @transform_1(%arg0: i32, %arg1: memref<128xi32, #tpu.memory_space<smem>>, %arg2: memref<128xi32, #tpu.memory_space<smem>>, %arg3: memref<128xi32, #tpu.memory_space<smem>>) -> (i32, i32, i32) {
    %get3A = arith.index_cast %arg0 : i32 to index
    %get3A_0 = memref.load %arg1[%get3A] : memref<128xi32, #tpu.memory_space<smem>>
    %c0_i32 = arith.constant 0 : i32
    %c0_i32_1 = arith.constant 0 : i32
    %c0_i32_2 = arith.constant 0 : i32
    return %get3A_0, %c0_i32, %c0_i32_1 : i32, i32, i32
  }
  func.func @transform_2(%arg0: i32, %arg1: memref<128xi32, #tpu.memory_space<smem>>, %arg2: memref<128xi32, #tpu.memory_space<smem>>, %arg3: memref<128xi32, #tpu.memory_space<smem>>) -> (i32, i32, i32) {
    %get3A = arith.index_cast %arg0 : i32 to index
    %get3A_0 = memref.load %arg1[%get3A] : memref<128xi32, #tpu.memory_space<smem>>
    %c0_i32 = arith.constant 0 : i32
    %c0_i32_1 = arith.constant 0 : i32
    %c0_i32_2 = arith.constant 0 : i32
    return %get3A_0, %c0_i32, %c0_i32_1 : i32, i32, i32
  }
  func.func @transform_3(%arg0: i32, %arg1: memref<128xi32, #tpu.memory_space<smem>>, %arg2: memref<128xi32, #tpu.memory_space<smem>>, %arg3: memref<128xi32, #tpu.memory_space<smem>>) -> (i32, i32, i32) {
    %get3A = arith.index_cast %arg0 : i32 to index
    %get3A_0 = memref.load %arg1[%get3A] : memref<128xi32, #tpu.memory_space<smem>>
    %c0_i32 = arith.constant 0 : i32
    %c0_i32_1 = arith.constant 0 : i32
    %c0_i32_2 = arith.constant 0 : i32
    return %get3A_0, %c0_i32, %c0_i32_1 : i32, i32, i32
  }
  func.func @transform_7(%arg0: i32, %arg1: memref<128xi32, #tpu.memory_space<smem>>, %arg2: memref<128xi32, #tpu.memory_space<smem>>, %arg3: memref<128xi32, #tpu.memory_space<smem>>) -> (i32, i32) {
    %c0_i32 = arith.constant 0 : i32
    %c0_i32_0 = arith.constant 0 : i32
    return %arg0, %c0_i32 : i32, i32
  }
}

module attributes {stable_mosaic.version = 14 : i64} {
  func.func @_route_body(%arg0: i32, %arg1: i32, %arg2: memref<512x1024xf32, #tpu.memory_space<vmem>>, %arg3: memref<8x1024xf32, #tpu.memory_space<vmem>>, %arg4: memref<1x8xf32, #tpu.memory_space<vmem>>, %arg5: memref<512xi32, #tpu.memory_space<vmem>>, %arg6: memref<1x128xi32, #tpu.memory_space<vmem>>, %arg7: memref<1x128xi32, #tpu.memory_space<vmem>>, %arg8: memref<1x128xi32, #tpu.memory_space<vmem>>, %arg9: memref<512x512xi32, #tpu.memory_space<vmem>>, %arg10: memref<8192x1xi32, #tpu.memory_space<vmem>>, %arg11: memref<8192x1xi32, #tpu.memory_space<vmem>>, %arg12: memref<1x8xf32, #tpu.memory_space<vmem>>) attributes {dimension_semantics = [#tpu.dimension_semantics<arbitrary>, #tpu.dimension_semantics<arbitrary>], iteration_bounds = array<i64: 2, 16>, scalar_prefetch = 0 : i64, scratch_operands = 3 : i64, tpu.core_type = #tpu.core_type<tc>, window_params = [{transform_indices = @transform_0, window_bounds = array<i64: 512, 1024>}, {pipeline_mode = #tpu.pipeline_mode<synchronous>, transform_indices = @transform_1, window_bounds = array<i64: 8, 1024>}, {pipeline_mode = #tpu.pipeline_mode<synchronous>, transform_indices = @transform_2, window_bounds = array<i64: 1, 8>}, {transform_indices = @transform_3, window_bounds = array<i64: 512>}, {pipeline_mode = #tpu.pipeline_mode<synchronous>, transform_indices = @transform_4, window_bounds = array<i64: 1, 128>}, {pipeline_mode = #tpu.pipeline_mode<synchronous>, transform_indices = @transform_5, window_bounds = array<i64: 1, 128>}, {pipeline_mode = #tpu.pipeline_mode<synchronous>, transform_indices = @transform_6, window_bounds = array<i64: 1, 128>}, {transform_indices = @transform_7, window_bounds = array<i64: 512, 512>}]} {
    %eq3A = arith.constant 0 : i32
    %eq3A_0 = arith.cmpi eq, %arg0, %eq3A : i32
    %convert_element_type3A = arith.extui %eq3A_0 : i1 to i32
    %cond3A = arith.constant 0 : i32
    %cond3A_1 = arith.cmpi ne, %convert_element_type3A, %cond3A : i32
    scf.if %cond3A_1 {
      %get3A = arith.constant 0 : index
      %get3A_7 = arith.constant 0 : index
      %get3A_8 = vector.load %arg2[%get3A, %get3A_7] : memref<512x1024xf32, #tpu.memory_space<vmem>>, vector<512x1024xf32>
      %get3A_9 = arith.constant 0 : index
      %get3A_10 = arith.constant 0 : index
      %get3A_11 = vector.load %arg3[%get3A_9, %get3A_10] : memref<8x1024xf32, #tpu.memory_space<vmem>>, vector<8x1024xf32>
      %dot_general3A = arith.constant dense<0.000000e+00> : vector<512x8xf32>
      %dot_general3A_12 = tpu.matmul %get3A_8, %get3A_11, %dot_general3A {dimension_numbers = #tpu.dot_dimension_numbers<[1], [1], [0], [0], [0, 0, 1, 0], [], []>, transpose_lhs_hint = false} : vector<512x1024xf32>, vector<8x1024xf32>, vector<512x8xf32> -> vector<512x8xf32>
      %get3A_13 = arith.constant 0 : index
      %get3A_14 = arith.constant 0 : index
      %get3A_15 = vector.load %arg4[%get3A_13, %get3A_14] : memref<1x8xf32, #tpu.memory_space<vmem>>, vector<1x8xf32>
      %add3A = vector.broadcast %get3A_15 : vector<1x8xf32> to vector<512x8xf32>
      %add3A_16 = arith.addf %dot_general3A_12, %add3A : vector<512x8xf32>
      %reduce_max3A = arith.constant dense<0xFF800000> : vector<512xf32>
      %reduce_max3A_17 = vector.multi_reduction <maximumf>, %add3A_16, %reduce_max3A [1] : vector<512x8xf32> to vector<512xf32>
      %broadcast_in_dim3A = vector.shape_cast %reduce_max3A_17 : vector<512xf32> to vector<512x1xf32>
      %iota3A = tpu.iota {dimensions = array<i32: 1>} : vector<512x8xi32>
      %eq3A_18 = vector.broadcast %broadcast_in_dim3A : vector<512x1xf32> to vector<512x8xf32>
      %eq3A_19 = arith.cmpf oeq, %add3A_16, %eq3A_18 : vector<512x8xf32>
      %jit3A = arith.constant 8 : i32
      %broadcast_in_dim3A_20 = vector.broadcast %jit3A : i32 to vector<512x8xi32>
      %select_n3A = arith.select %eq3A_19, %iota3A, %broadcast_in_dim3A_20 : vector<512x8xi1>, vector<512x8xi32>
      %reduce_min3A = arith.constant dense<2147483647> : vector<512xi32>
      %reduce_min3A_21 = vector.multi_reduction <minsi>, %select_n3A, %reduce_min3A [1] : vector<512x8xi32> to vector<512xi32>
      %broadcast_in_dim3A_22 = vector.shape_cast %reduce_min3A_21 : vector<512xi32> to vector<512x1xi32>
      %eq3A_23 = vector.broadcast %broadcast_in_dim3A_22 : vector<512x1xi32> to vector<512x8xi32>
      %eq3A_24 = arith.cmpi eq, %iota3A, %eq3A_23 : vector<512x8xi32>
      %convert_element_type3A_25 = arith.extui %eq3A_24 : vector<512x8xi1> to vector<512x8xi32>
      %convert_element_type3A_26 = arith.sitofp %convert_element_type3A_25 : vector<512x8xi32> to vector<512x8xf32>
      %iota3A_27 = tpu.iota {dimensions = array<i32: 0>} : vector<512x512xi32>
      %iota3A_28 = tpu.iota {dimensions = array<i32: 1>} : vector<512x512xi32>
      %gt3A = arith.cmpi sgt, %iota3A_27, %iota3A_28 : vector<512x512xi32>
      %convert_element_type3A_29 = arith.extui %gt3A : vector<512x512xi1> to vector<512x512xi32>
      %convert_element_type3A_30 = arith.sitofp %convert_element_type3A_29 : vector<512x512xi32> to vector<512x512xf32>
      %dot_general3A_31 = arith.constant dense<0.000000e+00> : vector<512x8xf32>
      %dot_general3A_32 = tpu.matmul %convert_element_type3A_30, %convert_element_type3A_26, %dot_general3A_31 {dimension_numbers = #tpu.dot_dimension_numbers<[1], [0], [0], [1], [0, 0, 1, 1], [], []>, transpose_lhs_hint = false} : vector<512x512xf32>, vector<512x8xf32>, vector<512x8xf32> -> vector<512x8xf32>
      %eq3A_33 = arith.constant 0 : i32
      %eq3A_34 = arith.cmpi eq, %arg1, %eq3A_33 : i32
      %broadcast_in_dim3A_35 = arith.constant 0.000000e+00 : f32
      %broadcast_in_dim3A_36 = vector.broadcast %broadcast_in_dim3A_35 : f32 to vector<1x8xf32>
      %get3A_37 = arith.constant 0 : index
      %get3A_38 = arith.constant 0 : index
      %get3A_39 = vector.load %arg12[%get3A_37, %get3A_38] : memref<1x8xf32, #tpu.memory_space<vmem>>, vector<1x8xf32>
      %select_n3A_40 = arith.select %eq3A_34, %broadcast_in_dim3A_36, %get3A_39 : vector<1x8xf32>
      %add3A_41 = vector.broadcast %select_n3A_40 : vector<1x8xf32> to vector<512x8xf32>
      %add3A_42 = arith.addf %dot_general3A_32, %add3A_41 : vector<512x8xf32>
      %mul3A = arith.mulf %convert_element_type3A_26, %add3A_42 : vector<512x8xf32>
      %reduce_sum3A = arith.constant dense<0.000000e+00> : vector<512xf32>
      %reduce_sum3A_43 = vector.multi_reduction <add>, %mul3A, %reduce_sum3A [1] : vector<512x8xf32> to vector<512xf32>
      %broadcast_in_dim3A_44 = vector.shape_cast %reduce_sum3A_43 : vector<512xf32> to vector<512x1xf32>
      %mul3A_45 = arith.constant 512 : i32
      %mul3A_46 = arith.muli %arg1, %mul3A_45 : i32
      %swap3A = arith.index_cast %mul3A_46 : i32 to index
      %swap3A_47 = arith.constant 0 : index
      %swap3A_48 = vector.load %arg10[%swap3A, %swap3A_47] : memref<8192x1xi32, #tpu.memory_space<vmem>>, vector<512x1xi32>
      tpu.vector_store %arg10[%swap3A, %swap3A_47], %broadcast_in_dim3A_22 {strides = array<i32>} : memref<8192x1xi32, #tpu.memory_space<vmem>>, vector<512x1xi32>,
      %convert_element_type3A_49 = arith.fptosi %broadcast_in_dim3A_44 : vector<512x1xf32> to vector<512x1xi32>
      %mul3A_50 = arith.constant 512 : i32
      %mul3A_51 = arith.muli %arg1, %mul3A_50 : i32
      %swap3A_52 = arith.index_cast %mul3A_51 : i32 to index
      %swap3A_53 = arith.constant 0 : index
      %swap3A_54 = vector.load %arg11[%swap3A_52, %swap3A_53] : memref<8192x1xi32, #tpu.memory_space<vmem>>, vector<512x1xi32>
      tpu.vector_store %arg11[%swap3A_52, %swap3A_53], %convert_element_type3A_49 {strides = array<i32>} : memref<8192x1xi32, #tpu.memory_space<vmem>>, vector<512x1xi32>,
      %reduce_sum3A_55 = arith.constant dense<0.000000e+00> : vector<8xf32>
      %reduce_sum3A_56 = vector.multi_reduction <add>, %convert_element_type3A_26, %reduce_sum3A_55 [0] : vector<512x8xf32> to vector<8xf32>
      %broadcast_in_dim3A_57 = vector.shape_cast %reduce_sum3A_56 : vector<8xf32> to vector<1x8xf32>
      %add3A_58 = arith.addf %select_n3A_40, %broadcast_in_dim3A_57 : vector<1x8xf32>
      %swap3A_59 = arith.constant 0 : index
      %swap3A_60 = arith.constant 0 : index
      %swap3A_61 = vector.load %arg12[%swap3A_59, %swap3A_60] : memref<1x8xf32, #tpu.memory_space<vmem>>, vector<1x8xf32>
      tpu.vector_store %arg12[%swap3A_59, %swap3A_60], %add3A_58 {strides = array<i32>} : memref<1x8xf32, #tpu.memory_space<vmem>>, vector<1x8xf32>,
      %get3A_62 = arith.constant 0 : index
      %get3A_63 = arith.constant 0 : index
      %get3A_64 = vector.load %arg2[%get3A_62, %get3A_63] : memref<512x1024xf32, #tpu.memory_space<vmem>>, vector<512x1024xf32>
      %slice3A = vector.extract_strided_slice %get3A_64 {offsets = [0, 0], sizes = [512, 512], strides = [1, 1]} : vector<512x1024xf32> to vector<512x512xf32>
      %convert_element_type3A_65 = arith.truncf %slice3A : vector<512x512xf32> to vector<512x512xbf16>
      %bitcast_convert_type3A = tpu.bitcast %convert_element_type3A_65 : vector<512x512xbf16> -> vector<512x512xi16>
      %convert_element_type3A_66 = arith.extui %bitcast_convert_type3A : vector<512x512xi16> to vector<512x512xi32>
      %slice3A_67 = vector.extract_strided_slice %get3A_64 {offsets = [0, 512], sizes = [512, 512], strides = [1, 1]} : vector<512x1024xf32> to vector<512x512xf32>
      %convert_element_type3A_68 = arith.truncf %slice3A_67 : vector<512x512xf32> to vector<512x512xbf16>
      %bitcast_convert_type3A_69 = tpu.bitcast %convert_element_type3A_68 : vector<512x512xbf16> -> vector<512x512xi16>
      %convert_element_type3A_70 = arith.extui %bitcast_convert_type3A_69 : vector<512x512xi16> to vector<512x512xi32>
      %shift_left3A = arith.constant 16 : i32
      %shift_left3A_71 = vector.broadcast %shift_left3A : i32 to vector<512x512xi32>
      %shift_left3A_72 = arith.shli %convert_element_type3A_70, %shift_left3A_71 : vector<512x512xi32>
      %or3A = arith.ori %convert_element_type3A_66, %shift_left3A_72 : vector<512x512xi32>
      %swap3A_73 = arith.constant 0 : index
      %swap3A_74 = arith.constant 0 : index
      %swap3A_75 = vector.load %arg9[%swap3A_73, %swap3A_74] : memref<512x512xi32, #tpu.memory_space<vmem>>, vector<512x512xi32>
      tpu.vector_store %arg9[%swap3A_73, %swap3A_74], %or3A {strides = array<i32>} : memref<512x512xi32, #tpu.memory_space<vmem>>, vector<512x512xi32>,
    } else {
    }
    %eq3A_2 = arith.constant 1 : i32
    %eq3A_3 = arith.cmpi eq, %arg0, %eq3A_2 : i32
    %convert_element_type3A_4 = arith.extui %eq3A_3 : i1 to i32
    %cond3A_5 = arith.constant 0 : i32
    %cond3A_6 = arith.cmpi ne, %convert_element_type3A_4, %cond3A_5 : i32
    scf.if %cond3A_6 {
      %get3A = arith.constant 0 : index
      %get3A_7 = arith.constant 0 : index
      %get3A_8 = vector.load %arg12[%get3A, %get3A_7] : memref<1x8xf32, #tpu.memory_space<vmem>>, vector<1x1xf32>
      %get3A_9 = vector.extract %get3A_8[0, 0] : f32 from vector<1x1xf32>
      %convert_element_type3A_10 = arith.fptosi %get3A_9 : f32 to i32
      %add3A = arith.constant 255 : i32
      %add3A_11 = arith.addi %convert_element_type3A_10, %add3A : i32
      %jit3A = arith.constant 256 : i32
      %div3A = arith.divsi %add3A_11, %jit3A : i32
      %sign3A = arith.constant 0 : i32
      %sign3A_12 = arith.cmpi sgt, %add3A_11, %sign3A : i32
      %sign3A_13 = arith.extui %sign3A_12 : i1 to i32
      %sign3A_14 = arith.constant 0 : i32
      %sign3A_15 = arith.cmpi slt, %add3A_11, %sign3A_14 : i32
      %sign3A_16 = arith.extui %sign3A_15 : i1 to i32
      %sign3A_17 = arith.subi %sign3A_13, %sign3A_16 : i32
      %sign3A_18 = arith.constant 0 : i32
      %sign3A_19 = arith.cmpi sgt, %jit3A, %sign3A_18 : i32
      %sign3A_20 = arith.extui %sign3A_19 : i1 to i32
      %sign3A_21 = arith.constant 0 : i32
      %sign3A_22 = arith.cmpi slt, %jit3A, %sign3A_21 : i32
      %sign3A_23 = arith.extui %sign3A_22 : i1 to i32
      %sign3A_24 = arith.subi %sign3A_20, %sign3A_23 : i32
      %ne3A = arith.cmpi ne, %sign3A_17, %sign3A_24 : i32
      %rem3A = arith.remsi %add3A_11, %jit3A : i32
      %ne3A_25 = arith.constant 0 : i32
      %ne3A_26 = arith.cmpi ne, %rem3A, %ne3A_25 : i32
      %and3A = arith.andi %ne3A, %ne3A_26 : i1
      %sub3A = arith.constant 1 : i32
      %sub3A_27 = arith.subi %div3A, %sub3A : i32
      %select_n3A = arith.select %and3A, %sub3A_27, %div3A : i32
      %mul3A = arith.constant 256 : i32
      %mul3A_28 = arith.muli %select_n3A, %mul3A : i32
      %add3A_29 = arith.constant 0 : i32
      %add3A_30 = arith.addi %add3A_29, %mul3A_28 : i32
      %get3A_31 = arith.constant 0 : index
      %get3A_32 = arith.constant 1 : index
      %get3A_33 = vector.load %arg12[%get3A_31, %get3A_32] : memref<1x8xf32, #tpu.memory_space<vmem>>, vector<1x1xf32>
      %get3A_34 = vector.extract %get3A_33[0, 0] : f32 from vector<1x1xf32>
      %convert_element_type3A_35 = arith.fptosi %get3A_34 : f32 to i32
      %add3A_36 = arith.constant 255 : i32
      %add3A_37 = arith.addi %convert_element_type3A_35, %add3A_36 : i32
      %jit3A_38 = arith.constant 256 : i32
      %div3A_39 = arith.divsi %add3A_37, %jit3A_38 : i32
      %sign3A_40 = arith.constant 0 : i32
      %sign3A_41 = arith.cmpi sgt, %add3A_37, %sign3A_40 : i32
      %sign3A_42 = arith.extui %sign3A_41 : i1 to i32
      %sign3A_43 = arith.constant 0 : i32
      %sign3A_44 = arith.cmpi slt, %add3A_37, %sign3A_43 : i32
      %sign3A_45 = arith.extui %sign3A_44 : i1 to i32
      %sign3A_46 = arith.subi %sign3A_42, %sign3A_45 : i32
      %sign3A_47 = arith.constant 0 : i32
      %sign3A_48 = arith.cmpi sgt, %jit3A_38, %sign3A_47 : i32
      %sign3A_49 = arith.extui %sign3A_48 : i1 to i32
      %sign3A_50 = arith.constant 0 : i32
      %sign3A_51 = arith.cmpi slt, %jit3A_38, %sign3A_50 : i32
      %sign3A_52 = arith.extui %sign3A_51 : i1 to i32
      %sign3A_53 = arith.subi %sign3A_49, %sign3A_52 : i32
      %ne3A_54 = arith.cmpi ne, %sign3A_46, %sign3A_53 : i32
      %rem3A_55 = arith.remsi %add3A_37, %jit3A_38 : i32
      %ne3A_56 = arith.constant 0 : i32
      %ne3A_57 = arith.cmpi ne, %rem3A_55, %ne3A_56 : i32
      %and3A_58 = arith.andi %ne3A_54, %ne3A_57 : i1
      %sub3A_59 = arith.constant 1 : i32
      %sub3A_60 = arith.subi %div3A_39, %sub3A_59 : i32
      %select_n3A_61 = arith.select %and3A_58, %sub3A_60, %div3A_39 : i32
      %mul3A_62 = arith.constant 256 : i32
      %mul3A_63 = arith.muli %select_n3A_61, %mul3A_62 : i32
      %add3A_64 = arith.addi %add3A_30, %mul3A_63 : i32
      %get3A_65 = arith.constant 0 : index
      %get3A_66 = arith.constant 2 : index
      %get3A_67 = vector.load %arg12[%get3A_65, %get3A_66] : memref<1x8xf32, #tpu.memory_space<vmem>>, vector<1x1xf32>
      %get3A_68 = vector.extract %get3A_67[0, 0] : f32 from vector<1x1xf32>
      %convert_element_type3A_69 = arith.fptosi %get3A_68 : f32 to i32
      %add3A_70 = arith.constant 255 : i32
      %add3A_71 = arith.addi %convert_element_type3A_69, %add3A_70 : i32
      %jit3A_72 = arith.constant 256 : i32
      %div3A_73 = arith.divsi %add3A_71, %jit3A_72 : i32
      %sign3A_74 = arith.constant 0 : i32
      %sign3A_75 = arith.cmpi sgt, %add3A_71, %sign3A_74 : i32
      %sign3A_76 = arith.extui %sign3A_75 : i1 to i32
      %sign3A_77 = arith.constant 0 : i32
      %sign3A_78 = arith.cmpi slt, %add3A_71, %sign3A_77 : i32
      %sign3A_79 = arith.extui %sign3A_78 : i1 to i32
      %sign3A_80 = arith.subi %sign3A_76, %sign3A_79 : i32
      %sign3A_81 = arith.constant 0 : i32
      %sign3A_82 = arith.cmpi sgt, %jit3A_72, %sign3A_81 : i32
      %sign3A_83 = arith.extui %sign3A_82 : i1 to i32
      %sign3A_84 = arith.constant 0 : i32
      %sign3A_85 = arith.cmpi slt, %jit3A_72, %sign3A_84 : i32
      %sign3A_86 = arith.extui %sign3A_85 : i1 to i32
      %sign3A_87 = arith.subi %sign3A_83, %sign3A_86 : i32
      %ne3A_88 = arith.cmpi ne, %sign3A_80, %sign3A_87 : i32
      %rem3A_89 = arith.remsi %add3A_71, %jit3A_72 : i32
      %ne3A_90 = arith.constant 0 : i32
      %ne3A_91 = arith.cmpi ne, %rem3A_89, %ne3A_90 : i32
      %and3A_92 = arith.andi %ne3A_88, %ne3A_91 : i1
      %sub3A_93 = arith.constant 1 : i32
      %sub3A_94 = arith.subi %div3A_73, %sub3A_93 : i32
      %select_n3A_95 = arith.select %and3A_92, %sub3A_94, %div3A_73 : i32
      %mul3A_96 = arith.constant 256 : i32
      %mul3A_97 = arith.muli %select_n3A_95, %mul3A_96 : i32
      %add3A_98 = arith.addi %add3A_64, %mul3A_97 : i32
      %get3A_99 = arith.constant 0 : index
      %get3A_100 = arith.constant 3 : index
      %get3A_101 = vector.load %arg12[%get3A_99, %get3A_100] : memref<1x8xf32, #tpu.memory_space<vmem>>, vector<1x1xf32>
      %get3A_102 = vector.extract %get3A_101[0, 0] : f32 from vector<1x1xf32>
      %convert_element_type3A_103 = arith.fptosi %get3A_102 : f32 to i32
      %add3A_104 = arith.constant 255 : i32
      %add3A_105 = arith.addi %convert_element_type3A_103, %add3A_104 : i32
      %jit3A_106 = arith.constant 256 : i32
      %div3A_107 = arith.divsi %add3A_105, %jit3A_106 : i32
      %sign3A_108 = arith.constant 0 : i32
      %sign3A_109 = arith.cmpi sgt, %add3A_105, %sign3A_108 : i32
      %sign3A_110 = arith.extui %sign3A_109 : i1 to i32
      %sign3A_111 = arith.constant 0 : i32
      %sign3A_112 = arith.cmpi slt, %add3A_105, %sign3A_111 : i32
      %sign3A_113 = arith.extui %sign3A_112 : i1 to i32
      %sign3A_114 = arith.subi %sign3A_110, %sign3A_113 : i32
      %sign3A_115 = arith.constant 0 : i32
      %sign3A_116 = arith.cmpi sgt, %jit3A_106, %sign3A_115 : i32
      %sign3A_117 = arith.extui %sign3A_116 : i1 to i32
      %sign3A_118 = arith.constant 0 : i32
      %sign3A_119 = arith.cmpi slt, %jit3A_106, %sign3A_118 : i32
      %sign3A_120 = arith.extui %sign3A_119 : i1 to i32
      %sign3A_121 = arith.subi %sign3A_117, %sign3A_120 : i32
      %ne3A_122 = arith.cmpi ne, %sign3A_114, %sign3A_121 : i32
      %rem3A_123 = arith.remsi %add3A_105, %jit3A_106 : i32
      %ne3A_124 = arith.constant 0 : i32
      %ne3A_125 = arith.cmpi ne, %rem3A_123, %ne3A_124 : i32
      %and3A_126 = arith.andi %ne3A_122, %ne3A_125 : i1
      %sub3A_127 = arith.constant 1 : i32
      %sub3A_128 = arith.subi %div3A_107, %sub3A_127 : i32
      %select_n3A_129 = arith.select %and3A_126, %sub3A_128, %div3A_107 : i32
      %mul3A_130 = arith.constant 256 : i32
      %mul3A_131 = arith.muli %select_n3A_129, %mul3A_130 : i32
      %add3A_132 = arith.addi %add3A_98, %mul3A_131 : i32
      %get3A_133 = arith.constant 0 : index
      %get3A_134 = arith.constant 4 : index
      %get3A_135 = vector.load %arg12[%get3A_133, %get3A_134] : memref<1x8xf32, #tpu.memory_space<vmem>>, vector<1x1xf32>
      %get3A_136 = vector.extract %get3A_135[0, 0] : f32 from vector<1x1xf32>
      %convert_element_type3A_137 = arith.fptosi %get3A_136 : f32 to i32
      %add3A_138 = arith.constant 255 : i32
      %add3A_139 = arith.addi %convert_element_type3A_137, %add3A_138 : i32
      %jit3A_140 = arith.constant 256 : i32
      %div3A_141 = arith.divsi %add3A_139, %jit3A_140 : i32
      %sign3A_142 = arith.constant 0 : i32
      %sign3A_143 = arith.cmpi sgt, %add3A_139, %sign3A_142 : i32
      %sign3A_144 = arith.extui %sign3A_143 : i1 to i32
      %sign3A_145 = arith.constant 0 : i32
      %sign3A_146 = arith.cmpi slt, %add3A_139, %sign3A_145 : i32
      %sign3A_147 = arith.extui %sign3A_146 : i1 to i32
      %sign3A_148 = arith.subi %sign3A_144, %sign3A_147 : i32
      %sign3A_149 = arith.constant 0 : i32
      %sign3A_150 = arith.cmpi sgt, %jit3A_140, %sign3A_149 : i32
      %sign3A_151 = arith.extui %sign3A_150 : i1 to i32
      %sign3A_152 = arith.constant 0 : i32
      %sign3A_153 = arith.cmpi slt, %jit3A_140, %sign3A_152 : i32
      %sign3A_154 = arith.extui %sign3A_153 : i1 to i32
      %sign3A_155 = arith.subi %sign3A_151, %sign3A_154 : i32
      %ne3A_156 = arith.cmpi ne, %sign3A_148, %sign3A_155 : i32
      %rem3A_157 = arith.remsi %add3A_139, %jit3A_140 : i32
      %ne3A_158 = arith.constant 0 : i32
      %ne3A_159 = arith.cmpi ne, %rem3A_157, %ne3A_158 : i32
      %and3A_160 = arith.andi %ne3A_156, %ne3A_159 : i1
      %sub3A_161 = arith.constant 1 : i32
      %sub3A_162 = arith.subi %div3A_141, %sub3A_161 : i32
      %select_n3A_163 = arith.select %and3A_160, %sub3A_162, %div3A_141 : i32
      %mul3A_164 = arith.constant 256 : i32
      %mul3A_165 = arith.muli %select_n3A_163, %mul3A_164 : i32
      %add3A_166 = arith.addi %add3A_132, %mul3A_165 : i32
      %get3A_167 = arith.constant 0 : index
      %get3A_168 = arith.constant 5 : index
      %get3A_169 = vector.load %arg12[%get3A_167, %get3A_168] : memref<1x8xf32, #tpu.memory_space<vmem>>, vector<1x1xf32>
      %get3A_170 = vector.extract %get3A_169[0, 0] : f32 from vector<1x1xf32>
      %convert_element_type3A_171 = arith.fptosi %get3A_170 : f32 to i32
      %add3A_172 = arith.constant 255 : i32
      %add3A_173 = arith.addi %convert_element_type3A_171, %add3A_172 : i32
      %jit3A_174 = arith.constant 256 : i32
      %div3A_175 = arith.divsi %add3A_173, %jit3A_174 : i32
      %sign3A_176 = arith.constant 0 : i32
      %sign3A_177 = arith.cmpi sgt, %add3A_173, %sign3A_176 : i32
      %sign3A_178 = arith.extui %sign3A_177 : i1 to i32
      %sign3A_179 = arith.constant 0 : i32
      %sign3A_180 = arith.cmpi slt, %add3A_173, %sign3A_179 : i32
      %sign3A_181 = arith.extui %sign3A_180 : i1 to i32
      %sign3A_182 = arith.subi %sign3A_178, %sign3A_181 : i32
      %sign3A_183 = arith.constant 0 : i32
      %sign3A_184 = arith.cmpi sgt, %jit3A_174, %sign3A_183 : i32
      %sign3A_185 = arith.extui %sign3A_184 : i1 to i32
      %sign3A_186 = arith.constant 0 : i32
      %sign3A_187 = arith.cmpi slt, %jit3A_174, %sign3A_186 : i32
      %sign3A_188 = arith.extui %sign3A_187 : i1 to i32
      %sign3A_189 = arith.subi %sign3A_185, %sign3A_188 : i32
      %ne3A_190 = arith.cmpi ne, %sign3A_182, %sign3A_189 : i32
      %rem3A_191 = arith.remsi %add3A_173, %jit3A_174 : i32
      %ne3A_192 = arith.constant 0 : i32
      %ne3A_193 = arith.cmpi ne, %rem3A_191, %ne3A_192 : i32
      %and3A_194 = arith.andi %ne3A_190, %ne3A_193 : i1
      %sub3A_195 = arith.constant 1 : i32
      %sub3A_196 = arith.subi %div3A_175, %sub3A_195 : i32
      %select_n3A_197 = arith.select %and3A_194, %sub3A_196, %div3A_175 : i32
      %mul3A_198 = arith.constant 256 : i32
      %mul3A_199 = arith.muli %select_n3A_197, %mul3A_198 : i32
      %add3A_200 = arith.addi %add3A_166, %mul3A_199 : i32
      %get3A_201 = arith.constant 0 : index
      %get3A_202 = arith.constant 6 : index
      %get3A_203 = vector.load %arg12[%get3A_201, %get3A_202] : memref<1x8xf32, #tpu.memory_space<vmem>>, vector<1x1xf32>
      %get3A_204 = vector.extract %get3A_203[0, 0] : f32 from vector<1x1xf32>
      %convert_element_type3A_205 = arith.fptosi %get3A_204 : f32 to i32
      %add3A_206 = arith.constant 255 : i32
      %add3A_207 = arith.addi %convert_element_type3A_205, %add3A_206 : i32
      %jit3A_208 = arith.constant 256 : i32
      %div3A_209 = arith.divsi %add3A_207, %jit3A_208 : i32
      %sign3A_210 = arith.constant 0 : i32
      %sign3A_211 = arith.cmpi sgt, %add3A_207, %sign3A_210 : i32
      %sign3A_212 = arith.extui %sign3A_211 : i1 to i32
      %sign3A_213 = arith.constant 0 : i32
      %sign3A_214 = arith.cmpi slt, %add3A_207, %sign3A_213 : i32
      %sign3A_215 = arith.extui %sign3A_214 : i1 to i32
      %sign3A_216 = arith.subi %sign3A_212, %sign3A_215 : i32
      %sign3A_217 = arith.constant 0 : i32
      %sign3A_218 = arith.cmpi sgt, %jit3A_208, %sign3A_217 : i32
      %sign3A_219 = arith.extui %sign3A_218 : i1 to i32
      %sign3A_220 = arith.constant 0 : i32
      %sign3A_221 = arith.cmpi slt, %jit3A_208, %sign3A_220 : i32
      %sign3A_222 = arith.extui %sign3A_221 : i1 to i32
      %sign3A_223 = arith.subi %sign3A_219, %sign3A_222 : i32
      %ne3A_224 = arith.cmpi ne, %sign3A_216, %sign3A_223 : i32
      %rem3A_225 = arith.remsi %add3A_207, %jit3A_208 : i32
      %ne3A_226 = arith.constant 0 : i32
      %ne3A_227 = arith.cmpi ne, %rem3A_225, %ne3A_226 : i32
      %and3A_228 = arith.andi %ne3A_224, %ne3A_227 : i1
      %sub3A_229 = arith.constant 1 : i32
      %sub3A_230 = arith.subi %div3A_209, %sub3A_229 : i32
      %select_n3A_231 = arith.select %and3A_228, %sub3A_230, %div3A_209 : i32
      %mul3A_232 = arith.constant 256 : i32
      %mul3A_233 = arith.muli %select_n3A_231, %mul3A_232 : i32
      %add3A_234 = arith.addi %add3A_200, %mul3A_233 : i32
      %get3A_235 = arith.constant 0 : index
      %get3A_236 = arith.constant 7 : index
      %get3A_237 = vector.load %arg12[%get3A_235, %get3A_236] : memref<1x8xf32, #tpu.memory_space<vmem>>, vector<1x1xf32>
      %get3A_238 = vector.extract %get3A_237[0, 0] : f32 from vector<1x1xf32>
      %convert_element_type3A_239 = arith.fptosi %get3A_238 : f32 to i32
      %add3A_240 = arith.constant 255 : i32
      %add3A_241 = arith.addi %convert_element_type3A_239, %add3A_240 : i32
      %jit3A_242 = arith.constant 256 : i32
      %div3A_243 = arith.divsi %add3A_241, %jit3A_242 : i32
      %sign3A_244 = arith.constant 0 : i32
      %sign3A_245 = arith.cmpi sgt, %add3A_241, %sign3A_244 : i32
      %sign3A_246 = arith.extui %sign3A_245 : i1 to i32
      %sign3A_247 = arith.constant 0 : i32
      %sign3A_248 = arith.cmpi slt, %add3A_241, %sign3A_247 : i32
      %sign3A_249 = arith.extui %sign3A_248 : i1 to i32
      %sign3A_250 = arith.subi %sign3A_246, %sign3A_249 : i32
      %sign3A_251 = arith.constant 0 : i32
      %sign3A_252 = arith.cmpi sgt, %jit3A_242, %sign3A_251 : i32
      %sign3A_253 = arith.extui %sign3A_252 : i1 to i32
      %sign3A_254 = arith.constant 0 : i32
      %sign3A_255 = arith.cmpi slt, %jit3A_242, %sign3A_254 : i32
      %sign3A_256 = arith.extui %sign3A_255 : i1 to i32
      %sign3A_257 = arith.subi %sign3A_253, %sign3A_256 : i32
      %ne3A_258 = arith.cmpi ne, %sign3A_250, %sign3A_257 : i32
      %rem3A_259 = arith.remsi %add3A_241, %jit3A_242 : i32
      %ne3A_260 = arith.constant 0 : i32
      %ne3A_261 = arith.cmpi ne, %rem3A_259, %ne3A_260 : i32
      %and3A_262 = arith.andi %ne3A_258, %ne3A_261 : i1
      %sub3A_263 = arith.constant 1 : i32
      %sub3A_264 = arith.subi %div3A_243, %sub3A_263 : i32
      %select_n3A_265 = arith.select %and3A_262, %sub3A_264, %div3A_243 : i32
      %mul3A_266 = arith.constant 256 : i32
      %mul3A_267 = arith.muli %select_n3A_265, %mul3A_266 : i32
      %add3A_268 = arith.addi %add3A_234, %mul3A_267 : i32
      %mul3A_269 = arith.constant 512 : i32
      %mul3A_270 = arith.muli %arg1, %mul3A_269 : i32
      %get3A_271 = arith.index_cast %mul3A_270 : i32 to index
      %get3A_272 = arith.constant 0 : index
      %get3A_273 = vector.load %arg10[%get3A_271, %get3A_272] : memref<8192x1xi32, #tpu.memory_space<vmem>>, vector<512x1xi32>
      %mul3A_274 = arith.constant 512 : i32
      %mul3A_275 = arith.muli %arg1, %mul3A_274 : i32
      %get3A_276 = arith.index_cast %mul3A_275 : i32 to index
      %get3A_277 = arith.constant 0 : index
      %get3A_278 = vector.load %arg11[%get3A_276, %get3A_277] : memref<8192x1xi32, #tpu.memory_space<vmem>>, vector<512x1xi32>
      %eq3A_279 = arith.constant 0 : i32
      %eq3A_280 = vector.broadcast %eq3A_279 : i32 to vector<512x1xi32>
      %eq3A_281 = arith.cmpi eq, %get3A_273, %eq3A_280 : vector<512x1xi32>
      %jit3A_282 = arith.constant 0 : i32
      %jit3A_283 = arith.constant 0 : i32
      %broadcast_in_dim3A = vector.broadcast %jit3A_282 : i32 to vector<512x1xi32>
      %broadcast_in_dim3A_284 = vector.broadcast %jit3A_283 : i32 to vector<512x1xi32>
      %select_n3A_285 = arith.select %eq3A_281, %broadcast_in_dim3A, %broadcast_in_dim3A_284 : vector<512x1xi1>, vector<512x1xi32>
      %add3A_286 = arith.addi %get3A_278, %select_n3A_285 : vector<512x1xi32>
      %eq3A_287 = arith.constant 1 : i32
      %eq3A_288 = vector.broadcast %eq3A_287 : i32 to vector<512x1xi32>
      %eq3A_289 = arith.cmpi eq, %get3A_273, %eq3A_288 : vector<512x1xi32>
      %jit3A_290 = arith.constant 0 : i32
      %broadcast_in_dim3A_291 = vector.broadcast %add3A_30 : i32 to vector<512x1xi32>
      %broadcast_in_dim3A_292 = vector.broadcast %jit3A_290 : i32 to vector<512x1xi32>
      %select_n3A_293 = arith.select %eq3A_289, %broadcast_in_dim3A_291, %broadcast_in_dim3A_292 : vector<512x1xi1>, vector<512x1xi32>
      %add3A_294 = arith.addi %add3A_286, %select_n3A_293 : vector<512x1xi32>
      %eq3A_295 = arith.constant 2 : i32
      %eq3A_296 = vector.broadcast %eq3A_295 : i32 to vector<512x1xi32>
      %eq3A_297 = arith.cmpi eq, %get3A_273, %eq3A_296 : vector<512x1xi32>
      %jit3A_298 = arith.constant 0 : i32
      %broadcast_in_dim3A_299 = vector.broadcast %add3A_64 : i32 to vector<512x1xi32>
      %broadcast_in_dim3A_300 = vector.broadcast %jit3A_298 : i32 to vector<512x1xi32>
      %select_n3A_301 = arith.select %eq3A_297, %broadcast_in_dim3A_299, %broadcast_in_dim3A_300 : vector<512x1xi1>, vector<512x1xi32>
      %add3A_302 = arith.addi %add3A_294, %select_n3A_301 : vector<512x1xi32>
      %eq3A_303 = arith.constant 3 : i32
      %eq3A_304 = vector.broadcast %eq3A_303 : i32 to vector<512x1xi32>
      %eq3A_305 = arith.cmpi eq, %get3A_273, %eq3A_304 : vector<512x1xi32>
      %jit3A_306 = arith.constant 0 : i32
      %broadcast_in_dim3A_307 = vector.broadcast %add3A_98 : i32 to vector<512x1xi32>
      %broadcast_in_dim3A_308 = vector.broadcast %jit3A_306 : i32 to vector<512x1xi32>
      %select_n3A_309 = arith.select %eq3A_305, %broadcast_in_dim3A_307, %broadcast_in_dim3A_308 : vector<512x1xi1>, vector<512x1xi32>
      %add3A_310 = arith.addi %add3A_302, %select_n3A_309 : vector<512x1xi32>
      %eq3A_311 = arith.constant 4 : i32
      %eq3A_312 = vector.broadcast %eq3A_311 : i32 to vector<512x1xi32>
      %eq3A_313 = arith.cmpi eq, %get3A_273, %eq3A_312 : vector<512x1xi32>
      %jit3A_314 = arith.constant 0 : i32
      %broadcast_in_dim3A_315 = vector.broadcast %add3A_132 : i32 to vector<512x1xi32>
      %broadcast_in_dim3A_316 = vector.broadcast %jit3A_314 : i32 to vector<512x1xi32>
      %select_n3A_317 = arith.select %eq3A_313, %broadcast_in_dim3A_315, %broadcast_in_dim3A_316 : vector<512x1xi1>, vector<512x1xi32>
      %add3A_318 = arith.addi %add3A_310, %select_n3A_317 : vector<512x1xi32>
      %eq3A_319 = arith.constant 5 : i32
      %eq3A_320 = vector.broadcast %eq3A_319 : i32 to vector<512x1xi32>
      %eq3A_321 = arith.cmpi eq, %get3A_273, %eq3A_320 : vector<512x1xi32>
      %jit3A_322 = arith.constant 0 : i32
      %broadcast_in_dim3A_323 = vector.broadcast %add3A_166 : i32 to vector<512x1xi32>
      %broadcast_in_dim3A_324 = vector.broadcast %jit3A_322 : i32 to vector<512x1xi32>
      %select_n3A_325 = arith.select %eq3A_321, %broadcast_in_dim3A_323, %broadcast_in_dim3A_324 : vector<512x1xi1>, vector<512x1xi32>
      %add3A_326 = arith.addi %add3A_318, %select_n3A_325 : vector<512x1xi32>
      %eq3A_327 = arith.constant 6 : i32
      %eq3A_328 = vector.broadcast %eq3A_327 : i32 to vector<512x1xi32>
      %eq3A_329 = arith.cmpi eq, %get3A_273, %eq3A_328 : vector<512x1xi32>
      %jit3A_330 = arith.constant 0 : i32
      %broadcast_in_dim3A_331 = vector.broadcast %add3A_200 : i32 to vector<512x1xi32>
      %broadcast_in_dim3A_332 = vector.broadcast %jit3A_330 : i32 to vector<512x1xi32>
      %select_n3A_333 = arith.select %eq3A_329, %broadcast_in_dim3A_331, %broadcast_in_dim3A_332 : vector<512x1xi1>, vector<512x1xi32>
      %add3A_334 = arith.addi %add3A_326, %select_n3A_333 : vector<512x1xi32>
      %eq3A_335 = arith.constant 7 : i32
      %eq3A_336 = vector.broadcast %eq3A_335 : i32 to vector<512x1xi32>
      %eq3A_337 = arith.cmpi eq, %get3A_273, %eq3A_336 : vector<512x1xi32>
      %jit3A_338 = arith.constant 0 : i32
      %broadcast_in_dim3A_339 = vector.broadcast %add3A_234 : i32 to vector<512x1xi32>
      %broadcast_in_dim3A_340 = vector.broadcast %jit3A_338 : i32 to vector<512x1xi32>
      %select_n3A_341 = arith.select %eq3A_337, %broadcast_in_dim3A_339, %broadcast_in_dim3A_340 : vector<512x1xi1>, vector<512x1xi32>
      %add3A_342 = arith.addi %add3A_334, %select_n3A_341 : vector<512x1xi32>
      %reshape3A = vector.shape_cast %add3A_342 : vector<512x1xi32> to vector<512xi32>
      %swap3A = arith.constant 0 : index
      %swap3A_343 = vector.load %arg5[%swap3A] : memref<512xi32, #tpu.memory_space<vmem>>, vector<512xi32>
      tpu.vector_store %arg5[%swap3A], %reshape3A {strides = array<i32>} : memref<512xi32, #tpu.memory_space<vmem>>, vector<512xi32>,
      %eq3A_344 = arith.constant 0 : i32
      %eq3A_345 = arith.cmpi eq, %arg1, %eq3A_344 : i32
      %convert_element_type3A_346 = arith.extui %eq3A_345 : i1 to i32
      %cond3A_347 = arith.constant 0 : i32
      %cond3A_348 = arith.cmpi ne, %convert_element_type3A_346, %cond3A_347 : i32
      scf.if %cond3A_348 {
        %iota3A = tpu.iota {dimensions = array<i32: 1>} : vector<1x128xi32>
        %mul3A_349 = arith.constant 256 : i32
        %mul3A_350 = vector.broadcast %mul3A_349 : i32 to vector<1x128xi32>
        %mul3A_351 = arith.muli %iota3A, %mul3A_350 : vector<1x128xi32>
        %broadcast_in_dim3A_352 = arith.constant 0 : i32
        %broadcast_in_dim3A_353 = vector.broadcast %broadcast_in_dim3A_352 : i32 to vector<1x128xi32>
        %ge3A = vector.broadcast %add3A_30 : i32 to vector<1x128xi32>
        %ge3A_354 = arith.cmpi sge, %mul3A_351, %ge3A : vector<1x128xi32>
        %convert_element_type3A_355 = arith.extui %ge3A_354 : vector<1x128xi1> to vector<1x128xi32>
        %add3A_356 = arith.addi %broadcast_in_dim3A_353, %convert_element_type3A_355 : vector<1x128xi32>
        %gt3A = arith.constant 0 : i32
        %gt3A_357 = arith.cmpi sgt, %mul3A_28, %gt3A : i32
        %jit3A_358 = arith.constant 0 : i32
        %jit3A_359 = arith.constant 0 : i32
        %select_n3A_360 = arith.select %gt3A_357, %jit3A_358, %jit3A_359 : i32
        %ge3A_361 = vector.broadcast %add3A_64 : i32 to vector<1x128xi32>
        %ge3A_362 = arith.cmpi sge, %mul3A_351, %ge3A_361 : vector<1x128xi32>
        %convert_element_type3A_363 = arith.extui %ge3A_362 : vector<1x128xi1> to vector<1x128xi32>
        %add3A_364 = arith.addi %add3A_356, %convert_element_type3A_363 : vector<1x128xi32>
        %gt3A_365 = arith.constant 0 : i32
        %gt3A_366 = arith.cmpi sgt, %mul3A_63, %gt3A_365 : i32
        %jit3A_367 = arith.constant 1 : i32
        %select_n3A_368 = arith.select %gt3A_366, %jit3A_367, %select_n3A_360 : i32
        %ge3A_369 = vector.broadcast %add3A_98 : i32 to vector<1x128xi32>
        %ge3A_370 = arith.cmpi sge, %mul3A_351, %ge3A_369 : vector<1x128xi32>
        %convert_element_type3A_371 = arith.extui %ge3A_370 : vector<1x128xi1> to vector<1x128xi32>
        %add3A_372 = arith.addi %add3A_364, %convert_element_type3A_371 : vector<1x128xi32>
        %gt3A_373 = arith.constant 0 : i32
        %gt3A_374 = arith.cmpi sgt, %mul3A_97, %gt3A_373 : i32
        %jit3A_375 = arith.constant 2 : i32
        %select_n3A_376 = arith.select %gt3A_374, %jit3A_375, %select_n3A_368 : i32
        %ge3A_377 = vector.broadcast %add3A_132 : i32 to vector<1x128xi32>
        %ge3A_378 = arith.cmpi sge, %mul3A_351, %ge3A_377 : vector<1x128xi32>
        %convert_element_type3A_379 = arith.extui %ge3A_378 : vector<1x128xi1> to vector<1x128xi32>
        %add3A_380 = arith.addi %add3A_372, %convert_element_type3A_379 : vector<1x128xi32>
        %gt3A_381 = arith.constant 0 : i32
        %gt3A_382 = arith.cmpi sgt, %mul3A_131, %gt3A_381 : i32
        %jit3A_383 = arith.constant 3 : i32
        %select_n3A_384 = arith.select %gt3A_382, %jit3A_383, %select_n3A_376 : i32
        %ge3A_385 = vector.broadcast %add3A_166 : i32 to vector<1x128xi32>
        %ge3A_386 = arith.cmpi sge, %mul3A_351, %ge3A_385 : vector<1x128xi32>
        %convert_element_type3A_387 = arith.extui %ge3A_386 : vector<1x128xi1> to vector<1x128xi32>
        %add3A_388 = arith.addi %add3A_380, %convert_element_type3A_387 : vector<1x128xi32>
        %gt3A_389 = arith.constant 0 : i32
        %gt3A_390 = arith.cmpi sgt, %mul3A_165, %gt3A_389 : i32
        %jit3A_391 = arith.constant 4 : i32
        %select_n3A_392 = arith.select %gt3A_390, %jit3A_391, %select_n3A_384 : i32
        %ge3A_393 = vector.broadcast %add3A_200 : i32 to vector<1x128xi32>
        %ge3A_394 = arith.cmpi sge, %mul3A_351, %ge3A_393 : vector<1x128xi32>
        %convert_element_type3A_395 = arith.extui %ge3A_394 : vector<1x128xi1> to vector<1x128xi32>
        %add3A_396 = arith.addi %add3A_388, %convert_element_type3A_395 : vector<1x128xi32>
        %gt3A_397 = arith.constant 0 : i32
        %gt3A_398 = arith.cmpi sgt, %mul3A_199, %gt3A_397 : i32
        %jit3A_399 = arith.constant 5 : i32
        %select_n3A_400 = arith.select %gt3A_398, %jit3A_399, %select_n3A_392 : i32
        %ge3A_401 = vector.broadcast %add3A_234 : i32 to vector<1x128xi32>
        %ge3A_402 = arith.cmpi sge, %mul3A_351, %ge3A_401 : vector<1x128xi32>
        %convert_element_type3A_403 = arith.extui %ge3A_402 : vector<1x128xi1> to vector<1x128xi32>
        %add3A_404 = arith.addi %add3A_396, %convert_element_type3A_403 : vector<1x128xi32>
        %gt3A_405 = arith.constant 0 : i32
        %gt3A_406 = arith.cmpi sgt, %mul3A_233, %gt3A_405 : i32
        %jit3A_407 = arith.constant 6 : i32
        %select_n3A_408 = arith.select %gt3A_406, %jit3A_407, %select_n3A_400 : i32
        %ge3A_409 = vector.broadcast %add3A_268 : i32 to vector<1x128xi32>
        %ge3A_410 = arith.cmpi sge, %mul3A_351, %ge3A_409 : vector<1x128xi32>
        %convert_element_type3A_411 = arith.extui %ge3A_410 : vector<1x128xi1> to vector<1x128xi32>
        %add3A_412 = arith.addi %add3A_404, %convert_element_type3A_411 : vector<1x128xi32>
        %gt3A_413 = arith.constant 0 : i32
        %gt3A_414 = arith.cmpi sgt, %mul3A_267, %gt3A_413 : i32
        %jit3A_415 = arith.constant 7 : i32
        %select_n3A_416 = arith.select %gt3A_414, %jit3A_415, %select_n3A_408 : i32
        %min3A = vector.broadcast %select_n3A_416 : i32 to vector<1x128xi32>
        %min3A_417 = arith.minsi %add3A_412, %min3A : vector<1x128xi32>
        %swap3A_418 = arith.constant 0 : index
        %swap3A_419 = arith.constant 0 : index
        %swap3A_420 = vector.load %arg6[%swap3A_418, %swap3A_419] : memref<1x128xi32, #tpu.memory_space<vmem>>, vector<1x128xi32>
        tpu.vector_store %arg6[%swap3A_418, %swap3A_419], %min3A_417 {strides = array<i32>} : memref<1x128xi32, #tpu.memory_space<vmem>>, vector<1x128xi32>,
        %gt3A_421 = arith.constant 0 : i32
        %gt3A_422 = arith.cmpi sgt, %mul3A_267, %gt3A_421 : i32
        %lt3A = arith.constant 7 : i32
        %lt3A_423 = vector.broadcast %lt3A : i32 to vector<1x128xi32>
        %lt3A_424 = arith.cmpi slt, %min3A_417, %lt3A_423 : vector<1x128xi32>
        %and3A_425 = vector.broadcast %gt3A_422 : i1 to vector<1x128xi1>
        %and3A_426 = arith.andi %and3A_425, %lt3A_424 : vector<1x128xi1>
        %jit3A_427 = arith.constant 7 : i32
        %broadcast_in_dim3A_428 = vector.broadcast %jit3A_427 : i32 to vector<1x128xi32>
        %select_n3A_429 = arith.select %and3A_426, %broadcast_in_dim3A_428, %min3A_417 : vector<1x128xi1>, vector<1x128xi32>
        %gt3A_430 = arith.constant 0 : i32
        %gt3A_431 = arith.cmpi sgt, %mul3A_233, %gt3A_430 : i32
        %lt3A_432 = arith.constant 6 : i32
        %lt3A_433 = vector.broadcast %lt3A_432 : i32 to vector<1x128xi32>
        %lt3A_434 = arith.cmpi slt, %min3A_417, %lt3A_433 : vector<1x128xi32>
        %and3A_435 = vector.broadcast %gt3A_431 : i1 to vector<1x128xi1>
        %and3A_436 = arith.andi %and3A_435, %lt3A_434 : vector<1x128xi1>
        %jit3A_437 = arith.constant 6 : i32
        %broadcast_in_dim3A_438 = vector.broadcast %jit3A_437 : i32 to vector<1x128xi32>
        %select_n3A_439 = arith.select %and3A_436, %broadcast_in_dim3A_438, %select_n3A_429 : vector<1x128xi1>, vector<1x128xi32>
        %gt3A_440 = arith.constant 0 : i32
        %gt3A_441 = arith.cmpi sgt, %mul3A_199, %gt3A_440 : i32
        %lt3A_442 = arith.constant 5 : i32
        %lt3A_443 = vector.broadcast %lt3A_442 : i32 to vector<1x128xi32>
        %lt3A_444 = arith.cmpi slt, %min3A_417, %lt3A_443 : vector<1x128xi32>
        %and3A_445 = vector.broadcast %gt3A_441 : i1 to vector<1x128xi1>
        %and3A_446 = arith.andi %and3A_445, %lt3A_444 : vector<1x128xi1>
        %jit3A_447 = arith.constant 5 : i32
        %broadcast_in_dim3A_448 = vector.broadcast %jit3A_447 : i32 to vector<1x128xi32>
        %select_n3A_449 = arith.select %and3A_446, %broadcast_in_dim3A_448, %select_n3A_439 : vector<1x128xi1>, vector<1x128xi32>
        %gt3A_450 = arith.constant 0 : i32
        %gt3A_451 = arith.cmpi sgt, %mul3A_165, %gt3A_450 : i32
        %lt3A_452 = arith.constant 4 : i32
        %lt3A_453 = vector.broadcast %lt3A_452 : i32 to vector<1x128xi32>
        %lt3A_454 = arith.cmpi slt, %min3A_417, %lt3A_453 : vector<1x128xi32>
        %and3A_455 = vector.broadcast %gt3A_451 : i1 to vector<1x128xi1>
        %and3A_456 = arith.andi %and3A_455, %lt3A_454 : vector<1x128xi1>
        %jit3A_457 = arith.constant 4 : i32
        %broadcast_in_dim3A_458 = vector.broadcast %jit3A_457 : i32 to vector<1x128xi32>
        %select_n3A_459 = arith.select %and3A_456, %broadcast_in_dim3A_458, %select_n3A_449 : vector<1x128xi1>, vector<1x128xi32>
        %gt3A_460 = arith.constant 0 : i32
        %gt3A_461 = arith.cmpi sgt, %mul3A_131, %gt3A_460 : i32
        %lt3A_462 = arith.constant 3 : i32
        %lt3A_463 = vector.broadcast %lt3A_462 : i32 to vector<1x128xi32>
        %lt3A_464 = arith.cmpi slt, %min3A_417, %lt3A_463 : vector<1x128xi32>
        %and3A_465 = vector.broadcast %gt3A_461 : i1 to vector<1x128xi1>
        %and3A_466 = arith.andi %and3A_465, %lt3A_464 : vector<1x128xi1>
        %jit3A_467 = arith.constant 3 : i32
        %broadcast_in_dim3A_468 = vector.broadcast %jit3A_467 : i32 to vector<1x128xi32>
        %select_n3A_469 = arith.select %and3A_466, %broadcast_in_dim3A_468, %select_n3A_459 : vector<1x128xi1>, vector<1x128xi32>
        %gt3A_470 = arith.constant 0 : i32
        %gt3A_471 = arith.cmpi sgt, %mul3A_97, %gt3A_470 : i32
        %lt3A_472 = arith.constant 2 : i32
        %lt3A_473 = vector.broadcast %lt3A_472 : i32 to vector<1x128xi32>
        %lt3A_474 = arith.cmpi slt, %min3A_417, %lt3A_473 : vector<1x128xi32>
        %and3A_475 = vector.broadcast %gt3A_471 : i1 to vector<1x128xi1>
        %and3A_476 = arith.andi %and3A_475, %lt3A_474 : vector<1x128xi1>
        %jit3A_477 = arith.constant 2 : i32
        %broadcast_in_dim3A_478 = vector.broadcast %jit3A_477 : i32 to vector<1x128xi32>
        %select_n3A_479 = arith.select %and3A_476, %broadcast_in_dim3A_478, %select_n3A_469 : vector<1x128xi1>, vector<1x128xi32>
        %gt3A_480 = arith.constant 0 : i32
        %gt3A_481 = arith.cmpi sgt, %mul3A_63, %gt3A_480 : i32
        %lt3A_482 = arith.constant 1 : i32
        %lt3A_483 = vector.broadcast %lt3A_482 : i32 to vector<1x128xi32>
        %lt3A_484 = arith.cmpi slt, %min3A_417, %lt3A_483 : vector<1x128xi32>
        %and3A_485 = vector.broadcast %gt3A_481 : i1 to vector<1x128xi1>
        %and3A_486 = arith.andi %and3A_485, %lt3A_484 : vector<1x128xi1>
        %jit3A_487 = arith.constant 1 : i32
        %broadcast_in_dim3A_488 = vector.broadcast %jit3A_487 : i32 to vector<1x128xi32>
        %select_n3A_489 = arith.select %and3A_486, %broadcast_in_dim3A_488, %select_n3A_479 : vector<1x128xi1>, vector<1x128xi32>
        %gt3A_490 = arith.constant 0 : i32
        %gt3A_491 = arith.cmpi sgt, %mul3A_28, %gt3A_490 : i32
        %lt3A_492 = arith.constant 0 : i32
        %lt3A_493 = vector.broadcast %lt3A_492 : i32 to vector<1x128xi32>
        %lt3A_494 = arith.cmpi slt, %min3A_417, %lt3A_493 : vector<1x128xi32>
        %and3A_495 = vector.broadcast %gt3A_491 : i1 to vector<1x128xi1>
        %and3A_496 = arith.andi %and3A_495, %lt3A_494 : vector<1x128xi1>
        %jit3A_497 = arith.constant 0 : i32
        %broadcast_in_dim3A_498 = vector.broadcast %jit3A_497 : i32 to vector<1x128xi32>
        %select_n3A_499 = arith.select %and3A_496, %broadcast_in_dim3A_498, %select_n3A_489 : vector<1x128xi1>, vector<1x128xi32>
        %swap3A_500 = arith.constant 0 : index
        %swap3A_501 = arith.constant 0 : index
        %swap3A_502 = vector.load %arg7[%swap3A_500, %swap3A_501] : memref<1x128xi32, #tpu.memory_space<vmem>>, vector<1x128xi32>
        tpu.vector_store %arg7[%swap3A_500, %swap3A_501], %select_n3A_499 {strides = array<i32>} : memref<1x128xi32, #tpu.memory_space<vmem>>, vector<1x128xi32>,
        %broadcast_in_dim3A_503 = arith.constant 0 : i32
        %broadcast_in_dim3A_504 = vector.broadcast %broadcast_in_dim3A_503 : i32 to vector<1x128xi32>
        %gt3A_505 = arith.constant 0 : i32
        %gt3A_506 = arith.cmpi sgt, %mul3A_28, %gt3A_505 : i32
        %ge3A_507 = arith.constant 0 : i32
        %ge3A_508 = vector.broadcast %ge3A_507 : i32 to vector<1x128xi32>
        %ge3A_509 = arith.cmpi sge, %min3A_417, %ge3A_508 : vector<1x128xi32>
        %and3A_510 = vector.broadcast %gt3A_506 : i1 to vector<1x128xi1>
        %and3A_511 = arith.andi %and3A_510, %ge3A_509 : vector<1x128xi1>
        %jit3A_512 = arith.constant 1 : i32
        %jit3A_513 = arith.constant 0 : i32
        %broadcast_in_dim3A_514 = vector.broadcast %jit3A_512 : i32 to vector<1x128xi32>
        %broadcast_in_dim3A_515 = vector.broadcast %jit3A_513 : i32 to vector<1x128xi32>
        %select_n3A_516 = arith.select %and3A_511, %broadcast_in_dim3A_514, %broadcast_in_dim3A_515 : vector<1x128xi1>, vector<1x128xi32>
        %add3A_517 = arith.addi %broadcast_in_dim3A_504, %select_n3A_516 : vector<1x128xi32>
        %gt3A_518 = arith.constant 0 : i32
        %gt3A_519 = arith.cmpi sgt, %mul3A_63, %gt3A_518 : i32
        %ge3A_520 = arith.constant 1 : i32
        %ge3A_521 = vector.broadcast %ge3A_520 : i32 to vector<1x128xi32>
        %ge3A_522 = arith.cmpi sge, %min3A_417, %ge3A_521 : vector<1x128xi32>
        %and3A_523 = vector.broadcast %gt3A_519 : i1 to vector<1x128xi1>
        %and3A_524 = arith.andi %and3A_523, %ge3A_522 : vector<1x128xi1>
        %jit3A_525 = arith.constant 1 : i32
        %jit3A_526 = arith.constant 0 : i32
        %broadcast_in_dim3A_527 = vector.broadcast %jit3A_525 : i32 to vector<1x128xi32>
        %broadcast_in_dim3A_528 = vector.broadcast %jit3A_526 : i32 to vector<1x128xi32>
        %select_n3A_529 = arith.select %and3A_524, %broadcast_in_dim3A_527, %broadcast_in_dim3A_528 : vector<1x128xi1>, vector<1x128xi32>
        %add3A_530 = arith.addi %add3A_517, %select_n3A_529 : vector<1x128xi32>
        %gt3A_531 = arith.constant 0 : i32
        %gt3A_532 = arith.cmpi sgt, %mul3A_97, %gt3A_531 : i32
        %ge3A_533 = arith.constant 2 : i32
        %ge3A_534 = vector.broadcast %ge3A_533 : i32 to vector<1x128xi32>
        %ge3A_535 = arith.cmpi sge, %min3A_417, %ge3A_534 : vector<1x128xi32>
        %and3A_536 = vector.broadcast %gt3A_532 : i1 to vector<1x128xi1>
        %and3A_537 = arith.andi %and3A_536, %ge3A_535 : vector<1x128xi1>
        %jit3A_538 = arith.constant 1 : i32
        %jit3A_539 = arith.constant 0 : i32
        %broadcast_in_dim3A_540 = vector.broadcast %jit3A_538 : i32 to vector<1x128xi32>
        %broadcast_in_dim3A_541 = vector.broadcast %jit3A_539 : i32 to vector<1x128xi32>
        %select_n3A_542 = arith.select %and3A_537, %broadcast_in_dim3A_540, %broadcast_in_dim3A_541 : vector<1x128xi1>, vector<1x128xi32>
        %add3A_543 = arith.addi %add3A_530, %select_n3A_542 : vector<1x128xi32>
        %gt3A_544 = arith.constant 0 : i32
        %gt3A_545 = arith.cmpi sgt, %mul3A_131, %gt3A_544 : i32
        %ge3A_546 = arith.constant 3 : i32
        %ge3A_547 = vector.broadcast %ge3A_546 : i32 to vector<1x128xi32>
        %ge3A_548 = arith.cmpi sge, %min3A_417, %ge3A_547 : vector<1x128xi32>
        %and3A_549 = vector.broadcast %gt3A_545 : i1 to vector<1x128xi1>
        %and3A_550 = arith.andi %and3A_549, %ge3A_548 : vector<1x128xi1>
        %jit3A_551 = arith.constant 1 : i32
        %jit3A_552 = arith.constant 0 : i32
        %broadcast_in_dim3A_553 = vector.broadcast %jit3A_551 : i32 to vector<1x128xi32>
        %broadcast_in_dim3A_554 = vector.broadcast %jit3A_552 : i32 to vector<1x128xi32>
        %select_n3A_555 = arith.select %and3A_550, %broadcast_in_dim3A_553, %broadcast_in_dim3A_554 : vector<1x128xi1>, vector<1x128xi32>
        %add3A_556 = arith.addi %add3A_543, %select_n3A_555 : vector<1x128xi32>
        %gt3A_557 = arith.constant 0 : i32
        %gt3A_558 = arith.cmpi sgt, %mul3A_165, %gt3A_557 : i32
        %ge3A_559 = arith.constant 4 : i32
        %ge3A_560 = vector.broadcast %ge3A_559 : i32 to vector<1x128xi32>
        %ge3A_561 = arith.cmpi sge, %min3A_417, %ge3A_560 : vector<1x128xi32>
        %and3A_562 = vector.broadcast %gt3A_558 : i1 to vector<1x128xi1>
        %and3A_563 = arith.andi %and3A_562, %ge3A_561 : vector<1x128xi1>
        %jit3A_564 = arith.constant 1 : i32
        %jit3A_565 = arith.constant 0 : i32
        %broadcast_in_dim3A_566 = vector.broadcast %jit3A_564 : i32 to vector<1x128xi32>
        %broadcast_in_dim3A_567 = vector.broadcast %jit3A_565 : i32 to vector<1x128xi32>
        %select_n3A_568 = arith.select %and3A_563, %broadcast_in_dim3A_566, %broadcast_in_dim3A_567 : vector<1x128xi1>, vector<1x128xi32>
        %add3A_569 = arith.addi %add3A_556, %select_n3A_568 : vector<1x128xi32>
        %gt3A_570 = arith.constant 0 : i32
        %gt3A_571 = arith.cmpi sgt, %mul3A_199, %gt3A_570 : i32
        %ge3A_572 = arith.constant 5 : i32
        %ge3A_573 = vector.broadcast %ge3A_572 : i32 to vector<1x128xi32>
        %ge3A_574 = arith.cmpi sge, %min3A_417, %ge3A_573 : vector<1x128xi32>
        %and3A_575 = vector.broadcast %gt3A_571 : i1 to vector<1x128xi1>
        %and3A_576 = arith.andi %and3A_575, %ge3A_574 : vector<1x128xi1>
        %jit3A_577 = arith.constant 1 : i32
        %jit3A_578 = arith.constant 0 : i32
        %broadcast_in_dim3A_579 = vector.broadcast %jit3A_577 : i32 to vector<1x128xi32>
        %broadcast_in_dim3A_580 = vector.broadcast %jit3A_578 : i32 to vector<1x128xi32>
        %select_n3A_581 = arith.select %and3A_576, %broadcast_in_dim3A_579, %broadcast_in_dim3A_580 : vector<1x128xi1>, vector<1x128xi32>
        %add3A_582 = arith.addi %add3A_569, %select_n3A_581 : vector<1x128xi32>
        %gt3A_583 = arith.constant 0 : i32
        %gt3A_584 = arith.cmpi sgt, %mul3A_233, %gt3A_583 : i32
        %ge3A_585 = arith.constant 6 : i32
        %ge3A_586 = vector.broadcast %ge3A_585 : i32 to vector<1x128xi32>
        %ge3A_587 = arith.cmpi sge, %min3A_417, %ge3A_586 : vector<1x128xi32>
        %and3A_588 = vector.broadcast %gt3A_584 : i1 to vector<1x128xi1>
        %and3A_589 = arith.andi %and3A_588, %ge3A_587 : vector<1x128xi1>
        %jit3A_590 = arith.constant 1 : i32
        %jit3A_591 = arith.constant 0 : i32
        %broadcast_in_dim3A_592 = vector.broadcast %jit3A_590 : i32 to vector<1x128xi32>
        %broadcast_in_dim3A_593 = vector.broadcast %jit3A_591 : i32 to vector<1x128xi32>
        %select_n3A_594 = arith.select %and3A_589, %broadcast_in_dim3A_592, %broadcast_in_dim3A_593 : vector<1x128xi1>, vector<1x128xi32>
        %add3A_595 = arith.addi %add3A_582, %select_n3A_594 : vector<1x128xi32>
        %gt3A_596 = arith.constant 0 : i32
        %gt3A_597 = arith.cmpi sgt, %mul3A_267, %gt3A_596 : i32
        %ge3A_598 = arith.constant 7 : i32
        %ge3A_599 = vector.broadcast %ge3A_598 : i32 to vector<1x128xi32>
        %ge3A_600 = arith.cmpi sge, %min3A_417, %ge3A_599 : vector<1x128xi32>
        %and3A_601 = vector.broadcast %gt3A_597 : i1 to vector<1x128xi1>
        %and3A_602 = arith.andi %and3A_601, %ge3A_600 : vector<1x128xi1>
        %jit3A_603 = arith.constant 1 : i32
        %jit3A_604 = arith.constant 0 : i32
        %broadcast_in_dim3A_605 = vector.broadcast %jit3A_603 : i32 to vector<1x128xi32>
        %broadcast_in_dim3A_606 = vector.broadcast %jit3A_604 : i32 to vector<1x128xi32>
        %select_n3A_607 = arith.select %and3A_602, %broadcast_in_dim3A_605, %broadcast_in_dim3A_606 : vector<1x128xi1>, vector<1x128xi32>
        %add3A_608 = arith.addi %add3A_595, %select_n3A_607 : vector<1x128xi32>
        %sub3A_609 = arith.constant 1 : i32
        %sub3A_610 = vector.broadcast %sub3A_609 : i32 to vector<1x128xi32>
        %sub3A_611 = arith.subi %add3A_608, %sub3A_610 : vector<1x128xi32>
        %jit3A_612 = arith.constant 2 : i32
        %eq3A_613 = arith.constant 0 : i32
        %eq3A_614 = arith.cmpi eq, %jit3A_612, %eq3A_613 : i32
        %jit3A_615 = arith.constant 1 : i32
        %select_n3A_616 = arith.select %eq3A_614, %jit3A_615, %jit3A_612 : i32
        %rem3A_617 = vector.broadcast %select_n3A_616 : i32 to vector<1x128xi32>
        %rem3A_618 = arith.remsi %sub3A_611, %rem3A_617 : vector<1x128xi32>
        %ne3A_619 = arith.constant 0 : i32
        %ne3A_620 = vector.broadcast %ne3A_619 : i32 to vector<1x128xi32>
        %ne3A_621 = arith.cmpi ne, %rem3A_618, %ne3A_620 : vector<1x128xi32>
        %lt3A_622 = arith.constant 0 : i32
        %lt3A_623 = vector.broadcast %lt3A_622 : i32 to vector<1x128xi32>
        %lt3A_624 = arith.cmpi slt, %rem3A_618, %lt3A_623 : vector<1x128xi32>
        %lt3A_625 = arith.constant 0 : i32
        %lt3A_626 = arith.cmpi slt, %select_n3A_616, %lt3A_625 : i32
        %ne3A_627 = vector.broadcast %lt3A_626 : i1 to vector<1x128xi1>
        %ne3A_628 = vector.broadcast %ne3A_627 : vector<1x128xi1> to vector<1x128xi1>
        %ne3A_629 = arith.xori %lt3A_624, %ne3A_628 : vector<1x128xi1>
        %and3A_630 = arith.andi %ne3A_629, %ne3A_621 : vector<1x128xi1>
        %add3A_631 = vector.broadcast %select_n3A_616 : i32 to vector<1x128xi32>
        %add3A_632 = arith.addi %rem3A_618, %add3A_631 : vector<1x128xi32>
        %select_n3A_633 = arith.select %and3A_630, %add3A_632, %rem3A_618 : vector<1x128xi1>, vector<1x128xi32>
        %swap3A_634 = arith.constant 0 : index
        %swap3A_635 = arith.constant 0 : index
        %swap3A_636 = vector.load %arg8[%swap3A_634, %swap3A_635] : memref<1x128xi32, #tpu.memory_space<vmem>>, vector<1x128xi32>
        tpu.vector_store %arg8[%swap3A_634, %swap3A_635], %select_n3A_633 {strides = array<i32>} : memref<1x128xi32, #tpu.memory_space<vmem>>, vector<1x128xi32>,
      } else {
      }
    } else {
    }
    return
  }
  func.func @transform_0(%arg0: i32, %arg1: i32) -> (i32, i32) {
    %sub3A = arith.constant 1 : i32
    %sub3A_0 = arith.subi %sub3A, %arg0 : i32
    %mul3A = arith.muli %sub3A_0, %arg1 : i32
    %c0_i32 = arith.constant 0 : i32
    %c0_i32_1 = arith.constant 0 : i32
    return %mul3A, %c0_i32 : i32, i32
  }
  func.func @transform_1(%arg0: i32, %arg1: i32) -> (i32, i32) {
    %c0_i32 = arith.constant 0 : i32
    %c0_i32_0 = arith.constant 0 : i32
    %c0_i32_1 = arith.constant 0 : i32
    return %c0_i32, %c0_i32_0 : i32, i32
  }
  func.func @transform_2(%arg0: i32, %arg1: i32) -> (i32, i32) {
    %c0_i32 = arith.constant 0 : i32
    %c0_i32_0 = arith.constant 0 : i32
    %c0_i32_1 = arith.constant 0 : i32
    return %c0_i32, %c0_i32_0 : i32, i32
  }
  func.func @transform_3(%arg0: i32, %arg1: i32) -> i32 {
    %c0_i32 = arith.constant 0 : i32
    return %arg1 : i32
  }
  func.func @transform_4(%arg0: i32, %arg1: i32) -> (i32, i32) {
    %c0_i32 = arith.constant 0 : i32
    %c0_i32_0 = arith.constant 0 : i32
    %c0_i32_1 = arith.constant 0 : i32
    return %c0_i32, %c0_i32_0 : i32, i32
  }
  func.func @transform_5(%arg0: i32, %arg1: i32) -> (i32, i32) {
    %c0_i32 = arith.constant 0 : i32
    %c0_i32_0 = arith.constant 0 : i32
    %c0_i32_1 = arith.constant 0 : i32
    return %c0_i32, %c0_i32_0 : i32, i32
  }
  func.func @transform_6(%arg0: i32, %arg1: i32) -> (i32, i32) {
    %c0_i32 = arith.constant 0 : i32
    %c0_i32_0 = arith.constant 0 : i32
    %c0_i32_1 = arith.constant 0 : i32
    return %c0_i32, %c0_i32_0 : i32, i32
  }
  func.func @transform_7(%arg0: i32, %arg1: i32) -> (i32, i32) {
    %sub3A = arith.constant 1 : i32
    %sub3A_0 = arith.subi %sub3A, %arg0 : i32
    %mul3A = arith.muli %sub3A_0, %arg1 : i32
    %mul3A_1 = arith.constant 16 : i32
    %mul3A_2 = arith.muli %arg0, %mul3A_1 : i32
    %add3A = arith.addi %mul3A, %mul3A_2 : i32
    %c0_i32 = arith.constant 0 : i32
    %c0_i32_3 = arith.constant 0 : i32
    return %add3A, %c0_i32 : i32, i32
  }
}

</mosaic_0001>

<sc_bundles>
// kernel: kernel.6.cloned.1.call-start
scs
__scs_entry_jumppad:
0x0: {  	(pc) =	sbr.rel $0x88, $3  }
0x1: {  	(tag) =	ssettag $0x0;
	lr =	simm.s32 $0x1  }
0x2: {  	[smem:$0x3F98] =	sst lr;
	_ =	strace $0xD0000000  }
0x3: {  	_ = 	snop  }
0x4: {  	_ = 	snop  }
0x5: {  	_ = 	snop  }
0x6: {  	_ = 	snop  }
0x7: {  	_ = 	snop  }
__scs_overlays_trampoline_lowered:
0x8: {  	[smem:$0x3FA7] =	sst s0  }
0x9: {  	[smem:$0x3FA8] =	sst s1  }
0xa: {  	[smem:$0x3FA9] =	sst s2  }
0xb: {  	[smem:$0x3FAA] =	sst s3  }
0xc: {  	[smem:$0x3FAB] =	sst s4  }
0xd: {  	[smem:$0x3FAC] =	sst s5  }
0xe: {  	[smem:$0x3FAD] =	sst s6  }
0xf: {  	[smem:$0x3FAE] =	sst s7  }
0x10: {  	[smem:$0x3FAF] =	sst s8  }
0x11: {  	[smem:$0x3FB0] =	sst s9;
	s0 =	simm.s32 @!p0 $0x0  }
0x12: {  	s1 =	sld [smem:$0x3F96];
	s0 =	simm.s32 @p0 $0x1  }
0x13: {  	[smem:$0x3FB1] =	sst s0;
	s0 =	simm.s32 @!p1 $0x0  }
0x14: {  	s2 =	sld [smem:$0x3F95];
	s0 =	simm.s32 @p1 $0x1  }
0x15: {  	[smem:$0x3FB2] =	sst s0;
	s0 =	simm.s32 @!p2 $0x0  }
0x16: {  	s3 =	sld [smem:$0x3FDB];
	s0 =	simm.s32 @p2 $0x1  }
0x17: {  	s4 =	simm.s32 $0x1BF5;
	[smem:$0x3FB4] =	sst s0  }
0x18: {  	s0 =	sld [smem:$0x3F97];
	_ =	swait.ge [sflag:s4], $0x0  }
0x19: {  	s7 =	sld [smem:$0x3F98]  }
0x1a: {  	s8 =	sadd.s32 $0xFFFFE003, lr  }
0x1b: {  	s9 =	sadd.s32 $0xFFFFFEF7, lr;
	s5 =	simm.s32 $0xFFFFFFFF;
	p2 =	slt.u32 s8, $0xFFFFF086  }
0x1c: {  	p1 =	slt.u32 s9, $0xF7A;
	s5 =	simm.s32 @!p2 $0x0  }
0x1d: {  	s5 =	simm.s32 @p1 $0x1;
	p0 =	seq.s32 s7, s2  }
0x1e: {  	s7 =	smul.u32 @!p0 $0xF7A, s2;
	p2 =	seq.s32 @!p0 s5, $0x0  }
0x1f: {  	s9 =	smul.u32 $0xF7A, s1;
	s8 =	simm.s32 @!p0 $0x1BF5;
	p2 =	por !p2, p0  }
0x20: {  	[sflag:s8] =	ssyncset.s32 @!p0 $0xFFFFF086;
	s6 =	sadd.s32 @!p0 s3, s7;
	s7 =	simm.s32 @!p0 $0x108  }
0x21: {  	s3 =	sadd.s32 s3, s9;
	s6 =	sadd.s32 @!p0 $0x88, s6;
	s7 =	simm.s32 @p2 $0x1082  }
0x22: {  	[simem:s7], [sflag:s8] =	dma.local @!p0 [hbm:s6], $0xF7A  }
0x23: {  	s9 =	sor.u32 $0xD0000000, s2;
	s6 =	simm.s32 $0x108;
	_ =	swait.ge @!p0 [sflag:s8], $0x0  }
0x24: {  	s3 =	sadd.s32 $0x88, s3;
	s6 =	simm.s32 @!p1 $0x1082;
	[sflag:s4] =	ssyncset.s32 $0xFFFFF086  }
0x25: {  	[simem:s6], [sflag:s4] =	dma.local [hbm:s3], $0xF7A  }
0x26: {  	[smem:$0x3F98] =	sst s1;
	(tag) =	ssettag s2;
	_ =	strace s9  }
0x27: {  	s1 =	sld [smem:$0x3FA8]  }
0x28: {  	s2 =	sld [smem:$0x3FA9]  }
0x29: {  	s4 =	sld [smem:$0x3FAB]  }
0x2a: {  	p0 =	seq.s32 s5, $0x0;
	s5 =	sld [smem:$0x3FAC]  }
0x2b: {  	s6 =	sld [smem:$0x3FAD]  }
0x2c: {  	s7 =	sld [smem:$0x3FAE]  }
0x2d: {  	s3 =	simm.s32 $0x108;
	s8 =	sld [smem:$0x3FAF]  }
0x2e: {  	s3 =	simm.s32 @!p0 $0x1082;
	s9 =	sld [smem:$0x3FB0]  }
0x2f: {  	lr =	sadd.s32 s0, s3;
	s0 =	sld [smem:$0x3FA7]  }
0x30: {  	s3 =	sld [smem:$0x3FAA]  }
0x31: {  	[smem:$0x3FB3] =	sst s10  }
0x32: {  	s10 =	sld [smem:$0x3FB1];
	_ =	sdelay $0x3  }
0x33: {  	p0 =	seq.s32 s10, $0x1;
	s10 =	sld [smem:$0x3FB3];
	_ =	sdelay $0x3  }
0x34: {  	[smem:$0x3FB3] =	sst s10  }
0x35: {  	s10 =	sld [smem:$0x3FB2];
	_ =	sdelay $0x3  }
0x36: {  	p1 =	seq.s32 s10, $0x1;
	s10 =	sld [smem:$0x3FB3];
	_ =	sdelay $0x3  }
0x37: {  	[smem:$0x3FB3] =	sst s10  }
0x38: {  	s10 =	sld [smem:$0x3FB4]  }
0x39: {  	_ = 	snop;
	(pc) =	sbr.ind lr, $3  }
0x3a: {  	_ = 	snop  }
0x3b: {  	_ = 	snop  }
0x3c: {  	p2 =	seq.s32 s10, $0x1;
	s10 =	sld [smem:$0x3FB3]  }
0x3d: {  	_ =	shalt  }
0x3e: {  	_ =	shalt  }
0x3f: {  	_ =	shalt  }
0x40: {  	_ =	shalt  }
0x41: {  	_ =	shalt  }
0x42: {  	_ =	shalt  }
0x43: {  	_ =	shalt  }
0x44: {  	_ =	shalt  }
0x45: {  	_ =	shalt  }
0x46: {  	_ =	shalt  }
0x47: {  	_ =	shalt  }
0x48: {  	_ =	shalt  }
0x49: {  	_ =	shalt  }
0x4a: {  	_ =	shalt  }
0x4b: {  	_ =	shalt  }
0x4c: {  	_ =	shalt  }
0x4d: {  	_ =	shalt  }
0x4e: {  	_ =	shalt  }
0x4f: {  	_ =	shalt  }
0x50: {  	_ =	shalt  }
0x51: {  	_ =	shalt  }
0x52: {  	_ =	shalt  }
0x53: {  	_ =	shalt  }
0x54: {  	_ =	shalt  }
0x55: {  	_ =	shalt  }
0x56: {  	_ =	shalt  }
0x57: {  	_ =	shalt  }
0x58: {  	_ =	shalt  }
0x59: {  	_ =	shalt  }
0x5a: {  	_ =	shalt  }
0x5b: {  	_ =	shalt  }
0x5c: {  	_ =	shalt  }
0x5d: {  	_ =	shalt  }
0x5e: {  	_ =	shalt  }
0x5f: {  	_ =	shalt  }
0x60: {  	_ =	shalt  }
0x61: {  	_ =	shalt  }
0x62: {  	_ =	shalt  }
0x63: {  	_ =	shalt  }
0x64: {  	_ =	shalt  }
0x65: {  	_ =	shalt  }
0x66: {  	_ =	shalt  }
0x67: {  	_ =	shalt  }
0x68: {  	_ =	shalt  }
0x69: {  	_ =	shalt  }
0x6a: {  	_ =	shalt  }
0x6b: {  	_ =	shalt  }
0x6c: {  	_ =	shalt  }
0x6d: {  	_ =	shalt  }
0x6e: {  	_ =	shalt  }
0x6f: {  	_ =	shalt  }
0x70: {  	_ =	shalt  }
0x71: {  	_ =	shalt  }
0x72: {  	_ =	shalt  }
0x73: {  	_ =	shalt  }
0x74: {  	_ =	shalt  }
0x75: {  	_ =	shalt  }
0x76: {  	_ =	shalt  }
0x77: {  	_ =	shalt  }
0x78: {  	_ =	shalt  }
0x79: {  	_ =	shalt  }
0x7a: {  	_ =	shalt  }
0x7b: {  	_ =	shalt  }
0x7c: {  	_ =	shalt  }
0x7d: {  	_ =	shalt  }
0x7e: {  	_ =	shalt  }
0x7f: {  	_ =	shalt  }
0x80: {  	_ =	shalt  }
0x81: {  	_ =	shalt  }
0x82: {  	_ =	shalt  }
0x83: {  	_ =	shalt  }
0x84: {  	_ =	shalt  }
0x85: {  	_ =	shalt  }
0x86: {  	_ =	shalt  }
0x87: {  	_ =	shalt  }
.Lfunc_end0:
.L_simem_size_0:
called_computation_lowered:
.L_overlay_start_0:
0x88: {  	s2 =	sld [smem:$0x3FD9]  }
0x89: {  	s3 =	sld [smem:$0x3FFE];
	_ =	sdelay $0x1  }
0x8a: {  	s1 =	srdreg.scid  }
0x8b: {  	s0 =	sand.u32 $0x1, s1  }
0x8c: {  	s17 =	sshll.u32 s0, $0xA;
	s2 =	sadd.s32 s3, s2  }
0x8d: {  	s2 =	sadd.s32 s2, s17  }
0x8e: {  	[smem:$0x3FBF] =	sst s2  }
0x8f: {  	_ = 	snop  }
0x90: {  	s2 =	sld [smem:$0x3FD0];
	(tm) =	ssettm $0x1  }
0x91: {  	s18 =	sld [smem:$0x3FFB];
	_ =	sdelay $0x3  }
0x92: {  	_ =	strace s18  }
0x93: {  	s3 =	sld [smem:$0x3FFC];
	_ =	sdelay $0x3  }
0x94: {  	_ =	strace s3  }
0x95: {  	s3 =	sld [smem:$0x3FFD];
	_ =	sdelay $0x3  }
0x96: {  	_ =	strace s3  }
0x97: {  	_ =	strace $0x8FFFFFFF  }
0x98: {  	s19 =	sld [smem:$0x3FDB];
	_ =	sdelay $0x1  }
0x99: {  	s4 =	simm.s32 $_scs_section_size  }
0x9a: {  	s5 =	simm.s32 $_size__tile_overlayer_lowered;
	s6 =	simm.s32 $_tile_overlayer_lowered  }
0x9b: {  	s22 =	simm.s32 $0x1BFF;
	s21 =	sshll.u32 s6, $0x1;
	s3 =	sadd.s32 s4, s19  }
0x9c: {  	s7 =	simm.s32 $0x0;
	s20 =	sshll.u32 s5, $0x1;
	s5 =	sadd.s32 s21, s3  }
0x9d: {  	[timem:s7], [sflag:s22] =	dma.local [hbm:s5], s20  }
0x9e: {  	_ =	swait.ge [sflag:s22], s20  }
0x9f: {  	s4 =	ssub.s32 $0x0, s20;
	[sflag:s22] =	ssyncset.done $0x0  }
0xa0: {  	[sflag:s22] =	ssyncadd.s32 s4;
	_ =	sdelay $0x1  }
0xa1: {  	s23 =	simm.s32 $0x1B8B  }
0xa2: {  	_ =	swait.ge [sflag:s23], $0x1  }
0xa3: {  	[sflag:s23] =	ssyncset.done $0x0  }
0xa4: {  	s25 =	simm.s32 $0x1B8E;
	s24 =	sld [smem:$0x3FFE];
	[sflag:s23] =	ssyncadd.s32 $0xFFFFFFFF  }
0xa5: {  	s26 =	simm.s32 $execute0_lowered;
	[smem:$0x3FD2] =	sst s25  }
0xa6: {  	s5 =	sshll.u32 s26, $0x1;
	_ =	strace $0x80000046;
	[dreg:$0x1] =	wrdreg $0xFFFFFFFF  }
0xa7: {  	s28 =	simm.s32 $_size_execute0_lowered;
	s3 =	sadd.s32 s3, s5;
	[dreg:$0x0] =	wrdreg $0x0  }
0xa8: {  	s5 =	sshll.u32 s28, $0x1;
	[dreg:$0x2] =	wrdreg s3  }
0xa9: {  	[dreg:$0x3] =	wrdreg s5  }
0xaa: {  	[dreg:$0x4] =	wrdreg $0xC0  }
0xab: {  	_ =	task [dreg:s7], $0x5FFFF  }
0xac: {  	[dreg:$0x1] =	wrdreg $0xFFFFFFFF  }
0xad: {  	[dreg:$0x0] =	wrdreg $0x60  }
0xae: {  	[dreg:$0x2] =	wrdreg s24  }
0xaf: {  	[dreg:$0x3] =	wrdreg s2  }
0xb0: {  	[dreg:$0x4] =	wrdreg $0x9  }
0xb1: {  	_ =	task.clear_ibuf [dreg:s7], $0x5FFFF;
	_ =	strace $0x90000046  }
0xb2: {  	s29 =	simm.s32 $0x9;
	_ =	strace $0x80000048  }
0xb3: {  	_ =	swait.ge [sflag:s29], $0x1  }
0xb4: {  	[sflag:s29] =	ssyncadd.s32 $0xFFFFFFFF  }
0xb5: {  	_ =	strace $0x90000048  }
0xb6: {  	_ =	sfence  }
0xb7: {  	s30 =	sld [smem:$0x0];
	_ =	sdelay $0x2  }
0xb8: {  	s31 =	sshll.u32 s1, $0xD;
	s1 =	sshrl.u32 s1, $0x2  }
0xb9: {  	s3 =	sand.u32 $0x4000, s31;
	s1 =	sadd.s32 s1, s30  }
0xba: {  	s0 =	sor.u32 s3, s0;
	s1 =	sshll.u32 s1, $0x11  }
0xbb: {  	s0 =	sor.u32 s1, s0  }
0xbc: {  	s0 =	sadd.s32 $0x8F2B, s0  }
0xbd: {  	[sflag:s0] =	ssyncadd.remote.s32 $0x1  }
0xbe: {  	_ =	sfence.sel $0xFFFF  }
0xbf: {  	[dreg:$0x0] =	wrdreg $0xFFFFFFFF;
	(pc) =	sbr.abs _section_cstart, $3  }
0xc0: {  	[dreg:$0x1] =	wrdreg $0xFFFFFFFF  }
0xc1: {  	_ =	task.clear_ibuf [dreg:s7], $0x2FFFF;
	_ =	strace $0x9FFFFFFF  }
0xc2: {  	(tm) =	ssettm $0x7FFFFFFF  }
0xc3: {  	_ =	shalt  }
tec
execute0_lowered:
.L_overlay_start_1:
0x0: {  	(tag) =	ssettag $0x1  }
0x1: {  	s0 =	rddreg [dreg:$0x0]  }
0x2: {  	s2 =	rddreg [dreg:$0x1];
	s1 =	srdreg.scid;
	s3 =	simm.s32 $0x0  }
0x3: {  	s4 =	stileid.u32;
	s29 =	simm.s32 $0x2;
	s30 =	simm.s32 $0x5  }
0x4: {  	s31 =	simm.s32 $0x6;
	s28 =	simm.s32 $0x7100;
	s1 =	sand.u32 $0x1, s1  }
0x5: {  	[smem:$0x7FF] =	sst s3;
	s4 =	sshll.u32 s4, $0x9;
	s5 =	sshll.u32 s1, $0x8  }
0x6: {  	_ =	strace $0x80000047;
	s1 =	ssub.s32 $0x2, s1;
	s4 =	sor.u32 s5, s4  }
0x7: {  	s5 =	sadd.s32 $0x1A00, s0;
	s0 =	sadd.s32 $0x89A00, s0;
	s6 =	sshrl.u32 s4, $0x3  }
0x8: {  	s7 =	sshll.u32 s4, $0x6;
	s8 =	sor.u32 $0x20, s4;
	s24 =	sor.u32 $0x40, s4  }
0x9: {  	s26 =	sor.u32 $0x60, s4;
	s13 =	sor.u32 $0x80, s4;
	s15 =	sor.u32 $0xA0, s4  }
0xa: {  	s6 =	sadd.s32 s0, s6;
	s19 =	sadd.s32 s5, s7;
	s20 =	sshrl.u32 s8, $0x3  }
0xb: {  	s22 =	sshll.u32 s8, $0x6;
	s25 =	sshrl.u32 s24, $0x3;
	s7 =	sshll.u32 s24, $0x6  }
0xc: {  	s9 =	sshrl.u32 s26, $0x3;
	s11 =	sshll.u32 s26, $0x6;
	s14 =	sshrl.u32 s13, $0x3  }
0xd: {  	s17 =	sshrl.u32 s15, $0x3;
	s8 =	simm.s32 $0x8980;
	[dreg:$0x3] =	wrdreg s6  }
0xe: {  	[dreg:$0x4] =	wrdreg s19;
	s21 =	sadd.s32 s0, s20;
	s23 =	sadd.s32 s5, s22  }
0xf: {  	s6 =	sadd.s32 s0, s25;
	s7 =	sadd.s32 s5, s7;
	[dreg:$0x5] =	wrdreg s21  }
0x10: {  	s10 =	sadd.s32 s0, s9;
	s12 =	sadd.s32 s5, s11;
	[dreg:$0x6] =	wrdreg s23  }
0x11: {  	s18 =	sadd.s32 s0, s17;
	s19 =	sshll.u32 s15, $0x6;
	[dreg:$0x7] =	wrdreg s6  }
0x12: {  	s22 =	sshrl.u32 s1, $0x1;
	s17 =	simm.s32 $0x80;
	[dreg:$0x8] =	wrdreg s7  }
0x13: {  	s9 =	simm.s32 $0x4100;
	s11 =	simm.s32 $0x9180;
	[dreg:$0x9] =	wrdreg s10  }
0x14: {  	s15 =	simm.s32 $0xB180;
	[dreg:$0xa] =	wrdreg s12;
	s6 =	sadd.s32 s0, s14  }
0x15: {  	s7 =	sshll.u32 s13, $0x6;
	[dreg:$0xd] =	wrdreg s18;
	s20 =	sadd.s32 s5, s19  }
0x16: {  	s21 =	sor.u32 $0xC0, s4;
	s4 =	sor.u32 $0xE0, s4;
	s1 =	ssub.s32 s1, s22  }
0x17: {  	s10 =	simm.s32 $0x1;
	s18 =	simm.s32 $0x4;
	s22 =	simm.s32 $0x4900  }
0x18: {  	s19 =	simm.s32 $0x7900;
	s12 =	simm.s32 $0x9980;
	s13 =	simm.s32 $0xA180  }
0x19: {  	s14 =	simm.s32 $0xA980;
	[dreg:$0xb] =	wrdreg s6;
	s16 =	sadd.s32 s5, s7  }
0x1a: {  	[dreg:$0xe] =	wrdreg s20;
	s23 =	sshrl.u32 s21, $0x3;
	s7 =	sshll.u32 s21, $0x6  }
0x1b: {  	s25 =	sshrl.u32 s4, $0x3;
	s4 =	sshll.u32 s4, $0x6;
	s20 =	simm.s32 $0x3  }
0x1c: {  	[dreg:$0xc] =	wrdreg s16;
	s6 =	sadd.s32 s0, s23;
	s24 =	sadd.s32 s5, s7  }
0x1d: {  	s0 =	sadd.s32 s0, s25;
	s26 =	sadd.s32 s5, s4;
	[dreg:$0xf] =	wrdreg s6  }
0x1e: {  	s4 =	sadd.s32 $0x100, s2;
	s5 =	smax.u32 s1, $0x1;
	[dreg:$0x10] =	wrdreg s24  }
0x1f: {  	v2 =	vlaneseq.u32;
	s7 =	simm.s32 $0x8180;
	s23 =	simm.s32 $0x5100;
	[dreg:$0x11] =	wrdreg s0  }
0x20: {  	vm0 =	vmmov $0xffff;
	v1 =	vshrl.u32 v2, $0x3;
	s25 =	simm.s32 $0x6100;
	s16 =	simm.s32 $0xB980;
	[dreg:$0x12] =	wrdreg s26  }
0x21: {  	v0 =	vand.u32 $0x7, v2;
	v2 =	vor.u32 $0x8, v2;
	v1 =	vmul.u32 $0x8, v1;
	s6 =	simm.s32 $0x7;
	s24 =	simm.s32 $0x5900;
	s26 =	simm.s32 $0x6900  }
.LBB2_1:
0x22: {  	s0 =	rddreg [dreg:$0x3]  }
0x23: {  	[tilespmem:s3], [sflag:$0x7] =	stream.linear.gather [hbm4b:s0+s3], $0x20, $0x38;
	[tilespmem:$0xC180] =	vst v63  }
0x24: {  	_ =	swait.ge [sflag:s6], $0x20  }
0x25: {  	[sflag:s6] =	ssyncset.done $0x0  }
0x26: {  	s21 =	rddreg [dreg:$0x4];
	[sflag:s6] =	ssyncadd.s32 $0xFFFFFFE0  }
0x27: {  	[tilespmem:s17], [sflag:$0x1] =	stream.linear.gather [hbm4b:s21+s3], $0x4000, $0x38;
	[tilespmem:$0xC180] =	vst v63  }
0x28: {  	s1 =	rddreg [dreg:$0x5];
	s21 =	simm.s32 $0x4080  }
0x29: {  	[tilespmem:s21], [sflag:$0x7] =	stream.linear.gather [hbm4b:s1+s3], $0x20, $0x38;
	[tilespmem:$0xC180] =	vst v63  }
0x2a: {  	_ =	swait.ge [sflag:s6], $0x20  }
0x2b: {  	[sflag:s6] =	ssyncset.done $0x0  }
0x2c: {  	s1 =	rddreg [dreg:$0x6];
	[sflag:s6] =	ssyncadd.s32 $0xFFFFFFE0  }
0x2d: {  	[tilespmem:s9], [sflag:$0x3] =	stream.linear.gather [hbm4b:s1+s3], $0x4000, $0x38;
	[tilespmem:$0xC180] =	vst v63  }
0x2e: {  	_ =	swait.ge [sflag:s10], $0x4000  }
0x2f: {  	[sflag:s10] =	ssyncset.done $0x0  }
0x30: {  	[sflag:s10] =	ssyncadd.s32 $0xFFFFC000  }
0x31: {  	v3 =	vld [tilespmem:$0x0];
	_ =	sdelay $0x4  }
0x32: {  	v4 =	vshll.u32 v3, $0x2  }
0x33: {  	v3 =	vand.u32 $0x7, v3;
	v4 =	vand.u32 $0xFFFFFFE0, v4  }
0x34: {  	v3 =	vor.u32 v3, v4  }
0x35: {  	v4 =	vperm.xlane v3, v0;
	_ =	sdelay $0x1  }
0x36: {  	v4 =	vadd.s32 v1, v4;
	_ =	sdelay $0x1  }
0x37: {  	v3 =	vperm.xlane v3, v2;
	_ =	sdelay $0x1  }
0x38: {  	v3 =	vadd.s32 v1, v3  }
0x39: {  	[hbm4b:s2+s3] =	stream.indirect_vreg.scatter [tilespmem:s17], [sflag:$0x2], $0x80, v4, vm0, $0xb8;
	[tilespmem:$0xC180] =	vst v63  }
0x3a: {  	s21 =	simm.s32 $0x880  }
0x3b: {  	[hbm4b:s4+s3] =	stream.indirect_vreg.scatter [tilespmem:s21], [sflag:$0x2], $0x80, v4, vm0, $0xb8;
	[tilespmem:$0xC180] =	vst v63  }
0x3c: {  	s1 =	simm.s32 $0x1080  }
0x3d: {  	[hbm4b:s2+s3] =	stream.indirect_vreg.scatter [tilespmem:s1], [sflag:$0x2], $0x80, v3, vm0, $0xb8;
	[tilespmem:$0xC180] =	vst v63  }
0x3e: {  	s21 =	simm.s32 $0x1880  }
0x3f: {  	[hbm4b:s4+s3] =	stream.indirect_vreg.scatter [tilespmem:s21], [sflag:$0x2], $0x80, v3, vm0, $0xb8;
	[tilespmem:$0xC180] =	vst v63  }
0x40: {  	v3 =	vld [tilespmem:$0x10];
	_ =	sdelay $0x4  }
0x41: {  	v49 =	vshll.u32 v3, $0x2  }
0x42: {  	v3 =	vand.u32 $0x7, v3;
	v4 =	vand.u32 $0xFFFFFFE0, v49  }
0x43: {  	v3 =	vor.u32 v3, v4  }
0x44: {  	v4 =	vperm.xlane v3, v0;
	_ =	sdelay $0x1  }
0x45: {  	v4 =	vadd.s32 v1, v4;
	_ =	sdelay $0x1  }
0x46: {  	v3 =	vperm.xlane v3, v2;
	_ =	sdelay $0x1  }
0x47: {  	s1 =	simm.s32 $0x2080;
	v3 =	vadd.s32 v1, v3  }
0x48: {  	[hbm4b:s2+s3] =	stream.indirect_vreg.scatter [tilespmem:s1], [sflag:$0x2], $0x80, v4, vm0, $0xb8;
	[tilespmem:$0xC180] =	vst v63  }
0x49: {  	s21 =	simm.s32 $0x2880  }
0x4a: {  	[hbm4b:s4+s3] =	stream.indirect_vreg.scatter [tilespmem:s21], [sflag:$0x2], $0x80, v4, vm0, $0xb8;
	[tilespmem:$0xC180] =	vst v63  }
0x4b: {  	s1 =	simm.s32 $0x3080  }
0x4c: {  	[hbm4b:s2+s3] =	stream.indirect_vreg.scatter [tilespmem:s1], [sflag:$0x2], $0x80, v3, vm0, $0xb8;
	[tilespmem:$0xC180] =	vst v63  }
0x4d: {  	s21 =	simm.s32 $0x3880  }
0x4e: {  	[hbm4b:s4+s3] =	stream.indirect_vreg.scatter [tilespmem:s21], [sflag:$0x2], $0x80, v3, vm0, $0xb8;
	[tilespmem:$0xC180] =	vst v63  }
0x4f: {  	s0 =	rddreg [dreg:$0x7];
	s1 =	simm.s32 $0x8100  }
0x50: {  	[tilespmem:s1], [sflag:$0x7] =	stream.linear.gather [hbm4b:s0+s3], $0x20, $0x38;
	[tilespmem:$0xC180] =	vst v63  }
0x51: {  	_ =	swait.ge [sflag:s6], $0x20  }
0x52: {  	[sflag:s6] =	ssyncset.done $0x0  }
0x53: {  	s21 =	rddreg [dreg:$0x8];
	[sflag:s6] =	ssyncadd.s32 $0xFFFFFFE0  }
0x54: {  	[tilespmem:s7], [sflag:$0x5] =	stream.linear.gather [hbm4b:s21+s3], $0x4000, $0x38;
	[tilespmem:$0xC180] =	vst v63  }
0x55: {  	_ =	swait.ge [sflag:s20], $0x4000  }
0x56: {  	[sflag:s20] =	ssyncset.done $0x0  }
0x57: {  	[sflag:s20] =	ssyncadd.s32 $0xFFFFC000  }
0x58: {  	v3 =	vld [tilespmem:$0x4080];
	_ =	sdelay $0x4  }
0x59: {  	v50 =	vshll.u32 v3, $0x2  }
0x5a: {  	v3 =	vand.u32 $0x7, v3;
	v4 =	vand.u32 $0xFFFFFFE0, v50  }
0x5b: {  	v3 =	vor.u32 v3, v4  }
0x5c: {  	v4 =	vperm.xlane v3, v0;
	_ =	sdelay $0x1  }
0x5d: {  	v4 =	vadd.s32 v1, v4;
	_ =	sdelay $0x1  }
0x5e: {  	v3 =	vperm.xlane v3, v2;
	_ =	sdelay $0x1  }
0x5f: {  	v3 =	vadd.s32 v1, v3  }
0x60: {  	[hbm4b:s2+s3] =	stream.indirect_vreg.scatter [tilespmem:s9], [sflag:$0x4], $0x80, v4, vm0, $0xb8;
	[tilespmem:$0xC180] =	vst v63  }
0x61: {  	_ = 	snop  }
0x62: {  	[hbm4b:s4+s3] =	stream.indirect_vreg.scatter [tilespmem:s22], [sflag:$0x4], $0x80, v4, vm0, $0xb8;
	[tilespmem:$0xC180] =	vst v63  }
0x63: {  	_ = 	snop  }
0x64: {  	[hbm4b:s2+s3] =	stream.indirect_vreg.scatter [tilespmem:s23], [sflag:$0x4], $0x80, v3, vm0, $0xb8;
	[tilespmem:$0xC180] =	vst v63  }
0x65: {  	_ = 	snop  }
0x66: {  	[hbm4b:s4+s3] =	stream.indirect_vreg.scatter [tilespmem:s24], [sflag:$0x4], $0x80, v3, vm0, $0xb8;
	[tilespmem:$0xC180] =	vst v63  }
0x67: {  	v3 =	vld [tilespmem:$0x4090];
	_ =	sdelay $0x4  }
0x68: {  	v51 =	vshll.u32 v3, $0x2  }
0x69: {  	v3 =	vand.u32 $0x7, v3;
	v4 =	vand.u32 $0xFFFFFFE0, v51  }
0x6a: {  	v3 =	vor.u32 v3, v4  }
0x6b: {  	v4 =	vperm.xlane v3, v0;
	_ =	sdelay $0x1  }
0x6c: {  	v4 =	vadd.s32 v1, v4;
	_ =	sdelay $0x1  }
0x6d: {  	v3 =	vperm.xlane v3, v2;
	_ =	sdelay $0x1  }
0x6e: {  	v3 =	vadd.s32 v1, v3  }
0x6f: {  	[hbm4b:s2+s3] =	stream.indirect_vreg.scatter [tilespmem:s25], [sflag:$0x4], $0x80, v4, vm0, $0xb8;
	[tilespmem:$0xC180] =	vst v63  }
0x70: {  	_ = 	snop  }
0x71: {  	[hbm4b:s4+s3] =	stream.indirect_vreg.scatter [tilespmem:s26], [sflag:$0x4], $0x80, v4, vm0, $0xb8;
	[tilespmem:$0xC180] =	vst v63  }
0x72: {  	_ = 	snop  }
0x73: {  	[hbm4b:s2+s3] =	stream.indirect_vreg.scatter [tilespmem:s28], [sflag:$0x4], $0x80, v3, vm0, $0xb8;
	[tilespmem:$0xC180] =	vst v63  }
0x74: {  	_ = 	snop  }
0x75: {  	[hbm4b:s4+s3] =	stream.indirect_vreg.scatter [tilespmem:s19], [sflag:$0x4], $0x80, v3, vm0, $0xb8;
	[tilespmem:$0xC180] =	vst v63  }
0x76: {  	_ =	swait.ge [sflag:s29], $0x4000  }
0x77: {  	[sflag:s29] =	ssyncset.done $0x0  }
0x78: {  	s21 =	rddreg [dreg:$0x9];
	[sflag:s29] =	ssyncadd.s32 $0xFFFFC000  }
0x79: {  	[tilespmem:s3], [sflag:$0x7] =	stream.linear.gather [hbm4b:s21+s3], $0x20, $0x38;
	[tilespmem:$0xC180] =	vst v63  }
0x7a: {  	_ =	swait.ge [sflag:s6], $0x20  }
0x7b: {  	[sflag:s6] =	ssyncset.done $0x0  }
0x7c: {  	s21 =	rddreg [dreg:$0xa];
	[sflag:s6] =	ssyncadd.s32 $0xFFFFFFE0  }
0x7d: {  	[tilespmem:s17], [sflag:$0x1] =	stream.linear.gather [hbm4b:s21+s3], $0x4000, $0x38;
	[tilespmem:$0xC180] =	vst v63  }
0x7e: {  	_ =	swait.ge [sflag:s30], $0x4000  }
0x7f: {  	[sflag:s30] =	ssyncset.done $0x0  }
0x80: {  	[sflag:s30] =	ssyncadd.s32 $0xFFFFC000  }
0x81: {  	v3 =	vld [tilespmem:$0x8100];
	_ =	sdelay $0x4  }
0x82: {  	v52 =	vshll.u32 v3, $0x2  }
0x83: {  	v3 =	vand.u32 $0x7, v3;
	v4 =	vand.u32 $0xFFFFFFE0, v52  }
0x84: {  	v3 =	vor.u32 v3, v4  }
0x85: {  	v4 =	vperm.xlane v3, v0;
	_ =	sdelay $0x1  }
0x86: {  	v4 =	vadd.s32 v1, v4;
	_ =	sdelay $0x1  }
0x87: {  	v3 =	vperm.xlane v3, v2;
	_ =	sdelay $0x1  }
0x88: {  	v3 =	vadd.s32 v1, v3  }
0x89: {  	[hbm4b:s2+s3] =	stream.indirect_vreg.scatter [tilespmem:s7], [sflag:$0x6], $0x80, v4, vm0, $0xb8;
	[tilespmem:$0xC180] =	vst v63  }
0x8a: {  	_ = 	snop  }
0x8b: {  	[hbm4b:s4+s3] =	stream.indirect_vreg.scatter [tilespmem:s8], [sflag:$0x6], $0x80, v4, vm0, $0xb8;
	[tilespmem:$0xC180] =	vst v63  }
0x8c: {  	_ = 	snop  }
0x8d: {  	[hbm4b:s2+s3] =	stream.indirect_vreg.scatter [tilespmem:s11], [sflag:$0x6], $0x80, v3, vm0, $0xb8;
	[tilespmem:$0xC180] =	vst v63  }
0x8e: {  	_ = 	snop  }
0x8f: {  	[hbm4b:s4+s3] =	stream.indirect_vreg.scatter [tilespmem:s12], [sflag:$0x6], $0x80, v3, vm0, $0xb8;
	[tilespmem:$0xC180] =	vst v63  }
0x90: {  	v3 =	vld [tilespmem:$0x8110];
	_ =	sdelay $0x4  }
0x91: {  	v53 =	vshll.u32 v3, $0x2  }
0x92: {  	v3 =	vand.u32 $0x7, v3;
	v4 =	vand.u32 $0xFFFFFFE0, v53  }
0x93: {  	v3 =	vor.u32 v3, v4  }
0x94: {  	v4 =	vperm.xlane v3, v0;
	_ =	sdelay $0x1  }
0x95: {  	v4 =	vadd.s32 v1, v4;
	_ =	sdelay $0x1  }
0x96: {  	v3 =	vperm.xlane v3, v2;
	_ =	sdelay $0x1  }
0x97: {  	v3 =	vadd.s32 v1, v3  }
0x98: {  	[hbm4b:s2+s3] =	stream.indirect_vreg.scatter [tilespmem:s13], [sflag:$0x6], $0x80, v4, vm0, $0xb8;
	[tilespmem:$0xC180] =	vst v63  }
0x99: {  	_ = 	snop  }
0x9a: {  	[hbm4b:s4+s3] =	stream.indirect_vreg.scatter [tilespmem:s14], [sflag:$0x6], $0x80, v4, vm0, $0xb8;
	[tilespmem:$0xC180] =	vst v63  }
0x9b: {  	_ = 	snop  }
0x9c: {  	[hbm4b:s2+s3] =	stream.indirect_vreg.scatter [tilespmem:s15], [sflag:$0x6], $0x80, v3, vm0, $0xb8;
	[tilespmem:$0xC180] =	vst v63  }
0x9d: {  	_ = 	snop  }
0x9e: {  	[hbm4b:s4+s3] =	stream.indirect_vreg.scatter [tilespmem:s16], [sflag:$0x6], $0x80, v3, vm0, $0xb8;
	[tilespmem:$0xC180] =	vst v63  }
0x9f: {  	_ =	swait.ge [sflag:s18], $0x4000  }
0xa0: {  	[sflag:s18] =	ssyncset.done $0x0  }
0xa1: {  	s21 =	simm.s32 $0x4080;
	s0 =	rddreg [dreg:$0xb];
	[sflag:s18] =	ssyncadd.s32 $0xFFFFC000  }
0xa2: {  	[tilespmem:s21], [sflag:$0x7] =	stream.linear.gather [hbm4b:s0+s3], $0x20, $0x38;
	[tilespmem:$0xC180] =	vst v63  }
0xa3: {  	_ =	swait.ge [sflag:s6], $0x20  }
0xa4: {  	[sflag:s6] =	ssyncset.done $0x0  }
0xa5: {  	s21 =	rddreg [dreg:$0xc];
	[sflag:s6] =	ssyncadd.s32 $0xFFFFFFE0  }
0xa6: {  	[tilespmem:s9], [sflag:$0x3] =	stream.linear.gather [hbm4b:s21+s3], $0x4000, $0x38;
	[tilespmem:$0xC180] =	vst v63  }
0xa7: {  	_ =	swait.ge [sflag:s10], $0x4000  }
0xa8: {  	[sflag:s10] =	ssyncset.done $0x0  }
0xa9: {  	[sflag:s10] =	ssyncadd.s32 $0xFFFFC000  }
0xaa: {  	v3 =	vld [tilespmem:$0x0];
	_ =	sdelay $0x4  }
0xab: {  	v54 =	vshll.u32 v3, $0x2  }
0xac: {  	v3 =	vand.u32 $0x7, v3;
	v4 =	vand.u32 $0xFFFFFFE0, v54  }
0xad: {  	v3 =	vor.u32 v3, v4  }
0xae: {  	v4 =	vperm.xlane v3, v0;
	_ =	sdelay $0x1  }
0xaf: {  	v4 =	vadd.s32 v1, v4;
	_ =	sdelay $0x1  }
0xb0: {  	v3 =	vperm.xlane v3, v2;
	_ =	sdelay $0x1  }
0xb1: {  	v3 =	vadd.s32 v1, v3  }
0xb2: {  	[hbm4b:s2+s3] =	stream.indirect_vreg.scatter [tilespmem:s17], [sflag:$0x2], $0x80, v4, vm0, $0xb8;
	[tilespmem:$0xC180] =	vst v63  }
0xb3: {  	s21 =	simm.s32 $0x880  }
0xb4: {  	[hbm4b:s4+s3] =	stream.indirect_vreg.scatter [tilespmem:s21], [sflag:$0x2], $0x80, v4, vm0, $0xb8;
	[tilespmem:$0xC180] =	vst v63  }
0xb5: {  	s21 =	simm.s32 $0x1080  }
0xb6: {  	[hbm4b:s2+s3] =	stream.indirect_vreg.scatter [tilespmem:s21], [sflag:$0x2], $0x80, v3, vm0, $0xb8;
	[tilespmem:$0xC180] =	vst v63  }
0xb7: {  	s21 =	simm.s32 $0x1880  }
0xb8: {  	[hbm4b:s4+s3] =	stream.indirect_vreg.scatter [tilespmem:s21], [sflag:$0x2], $0x80, v3, vm0, $0xb8;
	[tilespmem:$0xC180] =	vst v63  }
0xb9: {  	v3 =	vld [tilespmem:$0x10];
	_ =	sdelay $0x4  }
0xba: {  	v55 =	vshll.u32 v3, $0x2  }
0xbb: {  	v3 =	vand.u32 $0x7, v3;
	v4 =	vand.u32 $0xFFFFFFE0, v55  }
0xbc: {  	v3 =	vor.u32 v3, v4  }
0xbd: {  	v4 =	vperm.xlane v3, v0;
	_ =	sdelay $0x1  }
0xbe: {  	v4 =	vadd.s32 v1, v4;
	_ =	sdelay $0x1  }
0xbf: {  	v3 =	vperm.xlane v3, v2;
	_ =	sdelay $0x1  }
0xc0: {  	s0 =	simm.s32 $0x2080;
	v3 =	vadd.s32 v1, v3  }
0xc1: {  	[hbm4b:s2+s3] =	stream.indirect_vreg.scatter [tilespmem:s0], [sflag:$0x2], $0x80, v4, vm0, $0xb8;
	[tilespmem:$0xC180] =	vst v63  }
0xc2: {  	s0 =	simm.s32 $0x2880  }
0xc3: {  	[hbm4b:s4+s3] =	stream.indirect_vreg.scatter [tilespmem:s0], [sflag:$0x2], $0x80, v4, vm0, $0xb8;
	[tilespmem:$0xC180] =	vst v63  }
0xc4: {  	s0 =	simm.s32 $0x3080  }
0xc5: {  	[hbm4b:s2+s3] =	stream.indirect_vreg.scatter [tilespmem:s0], [sflag:$0x2], $0x80, v3, vm0, $0xb8;
	[tilespmem:$0xC180] =	vst v63  }
0xc6: {  	s0 =	simm.s32 $0x3880  }
0xc7: {  	[hbm4b:s4+s3] =	stream.indirect_vreg.scatter [tilespmem:s0], [sflag:$0x2], $0x80, v3, vm0, $0xb8;
	[tilespmem:$0xC180] =	vst v63  }
0xc8: {  	_ =	swait.ge [sflag:s31], $0x4000  }
0xc9: {  	[sflag:s31] =	ssyncset.done $0x0  }
0xca: {  	s0 =	rddreg [dreg:$0xd];
	[sflag:s31] =	ssyncadd.s32 $0xFFFFC000  }
0xcb: {  	[tilespmem:s1], [sflag:$0x7] =	stream.linear.gather [hbm4b:s0+s3], $0x20, $0x38;
	[tilespmem:$0xC180] =	vst v63  }
0xcc: {  	_ =	swait.ge [sflag:s6], $0x20  }
0xcd: {  	[sflag:s6] =	ssyncset.done $0x0  }
0xce: {  	s1 =	rddreg [dreg:$0xe];
	[sflag:s6] =	ssyncadd.s32 $0xFFFFFFE0  }
0xcf: {  	[tilespmem:s7], [sflag:$0x5] =	stream.linear.gather [hbm4b:s1+s3], $0x4000, $0x38;
	[tilespmem:$0xC180] =	vst v63  }
0xd0: {  	_ =	swait.ge [sflag:s20], $0x4000  }
0xd1: {  	[sflag:s20] =	ssyncset.done $0x0  }
0xd2: {  	[sflag:s20] =	ssyncadd.s32 $0xFFFFC000  }
0xd3: {  	v3 =	vld [tilespmem:$0x4080];
	_ =	sdelay $0x4  }
0xd4: {  	v56 =	vshll.u32 v3, $0x2  }
0xd5: {  	v3 =	vand.u32 $0x7, v3;
	v4 =	vand.u32 $0xFFFFFFE0, v56  }
0xd6: {  	v3 =	vor.u32 v3, v4  }
0xd7: {  	v4 =	vperm.xlane v3, v0;
	_ =	sdelay $0x1  }
0xd8: {  	v4 =	vadd.s32 v1, v4;
	_ =	sdelay $0x1  }
0xd9: {  	v3 =	vperm.xlane v3, v2;
	_ =	sdelay $0x1  }
0xda: {  	v3 =	vadd.s32 v1, v3  }
0xdb: {  	[hbm4b:s2+s3] =	stream.indirect_vreg.scatter [tilespmem:s9], [sflag:$0x4], $0x80, v4, vm0, $0xb8;
	[tilespmem:$0xC180] =	vst v63  }
0xdc: {  	_ = 	snop  }
0xdd: {  	[hbm4b:s4+s3] =	stream.indirect_vreg.scatter [tilespmem:s22], [sflag:$0x4], $0x80, v4, vm0, $0xb8;
	[tilespmem:$0xC180] =	vst v63  }
0xde: {  	_ = 	snop  }
0xdf: {  	[hbm4b:s2+s3] =	stream.indirect_vreg.scatter [tilespmem:s23], [sflag:$0x4], $0x80, v3, vm0, $0xb8;
	[tilespmem:$0xC180] =	vst v63  }
0xe0: {  	_ = 	snop  }
0xe1: {  	[hbm4b:s4+s3] =	stream.indirect_vreg.scatter [tilespmem:s24], [sflag:$0x4], $0x80, v3, vm0, $0xb8;
	[tilespmem:$0xC180] =	vst v63  }
0xe2: {  	v3 =	vld [tilespmem:$0x4090];
	_ =	sdelay $0x4  }
0xe3: {  	v57 =	vshll.u32 v3, $0x2  }
0xe4: {  	v3 =	vand.u32 $0x7, v3;
	v4 =	vand.u32 $0xFFFFFFE0, v57  }
0xe5: {  	v3 =	vor.u32 v3, v4  }
0xe6: {  	v4 =	vperm.xlane v3, v0;
	_ =	sdelay $0x1  }
0xe7: {  	v4 =	vadd.s32 v1, v4;
	_ =	sdelay $0x1  }
0xe8: {  	v3 =	vperm.xlane v3, v2;
	_ =	sdelay $0x1  }
0xe9: {  	v3 =	vadd.s32 v1, v3  }
0xea: {  	[hbm4b:s2+s3] =	stream.indirect_vreg.scatter [tilespmem:s25], [sflag:$0x4], $0x80, v4, vm0, $0xb8;
	[tilespmem:$0xC180] =	vst v63  }
0xeb: {  	_ = 	snop  }
0xec: {  	[hbm4b:s4+s3] =	stream.indirect_vreg.scatter [tilespmem:s26], [sflag:$0x4], $0x80, v4, vm0, $0xb8;
	[tilespmem:$0xC180] =	vst v63  }
0xed: {  	_ = 	snop  }
0xee: {  	[hbm4b:s2+s3] =	stream.indirect_vreg.scatter [tilespmem:s28], [sflag:$0x4], $0x80, v3, vm0, $0xb8;
	[tilespmem:$0xC180] =	vst v63  }
0xef: {  	_ = 	snop  }
0xf0: {  	[hbm4b:s4+s3] =	stream.indirect_vreg.scatter [tilespmem:s19], [sflag:$0x4], $0x80, v3, vm0, $0xb8;
	[tilespmem:$0xC180] =	vst v63  }
0xf1: {  	_ =	swait.ge [sflag:s29], $0x4000  }
0xf2: {  	[sflag:s29] =	ssyncset.done $0x0  }
0xf3: {  	s1 =	rddreg [dreg:$0xf];
	[sflag:s29] =	ssyncadd.s32 $0xFFFFC000  }
0xf4: {  	[tilespmem:s3], [sflag:$0x7] =	stream.linear.gather [hbm4b:s1+s3], $0x20, $0x38;
	[tilespmem:$0xC180] =	vst v63  }
0xf5: {  	_ =	swait.ge [sflag:s6], $0x20  }
0xf6: {  	[sflag:s6] =	ssyncset.done $0x0  }
0xf7: {  	s1 =	rddreg [dreg:$0x10];
	[sflag:s6] =	ssyncadd.s32 $0xFFFFFFE0  }
0xf8: {  	[tilespmem:s17], [sflag:$0x1] =	stream.linear.gather [hbm4b:s1+s3], $0x4000, $0x38;
	[tilespmem:$0xC180] =	vst v63  }
0xf9: {  	_ =	swait.ge [sflag:s30], $0x4000  }
0xfa: {  	[sflag:s30] =	ssyncset.done $0x0  }
0xfb: {  	[sflag:s30] =	ssyncadd.s32 $0xFFFFC000  }
0xfc: {  	v3 =	vld [tilespmem:$0x8100];
	_ =	sdelay $0x4  }
0xfd: {  	v58 =	vshll.u32 v3, $0x2  }
0xfe: {  	v3 =	vand.u32 $0x7, v3;
	v4 =	vand.u32 $0xFFFFFFE0, v58  }
0xff: {  	v3 =	vor.u32 v3, v4  }
0x100: {  	v4 =	vperm.xlane v3, v0;
	_ =	sdelay $0x1  }
0x101: {  	v4 =	vadd.s32 v1, v4;
	_ =	sdelay $0x1  }
0x102: {  	v3 =	vperm.xlane v3, v2;
	_ =	sdelay $0x1  }
0x103: {  	v3 =	vadd.s32 v1, v3  }
0x104: {  	[hbm4b:s2+s3] =	stream.indirect_vreg.scatter [tilespmem:s7], [sflag:$0x6], $0x80, v4, vm0, $0xb8;
	[tilespmem:$0xC180] =	vst v63  }
0x105: {  	_ = 	snop  }
0x106: {  	[hbm4b:s4+s3] =	stream.indirect_vreg.scatter [tilespmem:s8], [sflag:$0x6], $0x80, v4, vm0, $0xb8;
	[tilespmem:$0xC180] =	vst v63  }
0x107: {  	_ = 	snop  }
0x108: {  	[hbm4b:s2+s3] =	stream.indirect_vreg.scatter [tilespmem:s11], [sflag:$0x6], $0x80, v3, vm0, $0xb8;
	[tilespmem:$0xC180] =	vst v63  }
0x109: {  	_ = 	snop  }
0x10a: {  	[hbm4b:s4+s3] =	stream.indirect_vreg.scatter [tilespmem:s12], [sflag:$0x6], $0x80, v3, vm0, $0xb8;
	[tilespmem:$0xC180] =	vst v63  }
0x10b: {  	v3 =	vld [tilespmem:$0x8110];
	_ =	sdelay $0x4  }
0x10c: {  	v59 =	vshll.u32 v3, $0x2  }
0x10d: {  	v3 =	vand.u32 $0x7, v3;
	v4 =	vand.u32 $0xFFFFFFE0, v59  }
0x10e: {  	v3 =	vor.u32 v3, v4  }
0x10f: {  	v4 =	vperm.xlane v3, v0;
	_ =	sdelay $0x1  }
0x110: {  	v4 =	vadd.s32 v1, v4;
	_ =	sdelay $0x1  }
0x111: {  	v3 =	vperm.xlane v3, v2;
	_ =	sdelay $0x1  }
0x112: {  	v3 =	vadd.s32 v1, v3  }
0x113: {  	[hbm4b:s2+s3] =	stream.indirect_vreg.scatter [tilespmem:s13], [sflag:$0x6], $0x80, v4, vm0, $0xb8;
	[tilespmem:$0xC180] =	vst v63  }
0x114: {  	_ = 	snop  }
0x115: {  	[hbm4b:s4+s3] =	stream.indirect_vreg.scatter [tilespmem:s14], [sflag:$0x6], $0x80, v4, vm0, $0xb8;
	[tilespmem:$0xC180] =	vst v63  }
0x116: {  	_ = 	snop  }
0x117: {  	[hbm4b:s2+s3] =	stream.indirect_vreg.scatter [tilespmem:s15], [sflag:$0x6], $0x80, v3, vm0, $0xb8;
	[tilespmem:$0xC180] =	vst v63  }
0x118: {  	_ = 	snop  }
0x119: {  	[hbm4b:s4+s3] =	stream.indirect_vreg.scatter [tilespmem:s16], [sflag:$0x6], $0x80, v3, vm0, $0xb8;
	[tilespmem:$0xC180] =	vst v63  }
0x11a: {  	_ =	swait.ge [sflag:s18], $0x4000  }
0x11b: {  	[sflag:s18] =	ssyncset.done $0x0  }
0x11c: {  	s1 =	simm.s32 $0x4080;
	s0 =	rddreg [dreg:$0x11];
	[sflag:s18] =	ssyncadd.s32 $0xFFFFC000  }
0x11d: {  	[tilespmem:s1], [sflag:$0x7] =	stream.linear.gather [hbm4b:s0+s3], $0x20, $0x38;
	[tilespmem:$0xC180] =	vst v63  }
0x11e: {  	_ =	swait.ge [sflag:s6], $0x20  }
0x11f: {  	[sflag:s6] =	ssyncset.done $0x0  }
0x120: {  	s1 =	rddreg [dreg:$0x12];
	[sflag:s6] =	ssyncadd.s32 $0xFFFFFFE0  }
0x121: {  	[tilespmem:s9], [sflag:$0x3] =	stream.linear.gather [hbm4b:s1+s3], $0x4000, $0x38;
	[tilespmem:$0xC180] =	vst v63  }
0x122: {  	_ =	swait.ge [sflag:s10], $0x4000  }
0x123: {  	[sflag:s10] =	ssyncset.done $0x0  }
0x124: {  	[sflag:s10] =	ssyncadd.s32 $0xFFFFC000  }
0x125: {  	v3 =	vld [tilespmem:$0x0];
	_ =	sdelay $0x4  }
0x126: {  	v60 =	vshll.u32 v3, $0x2  }
0x127: {  	v3 =	vand.u32 $0x7, v3;
	v4 =	vand.u32 $0xFFFFFFE0, v60  }
0x128: {  	v3 =	vor.u32 v3, v4  }
0x129: {  	v4 =	vperm.xlane v3, v0;
	_ =	sdelay $0x1  }
0x12a: {  	v4 =	vadd.s32 v1, v4;
	_ =	sdelay $0x1  }
0x12b: {  	v3 =	vperm.xlane v3, v2;
	_ =	sdelay $0x1  }
0x12c: {  	v3 =	vadd.s32 v1, v3  }
0x12d: {  	[hbm4b:s2+s3] =	stream.indirect_vreg.scatter [tilespmem:s17], [sflag:$0x2], $0x80, v4, vm0, $0xb8;
	[tilespmem:$0xC180] =	vst v63  }
0x12e: {  	s1 =	simm.s32 $0x880  }
0x12f: {  	[hbm4b:s4+s3] =	stream.indirect_vreg.scatter [tilespmem:s1], [sflag:$0x2], $0x80, v4, vm0, $0xb8;
	[tilespmem:$0xC180] =	vst v63  }
0x130: {  	s1 =	simm.s32 $0x1080  }
0x131: {  	[hbm4b:s2+s3] =	stream.indirect_vreg.scatter [tilespmem:s1], [sflag:$0x2], $0x80, v3, vm0, $0xb8;
	[tilespmem:$0xC180] =	vst v63  }
0x132: {  	_ = 	snop  }
0x133: {  	[hbm4b:s4+s3] =	stream.indirect_vreg.scatter [tilespmem:s21], [sflag:$0x2], $0x80, v3, vm0, $0xb8;
	[tilespmem:$0xC180] =	vst v63  }
0x134: {  	v3 =	vld [tilespmem:$0x10];
	_ =	sdelay $0x4  }
0x135: {  	v61 =	vshll.u32 v3, $0x2  }
0x136: {  	v3 =	vand.u32 $0x7, v3;
	v4 =	vand.u32 $0xFFFFFFE0, v61  }
0x137: {  	v3 =	vor.u32 v3, v4  }
0x138: {  	v4 =	vperm.xlane v3, v0;
	_ =	sdelay $0x1  }
0x139: {  	v4 =	vadd.s32 v1, v4;
	_ =	sdelay $0x1  }
0x13a: {  	v3 =	vperm.xlane v3, v2;
	_ =	sdelay $0x1  }
0x13b: {  	s1 =	simm.s32 $0x2080;
	v3 =	vadd.s32 v1, v3  }
0x13c: {  	[hbm4b:s2+s3] =	stream.indirect_vreg.scatter [tilespmem:s1], [sflag:$0x2], $0x80, v4, vm0, $0xb8;
	[tilespmem:$0xC180] =	vst v63  }
0x13d: {  	s21 =	simm.s32 $0x2880  }
0x13e: {  	[hbm4b:s4+s3] =	stream.indirect_vreg.scatter [tilespmem:s21], [sflag:$0x2], $0x80, v4, vm0, $0xb8;
	[tilespmem:$0xC180] =	vst v63  }
0x13f: {  	s1 =	simm.s32 $0x3080  }
0x140: {  	[hbm4b:s2+s3] =	stream.indirect_vreg.scatter [tilespmem:s1], [sflag:$0x2], $0x80, v3, vm0, $0xb8;
	[tilespmem:$0xC180] =	vst v63  }
0x141: {  	s21 =	simm.s32 $0x3880  }
0x142: {  	[hbm4b:s4+s3] =	stream.indirect_vreg.scatter [tilespmem:s21], [sflag:$0x2], $0x80, v3, vm0, $0xb8;
	[tilespmem:$0xC180] =	vst v63  }
0x143: {  	_ =	swait.ge [sflag:s20], $0x4000  }
0x144: {  	[sflag:s20] =	ssyncset.done $0x0  }
0x145: {  	[sflag:s20] =	ssyncadd.s32 $0xFFFFC000  }
0x146: {  	v3 =	vld [tilespmem:$0x4080];
	_ =	sdelay $0x4  }
0x147: {  	v62 =	vshll.u32 v3, $0x2  }
0x148: {  	v3 =	vand.u32 $0x7, v3;
	v4 =	vand.u32 $0xFFFFFFE0, v62  }
0x149: {  	v3 =	vor.u32 v3, v4  }
0x14a: {  	v4 =	vperm.xlane v3, v0;
	_ =	sdelay $0x1  }
0x14b: {  	v4 =	vadd.s32 v1, v4;
	_ =	sdelay $0x1  }
0x14c: {  	v3 =	vperm.xlane v3, v2;
	_ =	sdelay $0x1  }
0x14d: {  	v3 =	vadd.s32 v1, v3  }
0x14e: {  	[hbm4b:s2+s3] =	stream.indirect_vreg.scatter [tilespmem:s9], [sflag:$0x4], $0x80, v4, vm0, $0xb8;
	[tilespmem:$0xC180] =	vst v63  }
0x14f: {  	_ = 	snop  }
0x150: {  	[hbm4b:s4+s3] =	stream.indirect_vreg.scatter [tilespmem:s22], [sflag:$0x4], $0x80, v4, vm0, $0xb8;
	[tilespmem:$0xC180] =	vst v63  }
0x151: {  	_ = 	snop  }
0x152: {  	[hbm4b:s2+s3] =	stream.indirect_vreg.scatter [tilespmem:s23], [sflag:$0x4], $0x80, v3, vm0, $0xb8;
	[tilespmem:$0xC180] =	vst v63  }
0x153: {  	_ = 	snop  }
0x154: {  	[hbm4b:s4+s3] =	stream.indirect_vreg.scatter [tilespmem:s24], [sflag:$0x4], $0x80, v3, vm0, $0xb8;
	[tilespmem:$0xC180] =	vst v63  }
0x155: {  	v3 =	vld [tilespmem:$0x4090];
	_ =	sdelay $0x4  }
0x156: {  	v63 =	vshll.u32 v3, $0x2  }
0x157: {  	v3 =	vand.u32 $0x7, v3;
	v4 =	vand.u32 $0xFFFFFFE0, v63  }
0x158: {  	v3 =	vor.u32 v3, v4  }
0x159: {  	v4 =	vperm.xlane v3, v0;
	_ =	sdelay $0x1  }
0x15a: {  	v4 =	vadd.s32 v1, v4;
	_ =	sdelay $0x1  }
0x15b: {  	v3 =	vperm.xlane v3, v2;
	_ =	sdelay $0x1  }
0x15c: {  	v3 =	vadd.s32 v1, v3  }
0x15d: {  	[hbm4b:s2+s3] =	stream.indirect_vreg.scatter [tilespmem:s25], [sflag:$0x4], $0x80, v4, vm0, $0xb8;
	[tilespmem:$0xC180] =	vst v63  }
0x15e: {  	_ = 	snop  }
0x15f: {  	[hbm4b:s4+s3] =	stream.indirect_vreg.scatter [tilespmem:s26], [sflag:$0x4], $0x80, v4, vm0, $0xb8;
	[tilespmem:$0xC180] =	vst v63  }
0x160: {  	_ = 	snop  }
0x161: {  	[hbm4b:s2+s3] =	stream.indirect_vreg.scatter [tilespmem:s28], [sflag:$0x4], $0x80, v3, vm0, $0xb8;
	[tilespmem:$0xC180] =	vst v63  }
0x162: {  	_ = 	snop  }
0x163: {  	[hbm4b:s4+s3] =	stream.indirect_vreg.scatter [tilespmem:s19], [sflag:$0x4], $0x80, v3, vm0, $0xb8;
	[tilespmem:$0xC180] =	vst v63  }
0x164: {  	_ =	swait.ge [sflag:s29], $0x4000  }
0x165: {  	[sflag:s29] =	ssyncset.done $0x0  }
0x166: {  	[sflag:s29] =	ssyncadd.s32 $0xFFFFC000  }
0x167: {  	p0 =	sne.s32 s5, $0x1;
	_ =	swait.ge [sflag:s18], $0x4000  }
.Ltmp0:
0x168: {  	[sflag:s18] =	ssyncset.done $0x0;
	(pc) =	sbr.rel @p0 .LBB2_1-.Ltmp0, $4  }
0x169: {  	[sflag:s18] =	ssyncadd.s32 $0xFFFFC000  }
0x16a: {  	_ =	swait.ge [sflag:s31], $0x4000  }
0x16b: {  	[sflag:s31] =	ssyncset.done $0x0  }
0x16c: {  	s5 =	sadd.s32 $0xFFFFFFFF, s5;
	[sflag:s31] =	ssyncadd.s32 $0xFFFFC000  }
0x16d: {  	_ =	sfence.sel $0x180000  }
0x16e: {  	[bflag:$0x0] =	sbarrier.arrive $0xFFFF  }
0x16f: {  	_ =	strace $0x90000047  }
0x170: {  	s0 =	stileid.u32;
	[bflag:$0x2] =	sbarrier.arrive $0xFFFF  }
0x171: {  	p0 =	sne.s32 s0, $0x0;
	s0 =	rddreg [dreg:$0x2]  }
0x172: {  	s0 =	sadd.s32 @!p0 $0x100000, s0  }
0x173: {  	[sflag:s0] =	ssyncadd.tile.s32 @!p0 $0x1;
	_ =	shalt  }
.Lfunc_end2:
_tile_overlayer_lowered:
.L_overlay_start_2:
0x174: {  	(tag) =	ssettag $0x2  }
0x175: {  	s0 =	rddreg [dreg:$0x0];
	s2 =	stileid.u32  }
0x176: {  	s1 =	rddreg [dreg:$0x1];
	p0 =	sne.s32 s2, $0x0  }
0x177: {  	s3 =	rddreg [dreg:$0x2];
	[bflag:$0x3] =	sbarrier.arrive $0xFFFF;
	s2 =	simm.s32 @!p0 $0x1C07  }
0x178: {  	[timem:s3], [sflag:s2] =	dma.local @!p0 [hbm:s0], s1  }
0x179: {  	s0 =	simm.s32 @!p0 $0x7  }
0x17a: {  	_ =	swait.ge @!p0 [sflag:s0], s1  }
0x17b: {  	s1 =	ssub.s32 @!p0 $0x0, s1;
	[sflag:s0] =	ssyncset.done @!p0 $0x0  }
0x17c: {  	[sflag:s0] =	ssyncadd.s32 @!p0 s1  }
0x17d: {  	[bflag:$0x3] =	sbarrier.arrive $0xFFFF  }
0x17e: {  	_ =	shalt  }

// kernel: kernel.9.cloned.1.call-start
scs
__scs_entry_jumppad:
0x0: {  	(pc) =	sbr.rel $0x88, $3  }
0x1: {  	(tag) =	ssettag $0x0;
	lr =	simm.s32 $0x1  }
0x2: {  	[smem:$0x3F98] =	sst lr;
	_ =	strace $0xD0000000  }
0x3: {  	_ = 	snop  }
0x4: {  	_ = 	snop  }
0x5: {  	_ = 	snop  }
0x6: {  	_ = 	snop  }
0x7: {  	_ = 	snop  }
__scs_overlays_trampoline_lowered:
0x8: {  	[smem:$0x3FA7] =	sst s0  }
0x9: {  	[smem:$0x3FA8] =	sst s1  }
0xa: {  	[smem:$0x3FA9] =	sst s2  }
0xb: {  	[smem:$0x3FAA] =	sst s3  }
0xc: {  	[smem:$0x3FAB] =	sst s4  }
0xd: {  	[smem:$0x3FAC] =	sst s5  }
0xe: {  	[smem:$0x3FAD] =	sst s6  }
0xf: {  	[smem:$0x3FAE] =	sst s7  }
0x10: {  	[smem:$0x3FAF] =	sst s8  }
0x11: {  	[smem:$0x3FB0] =	sst s9;
	s0 =	simm.s32 @!p0 $0x0  }
0x12: {  	s1 =	sld [smem:$0x3F96];
	s0 =	simm.s32 @p0 $0x1  }
0x13: {  	[smem:$0x3FB1] =	sst s0;
	s0 =	simm.s32 @!p1 $0x0  }
0x14: {  	s2 =	sld [smem:$0x3F95];
	s0 =	simm.s32 @p1 $0x1  }
0x15: {  	[smem:$0x3FB2] =	sst s0;
	s0 =	simm.s32 @!p2 $0x0  }
0x16: {  	s3 =	sld [smem:$0x3FDB];
	s0 =	simm.s32 @p2 $0x1  }
0x17: {  	s4 =	simm.s32 $0x1BF5;
	[smem:$0x3FB4] =	sst s0  }
0x18: {  	s0 =	sld [smem:$0x3F97];
	_ =	swait.ge [sflag:s4], $0x0  }
0x19: {  	s7 =	sld [smem:$0x3F98]  }
0x1a: {  	s8 =	sadd.s32 $0xFFFFE003, lr  }
0x1b: {  	s9 =	sadd.s32 $0xFFFFFEF7, lr;
	s5 =	simm.s32 $0xFFFFFFFF;
	p2 =	slt.u32 s8, $0xFFFFF086  }
0x1c: {  	p1 =	slt.u32 s9, $0xF7A;
	s5 =	simm.s32 @!p2 $0x0  }
0x1d: {  	s5 =	simm.s32 @p1 $0x1;
	p0 =	seq.s32 s7, s2  }
0x1e: {  	s7 =	smul.u32 @!p0 $0xF7A, s2;
	p2 =	seq.s32 @!p0 s5, $0x0  }
0x1f: {  	s9 =	smul.u32 $0xF7A, s1;
	s8 =	simm.s32 @!p0 $0x1BF5;
	p2 =	por !p2, p0  }
0x20: {  	[sflag:s8] =	ssyncset.s32 @!p0 $0xFFFFF086;
	s6 =	sadd.s32 @!p0 s3, s7;
	s7 =	simm.s32 @!p0 $0x108  }
0x21: {  	s3 =	sadd.s32 s3, s9;
	s6 =	sadd.s32 @!p0 $0x88, s6;
	s7 =	simm.s32 @p2 $0x1082  }
0x22: {  	[simem:s7], [sflag:s8] =	dma.local @!p0 [hbm:s6], $0xF7A  }
0x23: {  	s9 =	sor.u32 $0xD0000000, s2;
	s6 =	simm.s32 $0x108;
	_ =	swait.ge @!p0 [sflag:s8], $0x0  }
0x24: {  	s3 =	sadd.s32 $0x88, s3;
	s6 =	simm.s32 @!p1 $0x1082;
	[sflag:s4] =	ssyncset.s32 $0xFFFFF086  }
0x25: {  	[simem:s6], [sflag:s4] =	dma.local [hbm:s3], $0xF7A  }
0x26: {  	[smem:$0x3F98] =	sst s1;
	(tag) =	ssettag s2;
	_ =	strace s9  }
0x27: {  	s1 =	sld [smem:$0x3FA8]  }
0x28: {  	s2 =	sld [smem:$0x3FA9]  }
0x29: {  	s4 =	sld [smem:$0x3FAB]  }
0x2a: {  	p0 =	seq.s32 s5, $0x0;
	s5 =	sld [smem:$0x3FAC]  }
0x2b: {  	s6 =	sld [smem:$0x3FAD]  }
0x2c: {  	s7 =	sld [smem:$0x3FAE]  }
0x2d: {  	s3 =	simm.s32 $0x108;
	s8 =	sld [smem:$0x3FAF]  }
0x2e: {  	s3 =	simm.s32 @!p0 $0x1082;
	s9 =	sld [smem:$0x3FB0]  }
0x2f: {  	lr =	sadd.s32 s0, s3;
	s0 =	sld [smem:$0x3FA7]  }
0x30: {  	s3 =	sld [smem:$0x3FAA]  }
0x31: {  	[smem:$0x3FB3] =	sst s10  }
0x32: {  	s10 =	sld [smem:$0x3FB1];
	_ =	sdelay $0x3  }
0x33: {  	p0 =	seq.s32 s10, $0x1;
	s10 =	sld [smem:$0x3FB3];
	_ =	sdelay $0x3  }
0x34: {  	[smem:$0x3FB3] =	sst s10  }
0x35: {  	s10 =	sld [smem:$0x3FB2];
	_ =	sdelay $0x3  }
0x36: {  	p1 =	seq.s32 s10, $0x1;
	s10 =	sld [smem:$0x3FB3];
	_ =	sdelay $0x3  }
0x37: {  	[smem:$0x3FB3] =	sst s10  }
0x38: {  	s10 =	sld [smem:$0x3FB4]  }
0x39: {  	_ = 	snop;
	(pc) =	sbr.ind lr, $3  }
0x3a: {  	_ = 	snop  }
0x3b: {  	_ = 	snop  }
0x3c: {  	p2 =	seq.s32 s10, $0x1;
	s10 =	sld [smem:$0x3FB3]  }
0x3d: {  	_ =	shalt  }
0x3e: {  	_ =	shalt  }
0x3f: {  	_ =	shalt  }
0x40: {  	_ =	shalt  }
0x41: {  	_ =	shalt  }
0x42: {  	_ =	shalt  }
0x43: {  	_ =	shalt  }
0x44: {  	_ =	shalt  }
0x45: {  	_ =	shalt  }
0x46: {  	_ =	shalt  }
0x47: {  	_ =	shalt  }
0x48: {  	_ =	shalt  }
0x49: {  	_ =	shalt  }
0x4a: {  	_ =	shalt  }
0x4b: {  	_ =	shalt  }
0x4c: {  	_ =	shalt  }
0x4d: {  	_ =	shalt  }
0x4e: {  	_ =	shalt  }
0x4f: {  	_ =	shalt  }
0x50: {  	_ =	shalt  }
0x51: {  	_ =	shalt  }
0x52: {  	_ =	shalt  }
0x53: {  	_ =	shalt  }
0x54: {  	_ =	shalt  }
0x55: {  	_ =	shalt  }
0x56: {  	_ =	shalt  }
0x57: {  	_ =	shalt  }
0x58: {  	_ =	shalt  }
0x59: {  	_ =	shalt  }
0x5a: {  	_ =	shalt  }
0x5b: {  	_ =	shalt  }
0x5c: {  	_ =	shalt  }
0x5d: {  	_ =	shalt  }
0x5e: {  	_ =	shalt  }
0x5f: {  	_ =	shalt  }
0x60: {  	_ =	shalt  }
0x61: {  	_ =	shalt  }
0x62: {  	_ =	shalt  }
0x63: {  	_ =	shalt  }
0x64: {  	_ =	shalt  }
0x65: {  	_ =	shalt  }
0x66: {  	_ =	shalt  }
0x67: {  	_ =	shalt  }
0x68: {  	_ =	shalt  }
0x69: {  	_ =	shalt  }
0x6a: {  	_ =	shalt  }
0x6b: {  	_ =	shalt  }
0x6c: {  	_ =	shalt  }
0x6d: {  	_ =	shalt  }
0x6e: {  	_ =	shalt  }
0x6f: {  	_ =	shalt  }
0x70: {  	_ =	shalt  }
0x71: {  	_ =	shalt  }
0x72: {  	_ =	shalt  }
0x73: {  	_ =	shalt  }
0x74: {  	_ =	shalt  }
0x75: {  	_ =	shalt  }
0x76: {  	_ =	shalt  }
0x77: {  	_ =	shalt  }
0x78: {  	_ =	shalt  }
0x79: {  	_ =	shalt  }
0x7a: {  	_ =	shalt  }
0x7b: {  	_ =	shalt  }
0x7c: {  	_ =	shalt  }
0x7d: {  	_ =	shalt  }
0x7e: {  	_ =	shalt  }
0x7f: {  	_ =	shalt  }
0x80: {  	_ =	shalt  }
0x81: {  	_ =	shalt  }
0x82: {  	_ =	shalt  }
0x83: {  	_ =	shalt  }
0x84: {  	_ =	shalt  }
0x85: {  	_ =	shalt  }
0x86: {  	_ =	shalt  }
0x87: {  	_ =	shalt  }
.Lfunc_end0:
.L_simem_size_0:
called_computation.1_lowered:
.L_overlay_start_0:
0x88: {  	s2 =	sld [smem:$0x3FD9]  }
0x89: {  	s3 =	sld [smem:$0x3FFE];
	_ =	sdelay $0x1  }
0x8a: {  	s1 =	srdreg.scid  }
0x8b: {  	s0 =	sand.u32 $0x1, s1  }
0x8c: {  	s17 =	sshll.u32 s0, $0xA;
	s2 =	sadd.s32 s3, s2  }
0x8d: {  	s2 =	sadd.s32 s2, s17  }
0x8e: {  	[smem:$0x3FBF] =	sst s2  }
0x8f: {  	_ = 	snop  }
0x90: {  	s2 =	sld [smem:$0x3FD0];
	(tm) =	ssettm $0x1  }
0x91: {  	s18 =	sld [smem:$0x3FFB];
	_ =	sdelay $0x3  }
0x92: {  	_ =	strace s18  }
0x93: {  	s3 =	sld [smem:$0x3FFC];
	_ =	sdelay $0x3  }
0x94: {  	_ =	strace s3  }
0x95: {  	s3 =	sld [smem:$0x3FFD];
	_ =	sdelay $0x3  }
0x96: {  	_ =	strace s3  }
0x97: {  	_ =	strace $0x8FFFFFFF  }
0x98: {  	s19 =	sld [smem:$0x3FDB];
	_ =	sdelay $0x1  }
0x99: {  	s4 =	simm.s32 $_scs_section_size  }
0x9a: {  	s5 =	simm.s32 $_size__tile_overlayer_lowered;
	s6 =	simm.s32 $_tile_overlayer_lowered  }
0x9b: {  	s22 =	simm.s32 $0x1BFF;
	s21 =	sshll.u32 s6, $0x1;
	s3 =	sadd.s32 s4, s19  }
0x9c: {  	s7 =	simm.s32 $0x0;
	s20 =	sshll.u32 s5, $0x1;
	s5 =	sadd.s32 s21, s3  }
0x9d: {  	[timem:s7], [sflag:s22] =	dma.local [hbm:s5], s20  }
0x9e: {  	_ =	swait.ge [sflag:s22], s20  }
0x9f: {  	s4 =	ssub.s32 $0x0, s20;
	[sflag:s22] =	ssyncset.done $0x0  }
0xa0: {  	[sflag:s22] =	ssyncadd.s32 s4;
	_ =	sdelay $0x1  }
0xa1: {  	s23 =	simm.s32 $0x1B8B  }
0xa2: {  	_ =	swait.ge [sflag:s23], $0x1  }
0xa3: {  	[sflag:s23] =	ssyncset.done $0x0  }
0xa4: {  	s25 =	simm.s32 $0x1B8E;
	s24 =	sld [smem:$0x3FFE];
	[sflag:s23] =	ssyncadd.s32 $0xFFFFFFFF  }
0xa5: {  	s26 =	simm.s32 $execute0_lowered;
	[smem:$0x3FD2] =	sst s25  }
0xa6: {  	s5 =	sshll.u32 s26, $0x1;
	_ =	strace $0x80000049;
	[dreg:$0x1] =	wrdreg $0xFFFFFFFF  }
0xa7: {  	s28 =	simm.s32 $_size_execute0_lowered;
	s3 =	sadd.s32 s3, s5;
	[dreg:$0x0] =	wrdreg $0x0  }
0xa8: {  	s5 =	sshll.u32 s28, $0x1;
	[dreg:$0x2] =	wrdreg s3  }
0xa9: {  	[dreg:$0x3] =	wrdreg s5  }
0xaa: {  	[dreg:$0x4] =	wrdreg $0xC0  }
0xab: {  	_ =	task [dreg:s7], $0x5FFFF  }
0xac: {  	[dreg:$0x1] =	wrdreg $0xFFFFFFFF  }
0xad: {  	[dreg:$0x0] =	wrdreg $0x60  }
0xae: {  	[dreg:$0x2] =	wrdreg s24  }
0xaf: {  	[dreg:$0x3] =	wrdreg s2  }
0xb0: {  	[dreg:$0x4] =	wrdreg $0x9  }
0xb1: {  	_ =	task.clear_ibuf [dreg:s7], $0x5FFFF;
	_ =	strace $0x90000049  }
0xb2: {  	s29 =	simm.s32 $0x9;
	_ =	strace $0x8000004B  }
0xb3: {  	_ =	swait.ge [sflag:s29], $0x1  }
0xb4: {  	[sflag:s29] =	ssyncadd.s32 $0xFFFFFFFF  }
0xb5: {  	_ =	strace $0x9000004B  }
0xb6: {  	_ =	sfence  }
0xb7: {  	s30 =	sld [smem:$0x0];
	_ =	sdelay $0x2  }
0xb8: {  	s31 =	sshll.u32 s1, $0xD;
	s1 =	sshrl.u32 s1, $0x2  }
0xb9: {  	s3 =	sand.u32 $0x4000, s31;
	s1 =	sadd.s32 s1, s30  }
0xba: {  	s0 =	sor.u32 s3, s0;
	s1 =	sshll.u32 s1, $0x11  }
0xbb: {  	s0 =	sor.u32 s1, s0  }
0xbc: {  	s0 =	sadd.s32 $0x8F2B, s0  }
0xbd: {  	[sflag:s0] =	ssyncadd.remote.s32 $0x1  }
0xbe: {  	_ =	sfence.sel $0xFFFF  }
0xbf: {  	[dreg:$0x0] =	wrdreg $0xFFFFFFFF;
	(pc) =	sbr.abs _section_cstart, $3  }
0xc0: {  	[dreg:$0x1] =	wrdreg $0xFFFFFFFF  }
0xc1: {  	_ =	task.clear_ibuf [dreg:s7], $0x2FFFF;
	_ =	strace $0x9FFFFFFF  }
0xc2: {  	(tm) =	ssettm $0x7FFFFFFF  }
0xc3: {  	_ =	shalt  }
tec
execute0_lowered:
.L_overlay_start_1:
0x0: {  	(tag) =	ssettag $0x1  }
0x1: {  	s0 =	rddreg [dreg:$0x0]  }
0x2: {  	s1 =	rddreg [dreg:$0x1]  }
0x3: {  	s3 =	srdreg.scid;
	s2 =	simm.s32 $0x0;
	s5 =	stileid.u32  }
0x4: {  	s31 =	simm.s32 $0x16980;
	s30 =	simm.s32 $0x17180;
	s4 =	sand.u32 $0x1, s3  }
0x5: {  	[smem:$0x7FF] =	sst s2;
	s5 =	sshll.u32 s5, $0x9;
	s3 =	sadd.s32 $0x89E00, s0  }
0x6: {  	s6 =	sshll.u32 s4, $0x8;
	_ =	strace $0x8000004A;
	s4 =	ssub.s32 $0x2, s4  }
0x7: {  	s5 =	sor.u32 s6, s5;
	s6 =	sadd.s32 $0x89A00, s0;
	s10 =	sshrl.u32 s4, $0x1  }
0x8: {  	s7 =	sshrl.u32 s5, $0x3;
	s8 =	sor.u32 $0x20, s5;
	s23 =	sshll.u32 s5, $0x7  }
0x9: {  	s25 =	sor.u32 $0x40, s5;
	s11 =	sor.u32 $0x60, s5;
	s13 =	sor.u32 $0x80, s5  }
0xa: {  	s14 =	ssub.s32 s4, s10;
	s17 =	sor.u32 $0xA0, s5;
	s7 =	sadd.s32 s6, s7  }
0xb: {  	s9 =	sshrl.u32 s8, $0x3;
	s24 =	sadd.s32 s1, s23;
	s26 =	sshrl.u32 s25, $0x3  }
0xc: {  	s8 =	sshll.u32 s8, $0x7;
	s29 =	sshrl.u32 s11, $0x3;
	s15 =	sshrl.u32 s13, $0x3  }
0xd: {  	s16 =	sshll.u32 s11, $0x7;
	s19 =	sshrl.u32 s17, $0x3;
	s21 =	sshll.u32 s13, $0x7  }
0xe: {  	s10 =	sshll.u32 s17, $0x7;
	s11 =	simm.s32 $0x11980;
	[dreg:$0x3] =	wrdreg s7  }
0xf: {  	s13 =	simm.s32 $0x12980;
	s22 =	sadd.s32 s6, s9;
	[dreg:$0x5] =	wrdreg s24  }
0x10: {  	s17 =	simm.s32 $0x14980;
	s7 =	sadd.s32 s6, s26;
	[dreg:$0x4] =	wrdreg s22  }
0x11: {  	s28 =	sadd.s32 s1, s8;
	s8 =	sadd.s32 s6, s29;
	[dreg:$0x6] =	wrdreg s7  }
0x12: {  	s9 =	sshll.u32 s25, $0x7;
	s4 =	sadd.s32 s6, s15;
	[dreg:$0x7] =	wrdreg s28  }
0x13: {  	s18 =	sadd.s32 s1, s16;
	s20 =	sadd.s32 s6, s19;
	[dreg:$0x8] =	wrdreg s8  }
0x14: {  	s24 =	sadd.s32 s1, s10;
	s19 =	simm.s32 $0x1;
	[dreg:$0xa] =	wrdreg s4  }
0x15: {  	s15 =	simm.s32 $0x13980;
	s16 =	simm.s32 $0x14180;
	[dreg:$0xb] =	wrdreg s18  }
0x16: {  	s12 =	sadd.s32 s1, s9;
	[dreg:$0xc] =	wrdreg s20;
	s7 =	sadd.s32 s1, s21  }
0x17: {  	s22 =	sor.u32 $0xC0, s5;
	s4 =	sadd.s32 $0x89F00, s0;
	s5 =	sor.u32 $0xE0, s5  }
0x18: {  	[dreg:$0xf] =	wrdreg s24;
	s8 =	simm.s32 $0x7;
	s21 =	simm.s32 $0x3  }
0x19: {  	s24 =	simm.s32 $0x4;
	s9 =	simm.s32 $0x8100;
	[dreg:$0x9] =	wrdreg s12  }
0x1a: {  	s18 =	simm.s32 $0x15180;
	s20 =	simm.s32 $0x15980;
	[dreg:$0xd] =	wrdreg s7  }
0x1b: {  	s23 =	sshrl.u32 s22, $0x3;
	s25 =	sshrl.u32 s5, $0x3;
	s26 =	sshll.u32 s22, $0x7  }
0x1c: {  	s29 =	sshll.u32 s5, $0x7;
	s5 =	sadd.s32 $0x8A000, s0;
	s22 =	simm.s32 $0x2  }
0x1d: {  	s12 =	simm.s32 $0x12180;
	s7 =	sadd.s32 s6, s23;
	s6 =	sadd.s32 s6, s25  }
0x1e: {  	s28 =	sadd.s32 s1, s26;
	s1 =	sadd.s32 s1, s29;
	[dreg:$0xe] =	wrdreg s7  }
0x1f: {  	v2 =	vlaneseq.u32;
	s26 =	simm.s32 $0x80;
	s23 =	simm.s32 $0x16180;
	[dreg:$0x10] =	wrdreg s6  }
0x20: {  	vm0 =	vmmov $0xffff;
	v1 =	vshrl.u32 v2, $0x3;
	s25 =	simm.s32 $0x17980;
	[dreg:$0x11] =	wrdreg s28;
	s6 =	sadd.s32 $0x8A100, s0  }
0x21: {  	v0 =	vand.u32 $0x7, v2;
	v2 =	vor.u32 $0x8, v2;
	v1 =	vmul.u32 $0x8, v1;
	[dreg:$0x12] =	wrdreg s1;
	s7 =	smax.u32 s14, $0x1;
	s14 =	simm.s32 $0x13180  }
.LBB2_1:
0x22: {  	s28 =	rddreg [dreg:$0x3]  }
0x23: {  	[tilespmem:s2], [sflag:$0x7] =	stream.linear.gather [hbm4b:s28+s2], $0x20, $0x38;
	[tilespmem:$0x18180] =	vst v63  }
0x24: {  	_ =	swait.ge [sflag:s8], $0x20  }
0x25: {  	[sflag:s8] =	ssyncset.done $0x0  }
0x26: {  	[sflag:s8] =	ssyncadd.s32 $0xFFFFFFE0  }
0x27: {  	v3 =	vld [tilespmem:$0x0];
	_ =	sdelay $0x4  }
0x28: {  	v4 =	vshll.u32 v3, $0x3  }
0x29: {  	v3 =	vand.u32 $0x7, v3;
	v4 =	vand.u32 $0xFFFFFFC0, v4  }
0x2a: {  	v3 =	vor.u32 v3, v4  }
0x2b: {  	v4 =	vperm.xlane v3, v0;
	_ =	sdelay $0x1  }
0x2c: {  	v4 =	vadd.s32 v1, v4;
	_ =	sdelay $0x4  }
0x2d: {  	[tilespmem:s26], [sflag:$0x1] =	stream.indirect_vreg.gather [hbm4b:s3+s2], $0x80, v4, vm0, $0xb8;
	[tilespmem:$0x18180] =	vst v63  }
0x2e: {  	s0 =	simm.s32 $0x880;
	v3 =	vperm.xlane v3, v2  }
0x2f: {  	[tilespmem:s0], [sflag:$0x1] =	stream.indirect_vreg.gather [hbm4b:s4+s2], $0x80, v4, vm0, $0xb8;
	[tilespmem:$0x18180] =	vst v63  }
0x30: {  	s1 =	simm.s32 $0x1080;
	v3 =	vadd.s32 v1, v3  }
0x31: {  	[tilespmem:s1], [sflag:$0x1] =	stream.indirect_vreg.gather [hbm4b:s5+s2], $0x80, v4, vm0, $0xb8;
	[tilespmem:$0x18180] =	vst v63  }
0x32: {  	s10 =	simm.s32 $0x1880  }
0x33: {  	[tilespmem:s10], [sflag:$0x1] =	stream.indirect_vreg.gather [hbm4b:s6+s2], $0x80, v4, vm0, $0xb8;
	[tilespmem:$0x18180] =	vst v63  }
0x34: {  	s28 =	simm.s32 $0x2080  }
0x35: {  	[tilespmem:s28], [sflag:$0x1] =	stream.indirect_vreg.gather [hbm4b:s3+s2], $0x80, v3, vm0, $0xb8;
	[tilespmem:$0x18180] =	vst v63  }
0x36: {  	s29 =	simm.s32 $0x2880  }
0x37: {  	[tilespmem:s29], [sflag:$0x1] =	stream.indirect_vreg.gather [hbm4b:s4+s2], $0x80, v3, vm0, $0xb8;
	[tilespmem:$0x18180] =	vst v63  }
0x38: {  	s1 =	simm.s32 $0x3080  }
0x39: {  	[tilespmem:s1], [sflag:$0x1] =	stream.indirect_vreg.gather [hbm4b:s5+s2], $0x80, v3, vm0, $0xb8;
	[tilespmem:$0x18180] =	vst v63  }
0x3a: {  	s10 =	simm.s32 $0x3880  }
0x3b: {  	[tilespmem:s10], [sflag:$0x1] =	stream.indirect_vreg.gather [hbm4b:s6+s2], $0x80, v3, vm0, $0xb8;
	[tilespmem:$0x18180] =	vst v63  }
0x3c: {  	v3 =	vld [tilespmem:$0x10];
	_ =	sdelay $0x4  }
0x3d: {  	v49 =	vshll.u32 v3, $0x3  }
0x3e: {  	v3 =	vand.u32 $0x7, v3;
	v4 =	vand.u32 $0xFFFFFFC0, v49  }
0x3f: {  	v3 =	vor.u32 v3, v4  }
0x40: {  	v4 =	vperm.xlane v3, v0;
	_ =	sdelay $0x1  }
0x41: {  	v4 =	vadd.s32 v1, v4;
	_ =	sdelay $0x3  }
0x42: {  	s28 =	simm.s32 $0x4080  }
0x43: {  	[tilespmem:s28], [sflag:$0x1] =	stream.indirect_vreg.gather [hbm4b:s3+s2], $0x80, v4, vm0, $0xb8;
	[tilespmem:$0x18180] =	vst v63  }
0x44: {  	s29 =	simm.s32 $0x4880;
	v3 =	vperm.xlane v3, v2  }
0x45: {  	[tilespmem:s29], [sflag:$0x1] =	stream.indirect_vreg.gather [hbm4b:s4+s2], $0x80, v4, vm0, $0xb8;
	[tilespmem:$0x18180] =	vst v63  }
0x46: {  	s1 =	simm.s32 $0x5080;
	v3 =	vadd.s32 v1, v3  }
0x47: {  	[tilespmem:s1], [sflag:$0x1] =	stream.indirect_vreg.gather [hbm4b:s5+s2], $0x80, v4, vm0, $0xb8;
	[tilespmem:$0x18180] =	vst v63  }
0x48: {  	s10 =	simm.s32 $0x5880  }
0x49: {  	[tilespmem:s10], [sflag:$0x1] =	stream.indirect_vreg.gather [hbm4b:s6+s2], $0x80, v4, vm0, $0xb8;
	[tilespmem:$0x18180] =	vst v63  }
0x4a: {  	s28 =	simm.s32 $0x6080  }
0x4b: {  	[tilespmem:s28], [sflag:$0x1] =	stream.indirect_vreg.gather [hbm4b:s3+s2], $0x80, v3, vm0, $0xb8;
	[tilespmem:$0x18180] =	vst v63  }
0x4c: {  	s29 =	simm.s32 $0x6880  }
0x4d: {  	[tilespmem:s29], [sflag:$0x1] =	stream.indirect_vreg.gather [hbm4b:s4+s2], $0x80, v3, vm0, $0xb8;
	[tilespmem:$0x18180] =	vst v63  }
0x4e: {  	s1 =	simm.s32 $0x7080  }
0x4f: {  	[tilespmem:s1], [sflag:$0x1] =	stream.indirect_vreg.gather [hbm4b:s5+s2], $0x80, v3, vm0, $0xb8;
	[tilespmem:$0x18180] =	vst v63  }
0x50: {  	s10 =	simm.s32 $0x7880  }
0x51: {  	[tilespmem:s10], [sflag:$0x1] =	stream.indirect_vreg.gather [hbm4b:s6+s2], $0x80, v3, vm0, $0xb8;
	[tilespmem:$0x18180] =	vst v63  }
0x52: {  	s28 =	rddreg [dreg:$0x4];
	s29 =	simm.s32 $0x8080  }
0x53: {  	[tilespmem:s29], [sflag:$0x7] =	stream.linear.gather [hbm4b:s28+s2], $0x20, $0x38;
	[tilespmem:$0x18180] =	vst v63  }
0x54: {  	_ =	swait.ge [sflag:s8], $0x20  }
0x55: {  	[sflag:s8] =	ssyncset.done $0x0  }
0x56: {  	[sflag:s8] =	ssyncadd.s32 $0xFFFFFFE0  }
0x57: {  	v3 =	vld [tilespmem:$0x8080];
	_ =	sdelay $0x4  }
0x58: {  	v50 =	vshll.u32 v3, $0x3  }
0x59: {  	v3 =	vand.u32 $0x7, v3;
	v4 =	vand.u32 $0xFFFFFFC0, v50  }
0x5a: {  	v3 =	vor.u32 v3, v4  }
0x5b: {  	v4 =	vperm.xlane v3, v0;
	_ =	sdelay $0x1  }
0x5c: {  	v4 =	vadd.s32 v1, v4;
	_ =	sdelay $0x4  }
0x5d: {  	[tilespmem:s9], [sflag:$0x3] =	stream.indirect_vreg.gather [hbm4b:s3+s2], $0x80, v4, vm0, $0xb8;
	[tilespmem:$0x18180] =	vst v63  }
0x5e: {  	s10 =	simm.s32 $0x8900;
	v3 =	vperm.xlane v3, v2  }
0x5f: {  	[tilespmem:s10], [sflag:$0x3] =	stream.indirect_vreg.gather [hbm4b:s4+s2], $0x80, v4, vm0, $0xb8;
	[tilespmem:$0x18180] =	vst v63  }
0x60: {  	s28 =	simm.s32 $0x9100;
	v3 =	vadd.s32 v1, v3  }
0x61: {  	[tilespmem:s28], [sflag:$0x3] =	stream.indirect_vreg.gather [hbm4b:s5+s2], $0x80, v4, vm0, $0xb8;
	[tilespmem:$0x18180] =	vst v63  }
0x62: {  	s29 =	simm.s32 $0x9900  }
0x63: {  	[tilespmem:s29], [sflag:$0x3] =	stream.indirect_vreg.gather [hbm4b:s6+s2], $0x80, v4, vm0, $0xb8;
	[tilespmem:$0x18180] =	vst v63  }
0x64: {  	s10 =	simm.s32 $0xA100  }
0x65: {  	[tilespmem:s10], [sflag:$0x3] =	stream.indirect_vreg.gather [hbm4b:s3+s2], $0x80, v3, vm0, $0xb8;
	[tilespmem:$0x18180] =	vst v63  }
0x66: {  	s28 =	simm.s32 $0xA900  }
0x67: {  	[tilespmem:s28], [sflag:$0x3] =	stream.indirect_vreg.gather [hbm4b:s4+s2], $0x80, v3, vm0, $0xb8;
	[tilespmem:$0x18180] =	vst v63  }
0x68: {  	s29 =	simm.s32 $0xB100  }
0x69: {  	[tilespmem:s29], [sflag:$0x3] =	stream.indirect_vreg.gather [hbm4b:s5+s2], $0x80, v3, vm0, $0xb8;
	[tilespmem:$0x18180] =	vst v63  }
0x6a: {  	s10 =	simm.s32 $0xB900  }
0x6b: {  	[tilespmem:s10], [sflag:$0x3] =	stream.indirect_vreg.gather [hbm4b:s6+s2], $0x80, v3, vm0, $0xb8;
	[tilespmem:$0x18180] =	vst v63  }
0x6c: {  	v3 =	vld [tilespmem:$0x8090];
	_ =	sdelay $0x4  }
0x6d: {  	v51 =	vshll.u32 v3, $0x3  }
0x6e: {  	v3 =	vand.u32 $0x7, v3;
	v4 =	vand.u32 $0xFFFFFFC0, v51  }
0x6f: {  	v3 =	vor.u32 v3, v4  }
0x70: {  	v4 =	vperm.xlane v3, v0;
	_ =	sdelay $0x1  }
0x71: {  	v4 =	vadd.s32 v1, v4;
	_ =	sdelay $0x3  }
0x72: {  	s28 =	simm.s32 $0xC100  }
0x73: {  	[tilespmem:s28], [sflag:$0x3] =	stream.indirect_vreg.gather [hbm4b:s3+s2], $0x80, v4, vm0, $0xb8;
	[tilespmem:$0x18180] =	vst v63  }
0x74: {  	s29 =	simm.s32 $0xC900;
	v3 =	vperm.xlane v3, v2  }
0x75: {  	[tilespmem:s29], [sflag:$0x3] =	stream.indirect_vreg.gather [hbm4b:s4+s2], $0x80, v4, vm0, $0xb8;
	[tilespmem:$0x18180] =	vst v63  }
0x76: {  	s10 =	simm.s32 $0xD100;
	v3 =	vadd.s32 v1, v3  }
0x77: {  	[tilespmem:s10], [sflag:$0x3] =	stream.indirect_vreg.gather [hbm4b:s5+s2], $0x80, v4, vm0, $0xb8;
	[tilespmem:$0x18180] =	vst v63  }
0x78: {  	s28 =	simm.s32 $0xD900  }
0x79: {  	[tilespmem:s28], [sflag:$0x3] =	stream.indirect_vreg.gather [hbm4b:s6+s2], $0x80, v4, vm0, $0xb8;
	[tilespmem:$0x18180] =	vst v63  }
0x7a: {  	s29 =	simm.s32 $0xE100  }
0x7b: {  	[tilespmem:s29], [sflag:$0x3] =	stream.indirect_vreg.gather [hbm4b:s3+s2], $0x80, v3, vm0, $0xb8;
	[tilespmem:$0x18180] =	vst v63  }
0x7c: {  	s10 =	simm.s32 $0xE900  }
0x7d: {  	[tilespmem:s10], [sflag:$0x3] =	stream.indirect_vreg.gather [hbm4b:s4+s2], $0x80, v3, vm0, $0xb8;
	[tilespmem:$0x18180] =	vst v63  }
0x7e: {  	s28 =	simm.s32 $0xF100  }
0x7f: {  	[tilespmem:s28], [sflag:$0x3] =	stream.indirect_vreg.gather [hbm4b:s5+s2], $0x80, v3, vm0, $0xb8;
	[tilespmem:$0x18180] =	vst v63  }
0x80: {  	s29 =	simm.s32 $0xF900  }
0x81: {  	[tilespmem:s29], [sflag:$0x3] =	stream.indirect_vreg.gather [hbm4b:s6+s2], $0x80, v3, vm0, $0xb8;
	[tilespmem:$0x18180] =	vst v63  }
0x82: {  	_ =	swait.ge [sflag:s19], $0x8000  }
0x83: {  	[sflag:s19] =	ssyncset.done $0x0  }
0x84: {  	s10 =	rddreg [dreg:$0x5];
	[sflag:s19] =	ssyncadd.s32 $0xFFFF8000  }
0x85: {  	[hbm4b:s10+s2] =	stream.linear.scatter [tilespmem:s26], [sflag:$0x2], $0x8000, $0x38;
	[tilespmem:$0x18180] =	vst v63  }
0x86: {  	s28 =	simm.s32 $0x10100;
	s29 =	rddreg [dreg:$0x6]  }
0x87: {  	[tilespmem:s28], [sflag:$0x7] =	stream.linear.gather [hbm4b:s29+s2], $0x20, $0x38;
	[tilespmem:$0x18180] =	vst v63  }
0x88: {  	_ =	swait.ge [sflag:s8], $0x20  }
0x89: {  	[sflag:s8] =	ssyncset.done $0x0  }
0x8a: {  	[sflag:s8] =	ssyncadd.s32 $0xFFFFFFE0  }
0x8b: {  	v3 =	vld [tilespmem:$0x10100];
	_ =	sdelay $0x4  }
0x8c: {  	v52 =	vshll.u32 v3, $0x3  }
0x8d: {  	v3 =	vand.u32 $0x7, v3;
	v4 =	vand.u32 $0xFFFFFFC0, v52  }
0x8e: {  	v3 =	vor.u32 v3, v4  }
0x8f: {  	v4 =	vperm.xlane v3, v0;
	_ =	sdelay $0x1  }
0x90: {  	v4 =	vadd.s32 v1, v4;
	_ =	sdelay $0x3  }
0x91: {  	s29 =	simm.s32 $0x10180  }
0x92: {  	[tilespmem:s29], [sflag:$0x5] =	stream.indirect_vreg.gather [hbm4b:s3+s2], $0x80, v4, vm0, $0xb8;
	[tilespmem:$0x18180] =	vst v63  }
0x93: {  	s10 =	simm.s32 $0x10980;
	v3 =	vperm.xlane v3, v2  }
0x94: {  	[tilespmem:s10], [sflag:$0x5] =	stream.indirect_vreg.gather [hbm4b:s4+s2], $0x80, v4, vm0, $0xb8;
	[tilespmem:$0x18180] =	vst v63  }
0x95: {  	s28 =	simm.s32 $0x11180;
	v3 =	vadd.s32 v1, v3  }
0x96: {  	[tilespmem:s28], [sflag:$0x5] =	stream.indirect_vreg.gather [hbm4b:s5+s2], $0x80, v4, vm0, $0xb8;
	[tilespmem:$0x18180] =	vst v63  }
0x97: {  	_ = 	snop  }
0x98: {  	[tilespmem:s11], [sflag:$0x5] =	stream.indirect_vreg.gather [hbm4b:s6+s2], $0x80, v4, vm0, $0xb8;
	[tilespmem:$0x18180] =	vst v63  }
0x99: {  	_ = 	snop  }
0x9a: {  	[tilespmem:s12], [sflag:$0x5] =	stream.indirect_vreg.gather [hbm4b:s3+s2], $0x80, v3, vm0, $0xb8;
	[tilespmem:$0x18180] =	vst v63  }
0x9b: {  	_ = 	snop  }
0x9c: {  	[tilespmem:s13], [sflag:$0x5] =	stream.indirect_vreg.gather [hbm4b:s4+s2], $0x80, v3, vm0, $0xb8;
	[tilespmem:$0x18180] =	vst v63  }
0x9d: {  	_ = 	snop  }
0x9e: {  	[tilespmem:s14], [sflag:$0x5] =	stream.indirect_vreg.gather [hbm4b:s5+s2], $0x80, v3, vm0, $0xb8;
	[tilespmem:$0x18180] =	vst v63  }
0x9f: {  	_ = 	snop  }
0xa0: {  	[tilespmem:s15], [sflag:$0x5] =	stream.indirect_vreg.gather [hbm4b:s6+s2], $0x80, v3, vm0, $0xb8;
	[tilespmem:$0x18180] =	vst v63  }
0xa1: {  	v3 =	vld [tilespmem:$0x10110];
	_ =	sdelay $0x4  }
0xa2: {  	v53 =	vshll.u32 v3, $0x3  }
0xa3: {  	v3 =	vand.u32 $0x7, v3;
	v4 =	vand.u32 $0xFFFFFFC0, v53  }
0xa4: {  	v3 =	vor.u32 v3, v4  }
0xa5: {  	v4 =	vperm.xlane v3, v0;
	_ =	sdelay $0x1  }
0xa6: {  	v4 =	vadd.s32 v1, v4;
	_ =	sdelay $0x4  }
0xa7: {  	[tilespmem:s16], [sflag:$0x5] =	stream.indirect_vreg.gather [hbm4b:s3+s2], $0x80, v4, vm0, $0xb8;
	[tilespmem:$0x18180] =	vst v63  }
0xa8: {  	v3 =	vperm.xlane v3, v2  }
0xa9: {  	[tilespmem:s17], [sflag:$0x5] =	stream.indirect_vreg.gather [hbm4b:s4+s2], $0x80, v4, vm0, $0xb8;
	[tilespmem:$0x18180] =	vst v63  }
0xaa: {  	v3 =	vadd.s32 v1, v3  }
0xab: {  	[tilespmem:s18], [sflag:$0x5] =	stream.indirect_vreg.gather [hbm4b:s5+s2], $0x80, v4, vm0, $0xb8;
	[tilespmem:$0x18180] =	vst v63  }
0xac: {  	_ = 	snop  }
0xad: {  	[tilespmem:s20], [sflag:$0x5] =	stream.indirect_vreg.gather [hbm4b:s6+s2], $0x80, v4, vm0, $0xb8;
	[tilespmem:$0x18180] =	vst v63  }
0xae: {  	_ = 	snop  }
0xaf: {  	[tilespmem:s23], [sflag:$0x5] =	stream.indirect_vreg.gather [hbm4b:s3+s2], $0x80, v3, vm0, $0xb8;
	[tilespmem:$0x18180] =	vst v63  }
0xb0: {  	_ = 	snop  }
0xb1: {  	[tilespmem:s31], [sflag:$0x5] =	stream.indirect_vreg.gather [hbm4b:s4+s2], $0x80, v3, vm0, $0xb8;
	[tilespmem:$0x18180] =	vst v63  }
0xb2: {  	_ = 	snop  }
0xb3: {  	[tilespmem:s30], [sflag:$0x5] =	stream.indirect_vreg.gather [hbm4b:s5+s2], $0x80, v3, vm0, $0xb8;
	[tilespmem:$0x18180] =	vst v63  }
0xb4: {  	_ = 	snop  }
0xb5: {  	[tilespmem:s25], [sflag:$0x5] =	stream.indirect_vreg.gather [hbm4b:s6+s2], $0x80, v3, vm0, $0xb8;
	[tilespmem:$0x18180] =	vst v63  }
0xb6: {  	_ =	swait.ge [sflag:s21], $0x8000  }
0xb7: {  	[sflag:s21] =	ssyncset.done $0x0  }
0xb8: {  	s10 =	rddreg [dreg:$0x7];
	[sflag:s21] =	ssyncadd.s32 $0xFFFF8000  }
0xb9: {  	[hbm4b:s10+s2] =	stream.linear.scatter [tilespmem:s9], [sflag:$0x4], $0x8000, $0x38;
	[tilespmem:$0x18180] =	vst v63  }
0xba: {  	_ =	swait.ge [sflag:s22], $0x8000  }
0xbb: {  	[sflag:s22] =	ssyncset.done $0x0  }
0xbc: {  	s0 =	rddreg [dreg:$0x8];
	[sflag:s22] =	ssyncadd.s32 $0xFFFF8000  }
0xbd: {  	[tilespmem:s2], [sflag:$0x7] =	stream.linear.gather [hbm4b:s0+s2], $0x20, $0x38;
	[tilespmem:$0x18180] =	vst v63  }
0xbe: {  	_ =	swait.ge [sflag:s8], $0x20  }
0xbf: {  	[sflag:s8] =	ssyncset.done $0x0  }
0xc0: {  	[sflag:s8] =	ssyncadd.s32 $0xFFFFFFE0  }
0xc1: {  	v3 =	vld [tilespmem:$0x0];
	_ =	sdelay $0x4  }
0xc2: {  	v54 =	vshll.u32 v3, $0x3  }
0xc3: {  	v3 =	vand.u32 $0x7, v3;
	v4 =	vand.u32 $0xFFFFFFC0, v54  }
0xc4: {  	v3 =	vor.u32 v3, v4  }
0xc5: {  	v4 =	vperm.xlane v3, v0;
	_ =	sdelay $0x1  }
0xc6: {  	v4 =	vadd.s32 v1, v4;
	_ =	sdelay $0x4  }
0xc7: {  	[tilespmem:s26], [sflag:$0x1] =	stream.indirect_vreg.gather [hbm4b:s3+s2], $0x80, v4, vm0, $0xb8;
	[tilespmem:$0x18180] =	vst v63  }
0xc8: {  	s10 =	simm.s32 $0x880;
	v3 =	vperm.xlane v3, v2  }
0xc9: {  	[tilespmem:s10], [sflag:$0x1] =	stream.indirect_vreg.gather [hbm4b:s4+s2], $0x80, v4, vm0, $0xb8;
	[tilespmem:$0x18180] =	vst v63  }
0xca: {  	s28 =	simm.s32 $0x1080;
	v3 =	vadd.s32 v1, v3  }
0xcb: {  	[tilespmem:s28], [sflag:$0x1] =	stream.indirect_vreg.gather [hbm4b:s5+s2], $0x80, v4, vm0, $0xb8;
	[tilespmem:$0x18180] =	vst v63  }
0xcc: {  	s10 =	simm.s32 $0x1880  }
0xcd: {  	[tilespmem:s10], [sflag:$0x1] =	stream.indirect_vreg.gather [hbm4b:s6+s2], $0x80, v4, vm0, $0xb8;
	[tilespmem:$0x18180] =	vst v63  }
0xce: {  	s28 =	simm.s32 $0x2080  }
0xcf: {  	[tilespmem:s28], [sflag:$0x1] =	stream.indirect_vreg.gather [hbm4b:s3+s2], $0x80, v3, vm0, $0xb8;
	[tilespmem:$0x18180] =	vst v63  }
0xd0: {  	s10 =	simm.s32 $0x2880  }
0xd1: {  	[tilespmem:s10], [sflag:$0x1] =	stream.indirect_vreg.gather [hbm4b:s4+s2], $0x80, v3, vm0, $0xb8;
	[tilespmem:$0x18180] =	vst v63  }
0xd2: {  	s28 =	simm.s32 $0x3080  }
0xd3: {  	[tilespmem:s28], [sflag:$0x1] =	stream.indirect_vreg.gather [hbm4b:s5+s2], $0x80, v3, vm0, $0xb8;
	[tilespmem:$0x18180] =	vst v63  }
0xd4: {  	s10 =	simm.s32 $0x3880  }
0xd5: {  	[tilespmem:s10], [sflag:$0x1] =	stream.indirect_vreg.gather [hbm4b:s6+s2], $0x80, v3, vm0, $0xb8;
	[tilespmem:$0x18180] =	vst v63  }
0xd6: {  	v3 =	vld [tilespmem:$0x10];
	_ =	sdelay $0x4  }
0xd7: {  	v55 =	vshll.u32 v3, $0x3  }
0xd8: {  	v3 =	vand.u32 $0x7, v3;
	v4 =	vand.u32 $0xFFFFFFC0, v55  }
0xd9: {  	v3 =	vor.u32 v3, v4  }
0xda: {  	v4 =	vperm.xlane v3, v0;
	_ =	sdelay $0x1  }
0xdb: {  	v4 =	vadd.s32 v1, v4;
	_ =	sdelay $0x3  }
0xdc: {  	s28 =	simm.s32 $0x4080  }
0xdd: {  	[tilespmem:s28], [sflag:$0x1] =	stream.indirect_vreg.gather [hbm4b:s3+s2], $0x80, v4, vm0, $0xb8;
	[tilespmem:$0x18180] =	vst v63  }
0xde: {  	s10 =	simm.s32 $0x4880;
	v3 =	vperm.xlane v3, v2  }
0xdf: {  	[tilespmem:s10], [sflag:$0x1] =	stream.indirect_vreg.gather [hbm4b:s4+s2], $0x80, v4, vm0, $0xb8;
	[tilespmem:$0x18180] =	vst v63  }
0xe0: {  	v3 =	vadd.s32 v1, v3;
	s28 =	simm.s32 $0x5080  }
0xe1: {  	[tilespmem:s28], [sflag:$0x1] =	stream.indirect_vreg.gather [hbm4b:s5+s2], $0x80, v4, vm0, $0xb8;
	[tilespmem:$0x18180] =	vst v63  }
0xe2: {  	s10 =	simm.s32 $0x5880  }
0xe3: {  	[tilespmem:s10], [sflag:$0x1] =	stream.indirect_vreg.gather [hbm4b:s6+s2], $0x80, v4, vm0, $0xb8;
	[tilespmem:$0x18180] =	vst v63  }
0xe4: {  	s28 =	simm.s32 $0x6080  }
0xe5: {  	[tilespmem:s28], [sflag:$0x1] =	stream.indirect_vreg.gather [hbm4b:s3+s2], $0x80, v3, vm0, $0xb8;
	[tilespmem:$0x18180] =	vst v63  }
0xe6: {  	s10 =	simm.s32 $0x6880  }
0xe7: {  	[tilespmem:s10], [sflag:$0x1] =	stream.indirect_vreg.gather [hbm4b:s4+s2], $0x80, v3, vm0, $0xb8;
	[tilespmem:$0x18180] =	vst v63  }
0xe8: {  	s28 =	simm.s32 $0x7080  }
0xe9: {  	[tilespmem:s28], [sflag:$0x1] =	stream.indirect_vreg.gather [hbm4b:s5+s2], $0x80, v3, vm0, $0xb8;
	[tilespmem:$0x18180] =	vst v63  }
0xea: {  	s1 =	simm.s32 $0x7880;
	s0 =	simm.s32 $0x5  }
0xeb: {  	[tilespmem:s1], [sflag:$0x1] =	stream.indirect_vreg.gather [hbm4b:s6+s2], $0x80, v3, vm0, $0xb8;
	[tilespmem:$0x18180] =	vst v63  }
0xec: {  	_ =	swait.ge [sflag:s0], $0x8000  }
0xed: {  	[sflag:s0] =	ssyncset.done $0x0  }
0xee: {  	s10 =	rddreg [dreg:$0x9];
	[sflag:s0] =	ssyncadd.s32 $0xFFFF8000  }
0xef: {  	[hbm4b:s10+s2] =	stream.linear.scatter [tilespmem:s29], [sflag:$0x6], $0x8000, $0x38;
	[tilespmem:$0x18180] =	vst v63  }
0xf0: {  	_ =	swait.ge [sflag:s24], $0x8000  }
0xf1: {  	[sflag:s24] =	ssyncset.done $0x0  }
0xf2: {  	s10 =	simm.s32 $0x8080;
	s1 =	rddreg [dreg:$0xa];
	[sflag:s24] =	ssyncadd.s32 $0xFFFF8000  }
0xf3: {  	[tilespmem:s10], [sflag:$0x7] =	stream.linear.gather [hbm4b:s1+s2], $0x20, $0x38;
	[tilespmem:$0x18180] =	vst v63  }
0xf4: {  	_ =	swait.ge [sflag:s8], $0x20  }
0xf5: {  	[sflag:s8] =	ssyncset.done $0x0  }
0xf6: {  	[sflag:s8] =	ssyncadd.s32 $0xFFFFFFE0  }
0xf7: {  	v3 =	vld [tilespmem:$0x8080];
	_ =	sdelay $0x4  }
0xf8: {  	v56 =	vshll.u32 v3, $0x3  }
0xf9: {  	v3 =	vand.u32 $0x7, v3;
	v4 =	vand.u32 $0xFFFFFFC0, v56  }
0xfa: {  	v3 =	vor.u32 v3, v4  }
0xfb: {  	v4 =	vperm.xlane v3, v0;
	_ =	sdelay $0x1  }
0xfc: {  	v4 =	vadd.s32 v1, v4;
	_ =	sdelay $0x4  }
0xfd: {  	[tilespmem:s9], [sflag:$0x3] =	stream.indirect_vreg.gather [hbm4b:s3+s2], $0x80, v4, vm0, $0xb8;
	[tilespmem:$0x18180] =	vst v63  }
0xfe: {  	s28 =	simm.s32 $0x8900;
	v3 =	vperm.xlane v3, v2  }
0xff: {  	[tilespmem:s28], [sflag:$0x3] =	stream.indirect_vreg.gather [hbm4b:s4+s2], $0x80, v4, vm0, $0xb8;
	[tilespmem:$0x18180] =	vst v63  }
0x100: {  	s10 =	simm.s32 $0x9100;
	v3 =	vadd.s32 v1, v3  }
0x101: {  	[tilespmem:s10], [sflag:$0x3] =	stream.indirect_vreg.gather [hbm4b:s5+s2], $0x80, v4, vm0, $0xb8;
	[tilespmem:$0x18180] =	vst v63  }
0x102: {  	s28 =	simm.s32 $0x9900  }
0x103: {  	[tilespmem:s28], [sflag:$0x3] =	stream.indirect_vreg.gather [hbm4b:s6+s2], $0x80, v4, vm0, $0xb8;
	[tilespmem:$0x18180] =	vst v63  }
0x104: {  	s10 =	simm.s32 $0xA100  }
0x105: {  	[tilespmem:s10], [sflag:$0x3] =	stream.indirect_vreg.gather [hbm4b:s3+s2], $0x80, v3, vm0, $0xb8;
	[tilespmem:$0x18180] =	vst v63  }
0x106: {  	s28 =	simm.s32 $0xA900  }
0x107: {  	[tilespmem:s28], [sflag:$0x3] =	stream.indirect_vreg.gather [hbm4b:s4+s2], $0x80, v3, vm0, $0xb8;
	[tilespmem:$0x18180] =	vst v63  }
0x108: {  	s10 =	simm.s32 $0xB100  }
0x109: {  	[tilespmem:s10], [sflag:$0x3] =	stream.indirect_vreg.gather [hbm4b:s5+s2], $0x80, v3, vm0, $0xb8;
	[tilespmem:$0x18180] =	vst v63  }
0x10a: {  	s28 =	simm.s32 $0xB900  }
0x10b: {  	[tilespmem:s28], [sflag:$0x3] =	stream.indirect_vreg.gather [hbm4b:s6+s2], $0x80, v3, vm0, $0xb8;
	[tilespmem:$0x18180] =	vst v63  }
0x10c: {  	v3 =	vld [tilespmem:$0x8090];
	_ =	sdelay $0x4  }
0x10d: {  	v57 =	vshll.u32 v3, $0x3  }
0x10e: {  	v3 =	vand.u32 $0x7, v3;
	v4 =	vand.u32 $0xFFFFFFC0, v57  }
0x10f: {  	v3 =	vor.u32 v3, v4  }
0x110: {  	v4 =	vperm.xlane v3, v0;
	_ =	sdelay $0x1  }
0x111: {  	v4 =	vadd.s32 v1, v4;
	_ =	sdelay $0x3  }
0x112: {  	s10 =	simm.s32 $0xC100  }
0x113: {  	[tilespmem:s10], [sflag:$0x3] =	stream.indirect_vreg.gather [hbm4b:s3+s2], $0x80, v4, vm0, $0xb8;
	[tilespmem:$0x18180] =	vst v63  }
0x114: {  	s28 =	simm.s32 $0xC900;
	v3 =	vperm.xlane v3, v2  }
0x115: {  	[tilespmem:s28], [sflag:$0x3] =	stream.indirect_vreg.gather [hbm4b:s4+s2], $0x80, v4, vm0, $0xb8;
	[tilespmem:$0x18180] =	vst v63  }
0x116: {  	v3 =	vadd.s32 v1, v3;
	s10 =	simm.s32 $0xD100  }
0x117: {  	[tilespmem:s10], [sflag:$0x3] =	stream.indirect_vreg.gather [hbm4b:s5+s2], $0x80, v4, vm0, $0xb8;
	[tilespmem:$0x18180] =	vst v63  }
0x118: {  	s28 =	simm.s32 $0xD900  }
0x119: {  	[tilespmem:s28], [sflag:$0x3] =	stream.indirect_vreg.gather [hbm4b:s6+s2], $0x80, v4, vm0, $0xb8;
	[tilespmem:$0x18180] =	vst v63  }
0x11a: {  	s10 =	simm.s32 $0xE100  }
0x11b: {  	[tilespmem:s10], [sflag:$0x3] =	stream.indirect_vreg.gather [hbm4b:s3+s2], $0x80, v3, vm0, $0xb8;
	[tilespmem:$0x18180] =	vst v63  }
0x11c: {  	s28 =	simm.s32 $0xE900  }
0x11d: {  	[tilespmem:s28], [sflag:$0x3] =	stream.indirect_vreg.gather [hbm4b:s4+s2], $0x80, v3, vm0, $0xb8;
	[tilespmem:$0x18180] =	vst v63  }
0x11e: {  	s10 =	simm.s32 $0xF100  }
0x11f: {  	[tilespmem:s10], [sflag:$0x3] =	stream.indirect_vreg.gather [hbm4b:s5+s2], $0x80, v3, vm0, $0xb8;
	[tilespmem:$0x18180] =	vst v63  }
0x120: {  	s28 =	simm.s32 $0xF900  }
0x121: {  	[tilespmem:s28], [sflag:$0x3] =	stream.indirect_vreg.gather [hbm4b:s6+s2], $0x80, v3, vm0, $0xb8;
	[tilespmem:$0x18180] =	vst v63  }
0x122: {  	_ =	swait.ge [sflag:s19], $0x8000  }
0x123: {  	[sflag:s19] =	ssyncset.done $0x0  }
0x124: {  	s1 =	simm.s32 $0x6;
	s10 =	rddreg [dreg:$0xb];
	[sflag:s19] =	ssyncadd.s32 $0xFFFF8000  }
0x125: {  	[hbm4b:s10+s2] =	stream.linear.scatter [tilespmem:s26], [sflag:$0x2], $0x8000, $0x38;
	[tilespmem:$0x18180] =	vst v63  }
0x126: {  	_ =	swait.ge [sflag:s1], $0x8000  }
0x127: {  	[sflag:s1] =	ssyncset.done $0x0  }
0x128: {  	s10 =	simm.s32 $0x10100;
	s28 =	rddreg [dreg:$0xc];
	[sflag:s1] =	ssyncadd.s32 $0xFFFF8000  }
0x129: {  	[tilespmem:s10], [sflag:$0x7] =	stream.linear.gather [hbm4b:s28+s2], $0x20, $0x38;
	[tilespmem:$0x18180] =	vst v63  }
0x12a: {  	_ =	swait.ge [sflag:s8], $0x20  }
0x12b: {  	[sflag:s8] =	ssyncset.done $0x0  }
0x12c: {  	[sflag:s8] =	ssyncadd.s32 $0xFFFFFFE0  }
0x12d: {  	v3 =	vld [tilespmem:$0x10100];
	_ =	sdelay $0x4  }
0x12e: {  	v58 =	vshll.u32 v3, $0x3  }
0x12f: {  	v3 =	vand.u32 $0x7, v3;
	v4 =	vand.u32 $0xFFFFFFC0, v58  }
0x130: {  	v3 =	vor.u32 v3, v4  }
0x131: {  	v4 =	vperm.xlane v3, v0;
	_ =	sdelay $0x1  }
0x132: {  	v4 =	vadd.s32 v1, v4;
	_ =	sdelay $0x4  }
0x133: {  	[tilespmem:s29], [sflag:$0x5] =	stream.indirect_vreg.gather [hbm4b:s3+s2], $0x80, v4, vm0, $0xb8;
	[tilespmem:$0x18180] =	vst v63  }
0x134: {  	s28 =	simm.s32 $0x10980;
	v3 =	vperm.xlane v3, v2  }
0x135: {  	[tilespmem:s28], [sflag:$0x5] =	stream.indirect_vreg.gather [hbm4b:s4+s2], $0x80, v4, vm0, $0xb8;
	[tilespmem:$0x18180] =	vst v63  }
0x136: {  	v3 =	vadd.s32 v1, v3;
	s28 =	simm.s32 $0x11180  }
0x137: {  	[tilespmem:s28], [sflag:$0x5] =	stream.indirect_vreg.gather [hbm4b:s5+s2], $0x80, v4, vm0, $0xb8;
	[tilespmem:$0x18180] =	vst v63  }
0x138: {  	_ = 	snop  }
0x139: {  	[tilespmem:s11], [sflag:$0x5] =	stream.indirect_vreg.gather [hbm4b:s6+s2], $0x80, v4, vm0, $0xb8;
	[tilespmem:$0x18180] =	vst v63  }
0x13a: {  	_ = 	snop  }
0x13b: {  	[tilespmem:s12], [sflag:$0x5] =	stream.indirect_vreg.gather [hbm4b:s3+s2], $0x80, v3, vm0, $0xb8;
	[tilespmem:$0x18180] =	vst v63  }
0x13c: {  	_ = 	snop  }
0x13d: {  	[tilespmem:s13], [sflag:$0x5] =	stream.indirect_vreg.gather [hbm4b:s4+s2], $0x80, v3, vm0, $0xb8;
	[tilespmem:$0x18180] =	vst v63  }
0x13e: {  	_ = 	snop  }
0x13f: {  	[tilespmem:s14], [sflag:$0x5] =	stream.indirect_vreg.gather [hbm4b:s5+s2], $0x80, v3, vm0, $0xb8;
	[tilespmem:$0x18180] =	vst v63  }
0x140: {  	_ = 	snop  }
0x141: {  	[tilespmem:s15], [sflag:$0x5] =	stream.indirect_vreg.gather [hbm4b:s6+s2], $0x80, v3, vm0, $0xb8;
	[tilespmem:$0x18180] =	vst v63  }
0x142: {  	v3 =	vld [tilespmem:$0x10110];
	_ =	sdelay $0x4  }
0x143: {  	v59 =	vshll.u32 v3, $0x3  }
0x144: {  	v3 =	vand.u32 $0x7, v3;
	v4 =	vand.u32 $0xFFFFFFC0, v59  }
0x145: {  	v3 =	vor.u32 v3, v4  }
0x146: {  	v4 =	vperm.xlane v3, v0;
	_ =	sdelay $0x1  }
0x147: {  	v4 =	vadd.s32 v1, v4;
	_ =	sdelay $0x4  }
0x148: {  	[tilespmem:s16], [sflag:$0x5] =	stream.indirect_vreg.gather [hbm4b:s3+s2], $0x80, v4, vm0, $0xb8;
	[tilespmem:$0x18180] =	vst v63  }
0x149: {  	v3 =	vperm.xlane v3, v2  }
0x14a: {  	[tilespmem:s17], [sflag:$0x5] =	stream.indirect_vreg.gather [hbm4b:s4+s2], $0x80, v4, vm0, $0xb8;
	[tilespmem:$0x18180] =	vst v63  }
0x14b: {  	v3 =	vadd.s32 v1, v3  }
0x14c: {  	[tilespmem:s18], [sflag:$0x5] =	stream.indirect_vreg.gather [hbm4b:s5+s2], $0x80, v4, vm0, $0xb8;
	[tilespmem:$0x18180] =	vst v63  }
0x14d: {  	_ = 	snop  }
0x14e: {  	[tilespmem:s20], [sflag:$0x5] =	stream.indirect_vreg.gather [hbm4b:s6+s2], $0x80, v4, vm0, $0xb8;
	[tilespmem:$0x18180] =	vst v63  }
0x14f: {  	_ = 	snop  }
0x150: {  	[tilespmem:s23], [sflag:$0x5] =	stream.indirect_vreg.gather [hbm4b:s3+s2], $0x80, v3, vm0, $0xb8;
	[tilespmem:$0x18180] =	vst v63  }
0x151: {  	_ = 	snop  }
0x152: {  	[tilespmem:s31], [sflag:$0x5] =	stream.indirect_vreg.gather [hbm4b:s4+s2], $0x80, v3, vm0, $0xb8;
	[tilespmem:$0x18180] =	vst v63  }
0x153: {  	_ = 	snop  }
0x154: {  	[tilespmem:s30], [sflag:$0x5] =	stream.indirect_vreg.gather [hbm4b:s5+s2], $0x80, v3, vm0, $0xb8;
	[tilespmem:$0x18180] =	vst v63  }
0x155: {  	_ = 	snop  }
0x156: {  	[tilespmem:s25], [sflag:$0x5] =	stream.indirect_vreg.gather [hbm4b:s6+s2], $0x80, v3, vm0, $0xb8;
	[tilespmem:$0x18180] =	vst v63  }
0x157: {  	_ =	swait.ge [sflag:s21], $0x8000  }
0x158: {  	[sflag:s21] =	ssyncset.done $0x0  }
0x159: {  	s10 =	rddreg [dreg:$0xd];
	[sflag:s21] =	ssyncadd.s32 $0xFFFF8000  }
0x15a: {  	[hbm4b:s10+s2] =	stream.linear.scatter [tilespmem:s9], [sflag:$0x4], $0x8000, $0x38;
	[tilespmem:$0x18180] =	vst v63  }
0x15b: {  	_ =	swait.ge [sflag:s22], $0x8000  }
0x15c: {  	[sflag:s22] =	ssyncset.done $0x0  }
0x15d: {  	s10 =	rddreg [dreg:$0xe];
	[sflag:s22] =	ssyncadd.s32 $0xFFFF8000  }
0x15e: {  	[tilespmem:s2], [sflag:$0x7] =	stream.linear.gather [hbm4b:s10+s2], $0x20, $0x38;
	[tilespmem:$0x18180] =	vst v63  }
0x15f: {  	_ =	swait.ge [sflag:s8], $0x20  }
0x160: {  	[sflag:s8] =	ssyncset.done $0x0  }
0x161: {  	[sflag:s8] =	ssyncadd.s32 $0xFFFFFFE0  }
0x162: {  	v3 =	vld [tilespmem:$0x0];
	_ =	sdelay $0x4  }
0x163: {  	v60 =	vshll.u32 v3, $0x3  }
0x164: {  	v3 =	vand.u32 $0x7, v3;
	v4 =	vand.u32 $0xFFFFFFC0, v60  }
0x165: {  	v3 =	vor.u32 v3, v4  }
0x166: {  	v4 =	vperm.xlane v3, v0;
	_ =	sdelay $0x1  }
0x167: {  	v4 =	vadd.s32 v1, v4;
	_ =	sdelay $0x4  }
0x168: {  	[tilespmem:s26], [sflag:$0x1] =	stream.indirect_vreg.gather [hbm4b:s3+s2], $0x80, v4, vm0, $0xb8;
	[tilespmem:$0x18180] =	vst v63  }
0x169: {  	s28 =	simm.s32 $0x880;
	v3 =	vperm.xlane v3, v2  }
0x16a: {  	[tilespmem:s28], [sflag:$0x1] =	stream.indirect_vreg.gather [hbm4b:s4+s2], $0x80, v4, vm0, $0xb8;
	[tilespmem:$0x18180] =	vst v63  }
0x16b: {  	v3 =	vadd.s32 v1, v3;
	s28 =	simm.s32 $0x1080  }
0x16c: {  	[tilespmem:s28], [sflag:$0x1] =	stream.indirect_vreg.gather [hbm4b:s5+s2], $0x80, v4, vm0, $0xb8;
	[tilespmem:$0x18180] =	vst v63  }
0x16d: {  	s28 =	simm.s32 $0x1880  }
0x16e: {  	[tilespmem:s28], [sflag:$0x1] =	stream.indirect_vreg.gather [hbm4b:s6+s2], $0x80, v4, vm0, $0xb8;
	[tilespmem:$0x18180] =	vst v63  }
0x16f: {  	s28 =	simm.s32 $0x2080  }
0x170: {  	[tilespmem:s28], [sflag:$0x1] =	stream.indirect_vreg.gather [hbm4b:s3+s2], $0x80, v3, vm0, $0xb8;
	[tilespmem:$0x18180] =	vst v63  }
0x171: {  	s28 =	simm.s32 $0x2880  }
0x172: {  	[tilespmem:s28], [sflag:$0x1] =	stream.indirect_vreg.gather [hbm4b:s4+s2], $0x80, v3, vm0, $0xb8;
	[tilespmem:$0x18180] =	vst v63  }
0x173: {  	s28 =	simm.s32 $0x3080  }
0x174: {  	[tilespmem:s28], [sflag:$0x1] =	stream.indirect_vreg.gather [hbm4b:s5+s2], $0x80, v3, vm0, $0xb8;
	[tilespmem:$0x18180] =	vst v63  }
0x175: {  	s28 =	simm.s32 $0x3880  }
0x176: {  	[tilespmem:s28], [sflag:$0x1] =	stream.indirect_vreg.gather [hbm4b:s6+s2], $0x80, v3, vm0, $0xb8;
	[tilespmem:$0x18180] =	vst v63  }
0x177: {  	v3 =	vld [tilespmem:$0x10];
	_ =	sdelay $0x4  }
0x178: {  	v61 =	vshll.u32 v3, $0x3  }
0x179: {  	v3 =	vand.u32 $0x7, v3;
	v4 =	vand.u32 $0xFFFFFFC0, v61  }
0x17a: {  	v3 =	vor.u32 v3, v4  }
0x17b: {  	v4 =	vperm.xlane v3, v0;
	_ =	sdelay $0x1  }
0x17c: {  	v4 =	vadd.s32 v1, v4;
	_ =	sdelay $0x3  }
0x17d: {  	s28 =	simm.s32 $0x4080  }
0x17e: {  	[tilespmem:s28], [sflag:$0x1] =	stream.indirect_vreg.gather [hbm4b:s3+s2], $0x80, v4, vm0, $0xb8;
	[tilespmem:$0x18180] =	vst v63  }
0x17f: {  	v3 =	vperm.xlane v3, v2;
	s28 =	simm.s32 $0x4880  }
0x180: {  	[tilespmem:s28], [sflag:$0x1] =	stream.indirect_vreg.gather [hbm4b:s4+s2], $0x80, v4, vm0, $0xb8;
	[tilespmem:$0x18180] =	vst v63  }
0x181: {  	v3 =	vadd.s32 v1, v3;
	s28 =	simm.s32 $0x5080  }
0x182: {  	[tilespmem:s28], [sflag:$0x1] =	stream.indirect_vreg.gather [hbm4b:s5+s2], $0x80, v4, vm0, $0xb8;
	[tilespmem:$0x18180] =	vst v63  }
0x183: {  	s28 =	simm.s32 $0x5880  }
0x184: {  	[tilespmem:s28], [sflag:$0x1] =	stream.indirect_vreg.gather [hbm4b:s6+s2], $0x80, v4, vm0, $0xb8;
	[tilespmem:$0x18180] =	vst v63  }
0x185: {  	s28 =	simm.s32 $0x6080  }
0x186: {  	[tilespmem:s28], [sflag:$0x1] =	stream.indirect_vreg.gather [hbm4b:s3+s2], $0x80, v3, vm0, $0xb8;
	[tilespmem:$0x18180] =	vst v63  }
0x187: {  	s28 =	simm.s32 $0x6880  }
0x188: {  	[tilespmem:s28], [sflag:$0x1] =	stream.indirect_vreg.gather [hbm4b:s4+s2], $0x80, v3, vm0, $0xb8;
	[tilespmem:$0x18180] =	vst v63  }
0x189: {  	s28 =	simm.s32 $0x7080  }
0x18a: {  	[tilespmem:s28], [sflag:$0x1] =	stream.indirect_vreg.gather [hbm4b:s5+s2], $0x80, v3, vm0, $0xb8;
	[tilespmem:$0x18180] =	vst v63  }
0x18b: {  	s28 =	simm.s32 $0x7880  }
0x18c: {  	[tilespmem:s28], [sflag:$0x1] =	stream.indirect_vreg.gather [hbm4b:s6+s2], $0x80, v3, vm0, $0xb8;
	[tilespmem:$0x18180] =	vst v63  }
0x18d: {  	_ =	swait.ge [sflag:s0], $0x8000  }
0x18e: {  	[sflag:s0] =	ssyncset.done $0x0  }
0x18f: {  	s10 =	rddreg [dreg:$0xf];
	[sflag:s0] =	ssyncadd.s32 $0xFFFF8000  }
0x190: {  	[hbm4b:s10+s2] =	stream.linear.scatter [tilespmem:s29], [sflag:$0x6], $0x8000, $0x38;
	[tilespmem:$0x18180] =	vst v63  }
0x191: {  	_ =	swait.ge [sflag:s24], $0x8000  }
0x192: {  	[sflag:s24] =	ssyncset.done $0x0  }
0x193: {  	s29 =	simm.s32 $0x8080;
	s10 =	rddreg [dreg:$0x10];
	[sflag:s24] =	ssyncadd.s32 $0xFFFF8000  }
0x194: {  	[tilespmem:s29], [sflag:$0x7] =	stream.linear.gather [hbm4b:s10+s2], $0x20, $0x38;
	[tilespmem:$0x18180] =	vst v63  }
0x195: {  	_ =	swait.ge [sflag:s8], $0x20  }
0x196: {  	[sflag:s8] =	ssyncset.done $0x0  }
0x197: {  	[sflag:s8] =	ssyncadd.s32 $0xFFFFFFE0  }
0x198: {  	v3 =	vld [tilespmem:$0x8080];
	_ =	sdelay $0x4  }
0x199: {  	v62 =	vshll.u32 v3, $0x3  }
0x19a: {  	v3 =	vand.u32 $0x7, v3;
	v4 =	vand.u32 $0xFFFFFFC0, v62  }
0x19b: {  	v3 =	vor.u32 v3, v4  }
0x19c: {  	v4 =	vperm.xlane v3, v0;
	_ =	sdelay $0x1  }
0x19d: {  	v4 =	vadd.s32 v1, v4;
	_ =	sdelay $0x4  }
0x19e: {  	[tilespmem:s9], [sflag:$0x3] =	stream.indirect_vreg.gather [hbm4b:s3+s2], $0x80, v4, vm0, $0xb8;
	[tilespmem:$0x18180] =	vst v63  }
0x19f: {  	s10 =	simm.s32 $0x8900;
	v3 =	vperm.xlane v3, v2  }
0x1a0: {  	[tilespmem:s10], [sflag:$0x3] =	stream.indirect_vreg.gather [hbm4b:s4+s2], $0x80, v4, vm0, $0xb8;
	[tilespmem:$0x18180] =	vst v63  }
0x1a1: {  	s28 =	simm.s32 $0x9100;
	v3 =	vadd.s32 v1, v3  }
0x1a2: {  	[tilespmem:s28], [sflag:$0x3] =	stream.indirect_vreg.gather [hbm4b:s5+s2], $0x80, v4, vm0, $0xb8;
	[tilespmem:$0x18180] =	vst v63  }
0x1a3: {  	s29 =	simm.s32 $0x9900  }
0x1a4: {  	[tilespmem:s29], [sflag:$0x3] =	stream.indirect_vreg.gather [hbm4b:s6+s2], $0x80, v4, vm0, $0xb8;
	[tilespmem:$0x18180] =	vst v63  }
0x1a5: {  	s10 =	simm.s32 $0xA100  }
0x1a6: {  	[tilespmem:s10], [sflag:$0x3] =	stream.indirect_vreg.gather [hbm4b:s3+s2], $0x80, v3, vm0, $0xb8;
	[tilespmem:$0x18180] =	vst v63  }
0x1a7: {  	s28 =	simm.s32 $0xA900  }
0x1a8: {  	[tilespmem:s28], [sflag:$0x3] =	stream.indirect_vreg.gather [hbm4b:s4+s2], $0x80, v3, vm0, $0xb8;
	[tilespmem:$0x18180] =	vst v63  }
0x1a9: {  	s29 =	simm.s32 $0xB100  }
0x1aa: {  	[tilespmem:s29], [sflag:$0x3] =	stream.indirect_vreg.gather [hbm4b:s5+s2], $0x80, v3, vm0, $0xb8;
	[tilespmem:$0x18180] =	vst v63  }
0x1ab: {  	s10 =	simm.s32 $0xB900  }
0x1ac: {  	[tilespmem:s10], [sflag:$0x3] =	stream.indirect_vreg.gather [hbm4b:s6+s2], $0x80, v3, vm0, $0xb8;
	[tilespmem:$0x18180] =	vst v63  }
0x1ad: {  	v3 =	vld [tilespmem:$0x8090];
	_ =	sdelay $0x4  }
0x1ae: {  	v63 =	vshll.u32 v3, $0x3  }
0x1af: {  	v3 =	vand.u32 $0x7, v3;
	v4 =	vand.u32 $0xFFFFFFC0, v63  }
0x1b0: {  	v3 =	vor.u32 v3, v4  }
0x1b1: {  	v4 =	vperm.xlane v3, v0;
	_ =	sdelay $0x1  }
0x1b2: {  	v4 =	vadd.s32 v1, v4;
	_ =	sdelay $0x3  }
0x1b3: {  	s28 =	simm.s32 $0xC100  }
0x1b4: {  	[tilespmem:s28], [sflag:$0x3] =	stream.indirect_vreg.gather [hbm4b:s3+s2], $0x80, v4, vm0, $0xb8;
	[tilespmem:$0x18180] =	vst v63  }
0x1b5: {  	s29 =	simm.s32 $0xC900;
	v3 =	vperm.xlane v3, v2  }
0x1b6: {  	[tilespmem:s29], [sflag:$0x3] =	stream.indirect_vreg.gather [hbm4b:s4+s2], $0x80, v4, vm0, $0xb8;
	[tilespmem:$0x18180] =	vst v63  }
0x1b7: {  	s10 =	simm.s32 $0xD100;
	v3 =	vadd.s32 v1, v3  }
0x1b8: {  	[tilespmem:s10], [sflag:$0x3] =	stream.indirect_vreg.gather [hbm4b:s5+s2], $0x80, v4, vm0, $0xb8;
	[tilespmem:$0x18180] =	vst v63  }
0x1b9: {  	s28 =	simm.s32 $0xD900  }
0x1ba: {  	[tilespmem:s28], [sflag:$0x3] =	stream.indirect_vreg.gather [hbm4b:s6+s2], $0x80, v4, vm0, $0xb8;
	[tilespmem:$0x18180] =	vst v63  }
0x1bb: {  	s29 =	simm.s32 $0xE100  }
0x1bc: {  	[tilespmem:s29], [sflag:$0x3] =	stream.indirect_vreg.gather [hbm4b:s3+s2], $0x80, v3, vm0, $0xb8;
	[tilespmem:$0x18180] =	vst v63  }
0x1bd: {  	s10 =	simm.s32 $0xE900  }
0x1be: {  	[tilespmem:s10], [sflag:$0x3] =	stream.indirect_vreg.gather [hbm4b:s4+s2], $0x80, v3, vm0, $0xb8;
	[tilespmem:$0x18180] =	vst v63  }
0x1bf: {  	s28 =	simm.s32 $0xF100  }
0x1c0: {  	[tilespmem:s28], [sflag:$0x3] =	stream.indirect_vreg.gather [hbm4b:s5+s2], $0x80, v3, vm0, $0xb8;
	[tilespmem:$0x18180] =	vst v63  }
0x1c1: {  	s29 =	simm.s32 $0xF900  }
0x1c2: {  	[tilespmem:s29], [sflag:$0x3] =	stream.indirect_vreg.gather [hbm4b:s6+s2], $0x80, v3, vm0, $0xb8;
	[tilespmem:$0x18180] =	vst v63  }
0x1c3: {  	_ =	swait.ge [sflag:s19], $0x8000  }
0x1c4: {  	[sflag:s19] =	ssyncset.done $0x0  }
0x1c5: {  	s10 =	rddreg [dreg:$0x11];
	[sflag:s19] =	ssyncadd.s32 $0xFFFF8000  }
0x1c6: {  	[hbm4b:s10+s2] =	stream.linear.scatter [tilespmem:s26], [sflag:$0x2], $0x8000, $0x38;
	[tilespmem:$0x18180] =	vst v63  }
0x1c7: {  	_ =	swait.ge [sflag:s21], $0x8000  }
0x1c8: {  	[sflag:s21] =	ssyncset.done $0x0  }
0x1c9: {  	s29 =	rddreg [dreg:$0x12];
	[sflag:s21] =	ssyncadd.s32 $0xFFFF8000  }
0x1ca: {  	[hbm4b:s29+s2] =	stream.linear.scatter [tilespmem:s9], [sflag:$0x4], $0x8000, $0x38;
	[tilespmem:$0x18180] =	vst v63  }
0x1cb: {  	_ =	swait.ge [sflag:s22], $0x8000  }
0x1cc: {  	[sflag:s22] =	ssyncset.done $0x0  }
0x1cd: {  	[sflag:s22] =	ssyncadd.s32 $0xFFFF8000  }
0x1ce: {  	p0 =	sne.s32 s7, $0x1;
	_ =	swait.ge [sflag:s24], $0x8000  }
.Ltmp0:
0x1cf: {  	[sflag:s24] =	ssyncset.done $0x0;
	(pc) =	sbr.rel @p0 .LBB2_1-.Ltmp0, $4  }
0x1d0: {  	[sflag:s24] =	ssyncadd.s32 $0xFFFF8000  }
0x1d1: {  	_ =	swait.ge [sflag:s1], $0x8000  }
0x1d2: {  	[sflag:s1] =	ssyncset.done $0x0  }
0x1d3: {  	s7 =	sadd.s32 $0xFFFFFFFF, s7;
	[sflag:s1] =	ssyncadd.s32 $0xFFFF8000  }
0x1d4: {  	_ =	sfence.sel $0x180000  }
0x1d5: {  	[bflag:$0x0] =	sbarrier.arrive $0xFFFF  }
0x1d6: {  	_ =	strace $0x9000004A  }
0x1d7: {  	s0 =	stileid.u32;
	[bflag:$0x2] =	sbarrier.arrive $0xFFFF  }
0x1d8: {  	p0 =	sne.s32 s0, $0x0;
	s0 =	rddreg [dreg:$0x2]  }
0x1d9: {  	s0 =	sadd.s32 @!p0 $0x100000, s0  }
0x1da: {  	[sflag:s0] =	ssyncadd.tile.s32 @!p0 $0x1;
	_ =	shalt  }
.Lfunc_end2:
_tile_overlayer_lowered:
.L_overlay_start_2:
0x1db: {  	(tag) =	ssettag $0x2  }
0x1dc: {  	s0 =	rddreg [dreg:$0x0];
	s2 =	stileid.u32  }
0x1dd: {  	s1 =	rddreg [dreg:$0x1];
	p0 =	sne.s32 s2, $0x0  }
0x1de: {  	s3 =	rddreg [dreg:$0x2];
	[bflag:$0x3] =	sbarrier.arrive $0xFFFF;
	s2 =	simm.s32 @!p0 $0x1C07  }
0x1df: {  	[timem:s3], [sflag:s2] =	dma.local @!p0 [hbm:s0], s1  }
0x1e0: {  	s0 =	simm.s32 @!p0 $0x7  }
0x1e1: {  	_ =	swait.ge @!p0 [sflag:s0], s1  }
0x1e2: {  	s1 =	ssub.s32 @!p0 $0x0, s1;
	[sflag:s0] =	ssyncset.done @!p0 $0x0  }
0x1e3: {  	[sflag:s0] =	ssyncadd.s32 @!p0 s1  }
0x1e4: {  	[bflag:$0x3] =	sbarrier.arrive $0xFFFF  }
0x1e5: {  	_ =	shalt  }

</sc_bundles>
